<compile_context>
chip_gen: v7x
topology: tpu7x:2x2x1
jax: 0.10.2.dev20260603
libtpu: 0.0.44.dev20260713+nightly
codegen_flags: <defaults>
</compile_context>

<pallas_src>
import functools
import jax
import jax.numpy as jnp
from jax import lax
from jax.experimental import pallas as pl
from jax.experimental.pallas import tpu as pltpu
from jax.experimental.pallas import tpu_sc as plsc

B, N, K = 8, 2048, 40
NW = 32
GCH = 128


def _leaky(z):
    return jnp.where(z >= 0, z, 0.2 * z)



@functools.cache
def _make_sc_gather(V, D, R):
    r_per_w = R // NW
    n_iter = r_per_w // GCH
    mesh = plsc.VectorSubcoreMesh(core_axis_name="c", subcore_axis_name="s")

    @functools.partial(
        pl.kernel,
        mesh=mesh,
        out_type=jax.ShapeDtypeStruct((R, D), jnp.float32),
        scratch_types=[
            pltpu.VMEM((2, GCH), jnp.int32),
            pltpu.VMEM((2, GCH, D), jnp.float32),
            pltpu.SemaphoreType.DMA,
            pltpu.SemaphoreType.DMA,
            pltpu.SemaphoreType.DMA,
        ],
    )
    def gather_k(table_hbm, idx_hbm, out_hbm, idx_v, rows_v, semL, semG, semW):
        wid = lax.axis_index("s") * 2 + lax.axis_index("c")
        base = wid * r_per_w

        def fire_load(i):
            pltpu.async_copy(idx_hbm.at[pl.ds(base + i * GCH, GCH)],
                             idx_v.at[lax.rem(i, 2)], semL)

        def fire_gather(i):
            par = lax.rem(i, 2)
            pltpu.async_copy(table_hbm.at[idx_v.at[par]], rows_v.at[par], semG)

        def fire_write(i):
            pltpu.async_copy(rows_v.at[lax.rem(i, 2)],
                             out_hbm.at[pl.ds(base + i * GCH, GCH)], semW)

        def wait(src, dst, sem):
            pltpu.make_async_copy(src, dst, sem).wait()

        fire_load(0)

        def body(i, carry):
            wait(idx_hbm.at[pl.ds(0, GCH)], idx_v.at[0], semL)

            @pl.when(i >= 1)
            def _():
                wait(table_hbm.at[pl.ds(0, GCH)], rows_v.at[0], semG)
                fire_write(i - 1)

            @pl.when(i + 1 < n_iter)
            def _():
                fire_load(i + 1)

            @pl.when(i >= 2)
            def _():
                wait(rows_v.at[0], out_hbm.at[pl.ds(0, GCH)], semW)

            fire_gather(i)
            return carry

        lax.fori_loop(0, n_iter, body, 0)
        wait(table_hbm.at[pl.ds(0, GCH)], rows_v.at[0], semG)
        fire_write(n_iter - 1)
        wait(rows_v.at[0], out_hbm.at[pl.ds(0, GCH)], semW)
        wait(rows_v.at[0], out_hbm.at[pl.ds(0, GCH)], semW)

    return gather_k



def _edgeconv_body(C, BR, g_ref, h_ref, w_ref, b_ref, o_ref):
    Cp = g_ref.shape[1]
    dout = w_ref.shape[0]
    w1 = w_ref[:, :C]
    w2 = w_ref[:, C:]
    if Cp != C:
        zpad = jnp.zeros((dout, Cp - C), jnp.float32)
        w1 = jnp.concatenate([w1, zpad], axis=1)
        w2 = jnp.concatenate([w2, zpad], axis=1)
    hc = h_ref[...]
    g3 = g_ref[...].reshape(BR, K, Cp)
    diff = (g3 - hc[:, None, :]).astype(jnp.bfloat16).reshape(BR * K, Cp)
    dn = (((1,), (1,)), ((), ()))
    z1 = jax.lax.dot_general(diff, w1.astype(jnp.bfloat16), dn,
                             preferred_element_type=jnp.float32)
    zc = jax.lax.dot_general(hc.astype(jnp.bfloat16), w2.astype(jnp.bfloat16), dn,
                             preferred_element_type=jnp.float32)
    z3 = z1.reshape(BR, K, dout) + (zc + b_ref[...])[:, None, :]
    o_ref[...] = jnp.max(_leaky(z3), axis=1)


def _edgeconv_tc(g, h, W, b, C):
    R, Cp = h.shape
    dout = W.shape[0]
    BR = 128
    return pl.pallas_call(
        functools.partial(_edgeconv_body, C, BR),
        grid=(R // BR,),
        in_specs=[
            pl.BlockSpec((BR * K, Cp), lambda i: (i, 0)),
            pl.BlockSpec((BR, Cp), lambda i: (i, 0)),
            pl.BlockSpec((dout, 2 * C), lambda i: (0, 0)),
            pl.BlockSpec((1, dout), lambda i: (0, 0)),
        ],
        out_specs=pl.BlockSpec((BR, dout), lambda i: (i, 0)),
        out_shape=jax.ShapeDtypeStruct((R, dout), jnp.float32),
    )(g, h, W, b[None, :])


def _edge_layer(table, gidx, W, b, C):
    V, Cp = table.shape
    g = _make_sc_gather(V, Cp, gidx.shape[0])(table, gidx)
    return _edgeconv_tc(g, table, W, b, C)



def _score_pos_body(hb_ref, hall_ref, s_ref):
    BR = hb_ref.shape[1]
    hb = hb_ref[0]
    ha = hall_ref[0]
    dn = (((1,), (1,)), ((), ()))
    g = jax.lax.dot_general(hb.astype(jnp.bfloat16), ha.astype(jnp.bfloat16),
                            dn, preferred_element_type=jnp.float32)
    xxb = jnp.sum(hb * hb, axis=1)
    xxa = jnp.sum(ha * ha, axis=1)
    s = (2.0 * g - xxb[:, None]) - xxa[None, :]

    u = jax.lax.bitcast_convert_type(s, jnp.int32)
    key = u ^ ((u >> 31) & jnp.int32(0x7FFFFFFF))
    lo = jnp.min(key, axis=1, keepdims=True) - 1
    hi = jnp.max(key, axis=1, keepdims=True)

    def bs_body(_, lh):
        lo, hi = lh
        mid = (lo & hi) + ((lo ^ hi) >> 1)
        cnt = jnp.sum((key > mid).astype(jnp.int32), axis=1, keepdims=True)
        pred = cnt > K
        return jnp.where(pred, mid, lo), jnp.where(pred, hi, mid)

    lo, hi = lax.fori_loop(0, 32, bs_body, (lo, hi))
    m_gt = key > hi
    m_eq = key == hi

    ci = m_gt.astype(jnp.int32) + (m_eq.astype(jnp.int32) << 12)
    lane = jax.lax.broadcasted_iota(jnp.int32, (BR, N), 1) % 128
    intra = ci
    for k in (1, 2, 4, 8, 16, 32, 64):
        intra = intra + jnp.where(lane >= k, pltpu.roll(intra, k, 1), 0)

    nch = N // 128
    sel = (jax.lax.broadcasted_iota(jnp.int32, (N, nch), 0) // 128
           == jax.lax.broadcasted_iota(jnp.int32, (N, nch), 1))
    csum = jax.lax.dot_general(ci.astype(jnp.float32), sel.astype(jnp.float32),
                               (((1,), (0,)), ((), ())),
                               preferred_element_type=jnp.float32).astype(jnp.int32)
    incl = csum
    for t in (1, 2, 4, 8):
        incl = incl + jnp.concatenate(
            [jnp.zeros((BR, t), jnp.int32), incl[:, :nch - t]], axis=1)
    excl = incl - csum
    pos = intra + jnp.broadcast_to(excl[:, :, None],
                                   (BR, nch, 128)).reshape(BR, N)

    rank_gt = pos & jnp.int32(0xFFF)
    rank_eq = pos >> 12
    n1 = jnp.sum(m_gt.astype(jnp.int32), axis=1, keepdims=True)
    keep_eq = jnp.logical_and(m_eq, rank_eq <= (K - n1))
    slot = jnp.where(m_gt, rank_gt - 1, n1 + rank_eq - 1)
    s_ref[0] = jnp.where(jnp.logical_or(m_gt, keep_eq), slot + 1, 0)


def _scores_pos(h3):
    C = h3.shape[2]
    BR = 256
    return pl.pallas_call(
        _score_pos_body,
        grid=(B, N // BR),
        in_specs=[
            pl.BlockSpec((1, BR, C), lambda b, i: (b, i, 0)),
            pl.BlockSpec((1, N, C), lambda b, i: (b, 0, 0)),
        ],
        out_specs=pl.BlockSpec((1, BR, N), lambda b, i: (b, i, 0)),
        out_shape=jax.ShapeDtypeStruct((B, N, N), jnp.int32),
    )(h3, h3)




@functools.cache
def _make_sc_topk_gather():
    R = B * N
    r_per_w = R // NW
    pairs = r_per_w // 2
    mesh = plsc.VectorSubcoreMesh(core_axis_name="c", subcore_axis_name="s")

    @functools.partial(
        pl.kernel,
        mesh=mesh,
        out_type=jax.ShapeDtypeStruct((R * K, 128), jnp.float32),
        scratch_types=[
            pltpu.VMEM((2, 2, N), jnp.int32),
            pltpu.VMEM((2, 2 * K), jnp.int32),
            pltpu.VMEM((2, 2 * K, 128), jnp.float32),
            pltpu.SemaphoreType.DMA,
            pltpu.SemaphoreType.DMA,
            pltpu.SemaphoreType.DMA,
        ],
        compiler_params=pltpu.CompilerParams(needs_layout_passes=False),
    )
    def topk_gather_k(s_hbm, table_hbm, g_hbm, srow_v, idx_v, grow_v,
                      semL, semG, semW):
        wid = lax.axis_index("s") * 2 + lax.axis_index("c")
        base = wid * r_per_w
        lanes = lax.iota(jnp.int32, 16)

        def fire_load(p):
            par = lax.rem(p, 2)
            pltpu.async_copy(s_hbm.at[pl.ds(base + 2 * p, 2)],
                             srow_v.at[par], semL)

        def wait_load():
            pltpu.make_async_copy(s_hbm.at[pl.ds(0, 2)], srow_v.at[0],
                                  semL).wait()

        def fire_gather(p):
            par = lax.rem(p, 2)
            pltpu.async_copy(table_hbm.at[idx_v.at[par]], grow_v.at[par], semG)

        def wait_gather():
            pltpu.make_async_copy(table_hbm.at[pl.ds(0, 2 * K)], grow_v.at[0],
                                  semG).wait()

        def fire_write(p):
            par = lax.rem(p, 2)
            pltpu.async_copy(grow_v.at[par],
                             g_hbm.at[pl.ds((base + 2 * p) * K, 2 * K)], semW)

        def wait_write():
            pltpu.make_async_copy(grow_v.at[0], g_hbm.at[pl.ds(0, 2 * K)],
                                  semW).wait()

        fire_load(0)

        def pair_body(p, carry):
            par = lax.rem(p, 2)
            gbase = ((base + 2 * p) // N) * N
            wait_load()

            @pl.when(p + 1 < pairs)
            def _():
                fire_load(p + 1)

            def do_row(j, off0):
                def chunk(c, carry):
                    for cc in (2 * c, 2 * c + 1):
                        pv = srow_v[par, j, pl.ds(cc * 16, 16)]
                        m = pv > 0
                        vals = lanes + (cc * 16 + gbase)
                        plsc.store_scatter(idx_v.at[par], [pv + (off0 - 1)],
                                           vals, mask=m)
                    return carry

                lax.fori_loop(0, N // 32, chunk, 0)

            do_row(0, 0)
            do_row(1, K)

            @pl.when(p >= 2)
            def _():
                wait_write()

            fire_gather(p)

            @pl.when(p >= 1)
            def _():
                wait_gather()
                fire_write(p - 1)

            return carry

        lax.fori_loop(0, pairs, pair_body, 0)
        wait_gather()
        fire_write(pairs - 1)
        wait_write()
        wait_write()

    return topk_gather_k


def _knn_edge_layer(h_prev_pad, hC, W, b, C):
    sp = _scores_pos(hC).reshape(B * N, N)
    g = _make_sc_topk_gather()(sp, h_prev_pad)
    return _edgeconv_tc(g, h_prev_pad, W, b, C)



def _final_body(h1_ref, h2_ref, h3_ref, h4_ref, wf_ref, bf_ref, o_ref):
    i = pl.program_id(1)
    dn = (((1,), (1,)), ((), ()))
    wf = wf_ref[...].astype(jnp.bfloat16)
    z = jax.lax.dot_general(h1_ref[0].astype(jnp.bfloat16), wf[:, 0:64], dn,
                            preferred_element_type=jnp.float32)
    z += jax.lax.dot_general(h2_ref[0].astype(jnp.bfloat16), wf[:, 64:128], dn,
                             preferred_element_type=jnp.float32)
    z += jax.lax.dot_general(h3_ref[0].astype(jnp.bfloat16), wf[:, 128:256], dn,
                             preferred_element_type=jnp.float32)
    z += jax.lax.dot_general(h4_ref[0].astype(jnp.bfloat16), wf[:, 256:512], dn,
                             preferred_element_type=jnp.float32)
    z = _leaky(z + bf_ref[...])
    bm = jnp.max(z, axis=0)

    @pl.when(i == 0)
    def _():
        o_ref[...] = jnp.full_like(o_ref[...], -jnp.inf)

    o_ref[0] = jnp.maximum(o_ref[0], bm[None, :])


def _final(h1, h2, h3, h4, Wf, bf):
    BR = 512
    W_DIM = Wf.shape[0]
    return pl.pallas_call(
        _final_body,
        grid=(B, N // BR),
        in_specs=[
            pl.BlockSpec((1, BR, h.shape[2]), lambda b, i: (b, i, 0))
            for h in (h1, h2, h3, h4)
        ] + [
            pl.BlockSpec((W_DIM, 512), lambda b, i: (0, 0)),
            pl.BlockSpec((1, W_DIM), lambda b, i: (0, 0)),
        ],
        out_specs=pl.BlockSpec((1, 1, W_DIM), lambda b, i: (b, 0, 0)),
        out_shape=jax.ShapeDtypeStruct((B, 1, W_DIM), jnp.float32),
    )(h1, h2, h3, h4, Wf, bf[None, :]).reshape(B, W_DIM)




def _gidx(idx):
    off = (jnp.arange(B, dtype=jnp.int32) * N)[:, None, None]
    return (idx.astype(jnp.int32) + off).reshape(-1)


def _pad128(a):
    c = a.shape[-1]
    return a if c == 128 else jnp.pad(a, ((0, 0), (0, 128 - c)))


@jax.jit
def kernel(x, indices, W0, b0, W1, b1, W2, b2, W3, b3, Wf, bf):
    xpad = _pad128(x.reshape(B * N, 3))
    h1 = _edge_layer(xpad, _gidx(indices), W0, b0, 3)
    h1p = _pad128(h1)
    h2 = _knn_edge_layer(h1p, h1.reshape(B, N, 64), W1, b1, 64)
    h2p = _pad128(h2)
    h3 = _knn_edge_layer(h2p, h2.reshape(B, N, 64), W2, b2, 64)
    h4 = _knn_edge_layer(h3, h3.reshape(B, N, 128), W3, b3, 128)
    return _final(h1.reshape(B, N, 64), h2.reshape(B, N, 64),
                  h3.reshape(B, N, 128), h4.reshape(B, N, 256), Wf, bf)

# --- scband reference (transcript-rebuilt; emitter-appended) ---
"""Pipeline reference for scband-dgcnn-30339648979404 (READ-ONLY COPY).

The authoritative reference and input builder live on the scoring server;
editing this copy changes nothing except your own understanding.
"""

import jax, jax.numpy as jnp
import numpy as np

H = (64, 64, 128, 256)
IN_CHAN = 3
K = 40
W_DIM = 256


def setup_inputs(seed: int = 0):
    key = jax.random.key(seed)
    ks = jax.random.split(key, 16)
    B, N = 8, 2048
    x = jax.random.normal(ks[0], (B, N, IN_CHAN), dtype=jnp.float32)
    indices = jax.random.randint(ks[1], (B, N, K), 0, N)
    dims_in = [2 * IN_CHAN, 2 * H[0], 2 * H[1], 2 * H[2]]
    params = {}
    for i, (din, dout) in enumerate(zip(dims_in, H)):
        params[f"W{i}"] = jax.random.normal(ks[2 + 2 * i], (dout, din), dtype=jnp.float32) * (1.0 / np.sqrt(din))
        params[f"b{i}"] = jnp.zeros((dout,), dtype=jnp.float32)
    params["Wf"] = jax.random.normal(ks[12], (W_DIM, sum(H)), dtype=jnp.float32) * (1.0 / np.sqrt(sum(H)))
    params["bf"] = jnp.zeros((W_DIM,), dtype=jnp.float32)
    return {"x": x, "indices": indices, **params}


def _knn(x, k):
    # x: [B, C, N] -> idx [B, N, k] of nearest neighbors in feature space
    inner = -2.0 * jnp.einsum('bcn,bcm->bnm', x, x)
    xx = jnp.sum(x * x, axis=1)
    dist = -xx[:, :, None] - inner - xx[:, None, :]
    return jax.lax.top_k(dist, k)[1]


def _graph_features(x, k, idx):
    # x: [B, C, N]; returns [B, 2C, N, k] = concat(neighbor - center, center)
    if idx is None:
        idx = _knn(x, k)
    xt = jnp.transpose(x, (0, 2, 1))  # [B, N, C]
    feat = jax.vmap(lambda xb, ib: xb[ib])(xt, idx)  # [B, N, k, C] gather
    center = jnp.broadcast_to(xt[:, :, None, :], feat.shape)
    f = jnp.concatenate([feat - center, center], axis=-1)
    return jnp.transpose(f, (0, 3, 1, 2))


def _leaky(x):
    return jnp.where(x >= 0, x, 0.2 * x)


def reference(x, indices, W0, b0, W1, b1, W2, b2, W3, b3, Wf, bf):
    Ws = [W0, W1, W2, W3]
    bs = [b0, b1, b2, b3]
    h = jnp.transpose(x, (0, 2, 1))  # [B, C, N]
    xs = []
    idx = indices  # first layer uses provided indices; later layers recompute kNN
    for i in range(4):
        f = _graph_features(h, K, idx)
        idx = None
        f = _leaky(jnp.einsum('oc,bcnk->bonk', Ws[i], f) + bs[i][None, :, None, None])
        h = jnp.max(f, axis=3)  # max over neighbors
        xs.append(h)
    cat = jnp.concatenate(xs, axis=1)  # [B, 512, N]
    out = _leaky(jnp.einsum('oc,bcn->bon', Wf, cat) + bf[None, :, None])
    return jnp.max(out, axis=2)  # [B, w_dim]

if __name__ == "__main__":
    import jax
    _d = setup_inputs()
    print(jax.jit(kernel)(*tuple(_d.values())))

</pallas_src>

<mosaic_0001>
#map = affine_map<(d0, d1) -> (0, 0)>
#map1 = affine_map<(d0, d1) -> (0)>
module attributes {stable_mosaic.version = 14 : i64} {
  func.func @gather_k(%arg0: i32, %arg1: i32, %arg2: memref<16384x128xf32, #tpu.memory_space<hbm>>, %arg3: memref<655360xi32, #tpu.memory_space<hbm>>, %arg4: memref<655360x128xf32, #tpu.memory_space<hbm>>, %arg5: memref<2x128xi32, #tpu.memory_space<vmem>>, %arg6: memref<2x128x128xf32, #tpu.memory_space<vmem>>, %arg7: memref<!tpu.dma_semaphore, #tpu.memory_space<semaphore_mem>>, %arg8: memref<!tpu.dma_semaphore, #tpu.memory_space<semaphore_mem>>, %arg9: memref<!tpu.dma_semaphore, #tpu.memory_space<semaphore_mem>>) attributes {dimension_semantics = [#tpu.dimension_semantics<core_parallel>, #tpu.dimension_semantics<subcore_parallel>], iteration_bounds = array<i64: 2, 16>, scalar_prefetch = 0 : i64, scratch_operands = 5 : i64, tpu.core_type = #tpu.core_type<sc_vector_subcore>, window_params = [{transform_indices = #map}, {transform_indices = #map1}, {transform_indices = #map}]} {
    %mul3A = arith.constant 2 : i32
    %mul3A_0 = arith.muli %arg1, %mul3A : i32
    %add3A = arith.addi %mul3A_0, %arg0 : i32
    %mul3A_1 = arith.constant 20480 : i32
    %mul3A_2 = arith.muli %add3A, %mul3A_1 : i32
    %add3A_3 = arith.constant 0 : i32
    %add3A_4 = arith.addi %mul3A_2, %add3A_3 : i32
    %rem3A = arith.constant 0 : i32
    %rem3A_5 = arith.constant 2 : i32
    %rem3A_6 = arith.remsi %rem3A, %rem3A_5 : i32
    %dma_start3A = arith.constant 0 : i32
    %dma_start3A_7 = tpu.memref_slice %arg5[%rem3A_6, %dma_start3A] : memref<2x128xi32, #tpu.memory_space<vmem>> -> memref<1x128xi32, #tpu.memory_space<vmem>>
    %dma_start3A_8 = tpu.memref_squeeze %dma_start3A_7 : memref<1x128xi32, #tpu.memory_space<vmem>> -> memref<128xi32, #tpu.memory_space<vmem>>
    %dma_start3A_9 = tpu.memref_slice %arg3[%add3A_4] : memref<655360xi32, #tpu.memory_space<hbm>> -> memref<128xi32, #tpu.memory_space<hbm>>
    %dma_start3A_10 = arith.constant 0 : i32
    %dma_start3A_11 = tpu.memref_slice %arg5[%rem3A_6, %dma_start3A_10] : memref<2x128xi32, #tpu.memory_space<vmem>> -> memref<1x128xi32, #tpu.memory_space<vmem>>
    %dma_start3A_12 = tpu.memref_squeeze %dma_start3A_11 : memref<1x128xi32, #tpu.memory_space<vmem>> -> memref<128xi32, #tpu.memory_space<vmem>>
    %dma_start3A_13 = tpu.memref_slice %arg3[%add3A_4] : memref<655360xi32, #tpu.memory_space<hbm>> -> memref<128xi32, #tpu.memory_space<hbm>>
    tpu.enqueue_dma source(%dma_start3A_13 : memref<128xi32, #tpu.memory_space<hbm>>) target(%dma_start3A_12 : memref<128xi32, #tpu.memory_space<vmem>>) target_semaphore(%arg7 : memref<!tpu.dma_semaphore, #tpu.memory_space<semaphore_mem>>)
    %scan3A = arith.constant 0 : i32
    %scan3A_14 = arith.constant 0 : i32
    %scan3A_15 = arith.constant 160 : i32
    %scan3A_16 = arith.addi %scan3A_14, %scan3A_15 : i32
    %scan3A_17 = arith.constant 1 : i32
    scf.for %scan3A_80 = %scan3A_14 to %scan3A_16 step %scan3A_17  : i32 {
      %dma_wait3A_81 = arith.constant 0 : i32
      %dma_wait3A_82 = arith.constant 0 : i32
      %dma_wait3A_83 = tpu.memref_slice %arg5[%dma_wait3A_81, %dma_wait3A_82] : memref<2x128xi32, #tpu.memory_space<vmem>> -> memref<1x128xi32, #tpu.memory_space<vmem>>
      %dma_wait3A_84 = tpu.memref_squeeze %dma_wait3A_83 : memref<1x128xi32, #tpu.memory_space<vmem>> -> memref<128xi32, #tpu.memory_space<vmem>>
      %dma_wait3A_85 = arith.constant 0 : i32
      %dma_wait3A_86 = tpu.memref_slice %arg3[%dma_wait3A_85] : memref<655360xi32, #tpu.memory_space<hbm>> -> memref<128xi32, #tpu.memory_space<hbm>>
      %dma_wait3A_87 = arith.constant 0 : i32
      %dma_wait3A_88 = tpu.memref_slice %arg5[%dma_wait3A_81, %dma_wait3A_87] : memref<2x128xi32, #tpu.memory_space<vmem>> -> memref<1x128xi32, #tpu.memory_space<vmem>>
      %dma_wait3A_89 = tpu.memref_squeeze %dma_wait3A_88 : memref<1x128xi32, #tpu.memory_space<vmem>> -> memref<128xi32, #tpu.memory_space<vmem>>
      %dma_wait3A_90 = arith.constant 0 : i32
      %dma_wait3A_91 = tpu.memref_slice %arg3[%dma_wait3A_90] : memref<655360xi32, #tpu.memory_space<hbm>> -> memref<128xi32, #tpu.memory_space<hbm>>
      tpu.wait_dma2 semaphore(%arg7 : memref<!tpu.dma_semaphore, #tpu.memory_space<semaphore_mem>>) src(%dma_wait3A_91 : memref<128xi32, #tpu.memory_space<hbm>>) dst(%dma_wait3A_89 : memref<128xi32, #tpu.memory_space<vmem>>)
      %ge3A = arith.constant 1 : i32
      %ge3A_92 = arith.cmpi sge, %scan3A_80, %ge3A : i32
      %convert_element_type3A = arith.extui %ge3A_92 : i1 to i32
      %cond3A = arith.constant 0 : i32
      %cond3A_93 = arith.cmpi ne, %convert_element_type3A, %cond3A : i32
      scf.if %cond3A_93 {
        %dma_wait3A_117 = arith.constant 0 : i32
        %dma_wait3A_118 = arith.constant 0 : i32
        %dma_wait3A_119 = arith.constant 0 : i32
        %dma_wait3A_120 = tpu.memref_slice %arg6[%dma_wait3A_117, %dma_wait3A_118, %dma_wait3A_119] : memref<2x128x128xf32, #tpu.memory_space<vmem>> -> memref<1x128x128xf32, #tpu.memory_space<vmem>>
        %dma_wait3A_121 = tpu.memref_squeeze %dma_wait3A_120 : memref<1x128x128xf32, #tpu.memory_space<vmem>> -> memref<128x128xf32, #tpu.memory_space<vmem>>
        %dma_wait3A_122 = arith.constant 0 : i32
        %dma_wait3A_123 = arith.constant 0 : i32
        %dma_wait3A_124 = tpu.memref_slice %arg2[%dma_wait3A_122, %dma_wait3A_123] : memref<16384x128xf32, #tpu.memory_space<hbm>> -> memref<128x128xf32, #tpu.memory_space<hbm>>
        %dma_wait3A_125 = arith.constant 0 : i32
        %dma_wait3A_126 = arith.constant 0 : i32
        %dma_wait3A_127 = tpu.memref_slice %arg6[%dma_wait3A_117, %dma_wait3A_125, %dma_wait3A_126] : memref<2x128x128xf32, #tpu.memory_space<vmem>> -> memref<1x128x128xf32, #tpu.memory_space<vmem>>
        %dma_wait3A_128 = tpu.memref_squeeze %dma_wait3A_127 : memref<1x128x128xf32, #tpu.memory_space<vmem>> -> memref<128x128xf32, #tpu.memory_space<vmem>>
        %dma_wait3A_129 = arith.constant 0 : i32
        %dma_wait3A_130 = arith.constant 0 : i32
        %dma_wait3A_131 = tpu.memref_slice %arg2[%dma_wait3A_129, %dma_wait3A_130] : memref<16384x128xf32, #tpu.memory_space<hbm>> -> memref<128x128xf32, #tpu.memory_space<hbm>>
        tpu.wait_dma2 semaphore(%arg8 : memref<!tpu.dma_semaphore, #tpu.memory_space<semaphore_mem>>) src(%dma_wait3A_131 : memref<128x128xf32, #tpu.memory_space<hbm>>) dst(%dma_wait3A_128 : memref<128x128xf32, #tpu.memory_space<vmem>>)
        %sub3A = arith.constant 1 : i32
        %sub3A_132 = arith.subi %scan3A_80, %sub3A : i32
        %rem3A_133 = arith.constant 2 : i32
        %rem3A_134 = arith.remsi %sub3A_132, %rem3A_133 : i32
        %mul3A_135 = arith.constant 128 : i32
        %mul3A_136 = arith.muli %sub3A_132, %mul3A_135 : i32
        %add3A_137 = arith.addi %mul3A_2, %mul3A_136 : i32
        %dma_start3A_138 = arith.constant 0 : i32
        %dma_start3A_139 = arith.constant 0 : i32
        %dma_start3A_140 = tpu.memref_slice %arg6[%rem3A_134, %dma_start3A_138, %dma_start3A_139] : memref<2x128x128xf32, #tpu.memory_space<vmem>> -> memref<1x128x128xf32, #tpu.memory_space<vmem>>
        %dma_start3A_141 = tpu.memref_squeeze %dma_start3A_140 : memref<1x128x128xf32, #tpu.memory_space<vmem>> -> memref<128x128xf32, #tpu.memory_space<vmem>>
        %dma_start3A_142 = arith.constant 0 : i32
        %dma_start3A_143 = tpu.memref_slice %arg4[%add3A_137, %dma_start3A_142] : memref<655360x128xf32, #tpu.memory_space<hbm>> -> memref<128x128xf32, #tpu.memory_space<hbm>>
        %dma_start3A_144 = arith.constant 0 : i32
        %dma_start3A_145 = tpu.memref_slice %arg4[%add3A_137, %dma_start3A_144] : memref<655360x128xf32, #tpu.memory_space<hbm>> -> memref<128x128xf32, #tpu.memory_space<hbm>>
        %dma_start3A_146 = arith.constant 0 : i32
        %dma_start3A_147 = arith.constant 0 : i32
        %dma_start3A_148 = tpu.memref_slice %arg6[%rem3A_134, %dma_start3A_146, %dma_start3A_147] : memref<2x128x128xf32, #tpu.memory_space<vmem>> -> memref<1x128x128xf32, #tpu.memory_space<vmem>>
        %dma_start3A_149 = tpu.memref_squeeze %dma_start3A_148 : memref<1x128x128xf32, #tpu.memory_space<vmem>> -> memref<128x128xf32, #tpu.memory_space<vmem>>
        tpu.enqueue_dma source(%dma_start3A_149 : memref<128x128xf32, #tpu.memory_space<vmem>>) target(%dma_start3A_145 : memref<128x128xf32, #tpu.memory_space<hbm>>) target_semaphore(%arg9 : memref<!tpu.dma_semaphore, #tpu.memory_space<semaphore_mem>>)
      } else {
      }
      %add3A_94 = arith.constant 1 : i32
      %add3A_95 = arith.addi %scan3A_80, %add3A_94 : i32
      %lt3A = arith.constant 160 : i32
      %lt3A_96 = arith.cmpi slt, %add3A_95, %lt3A : i32
      %convert_element_type3A_97 = arith.extui %lt3A_96 : i1 to i32
      %cond3A_98 = arith.constant 0 : i32
      %cond3A_99 = arith.cmpi ne, %convert_element_type3A_97, %cond3A_98 : i32
      scf.if %cond3A_99 {
        %add3A_117 = arith.constant 1 : i32
        %add3A_118 = arith.addi %scan3A_80, %add3A_117 : i32
        %mul3A_119 = arith.constant 128 : i32
        %mul3A_120 = arith.muli %add3A_118, %mul3A_119 : i32
        %add3A_121 = arith.addi %mul3A_2, %mul3A_120 : i32
        %rem3A_122 = arith.constant 2 : i32
        %rem3A_123 = arith.remsi %add3A_118, %rem3A_122 : i32
        %dma_start3A_124 = arith.constant 0 : i32
        %dma_start3A_125 = tpu.memref_slice %arg5[%rem3A_123, %dma_start3A_124] : memref<2x128xi32, #tpu.memory_space<vmem>> -> memref<1x128xi32, #tpu.memory_space<vmem>>
        %dma_start3A_126 = tpu.memref_squeeze %dma_start3A_125 : memref<1x128xi32, #tpu.memory_space<vmem>> -> memref<128xi32, #tpu.memory_space<vmem>>
        %dma_start3A_127 = tpu.memref_slice %arg3[%add3A_121] : memref<655360xi32, #tpu.memory_space<hbm>> -> memref<128xi32, #tpu.memory_space<hbm>>
        %dma_start3A_128 = arith.constant 0 : i32
        %dma_start3A_129 = tpu.memref_slice %arg5[%rem3A_123, %dma_start3A_128] : memref<2x128xi32, #tpu.memory_space<vmem>> -> memref<1x128xi32, #tpu.memory_space<vmem>>
        %dma_start3A_130 = tpu.memref_squeeze %dma_start3A_129 : memref<1x128xi32, #tpu.memory_space<vmem>> -> memref<128xi32, #tpu.memory_space<vmem>>
        %dma_start3A_131 = tpu.memref_slice %arg3[%add3A_121] : memref<655360xi32, #tpu.memory_space<hbm>> -> memref<128xi32, #tpu.memory_space<hbm>>
        tpu.enqueue_dma source(%dma_start3A_131 : memref<128xi32, #tpu.memory_space<hbm>>) target(%dma_start3A_130 : memref<128xi32, #tpu.memory_space<vmem>>) target_semaphore(%arg7 : memref<!tpu.dma_semaphore, #tpu.memory_space<semaphore_mem>>)
      } else {
      }
      %ge3A_100 = arith.constant 2 : i32
      %ge3A_101 = arith.cmpi sge, %scan3A_80, %ge3A_100 : i32
      %convert_element_type3A_102 = arith.extui %ge3A_101 : i1 to i32
      %cond3A_103 = arith.constant 0 : i32
      %cond3A_104 = arith.cmpi ne, %convert_element_type3A_102, %cond3A_103 : i32
      scf.if %cond3A_104 {
        %dma_wait3A_117 = arith.constant 0 : i32
        %dma_wait3A_118 = arith.constant 0 : i32
        %dma_wait3A_119 = arith.constant 0 : i32
        %dma_wait3A_120 = tpu.memref_slice %arg6[%dma_wait3A_117, %dma_wait3A_118, %dma_wait3A_119] : memref<2x128x128xf32, #tpu.memory_space<vmem>> -> memref<1x128x128xf32, #tpu.memory_space<vmem>>
        %dma_wait3A_121 = tpu.memref_squeeze %dma_wait3A_120 : memref<1x128x128xf32, #tpu.memory_space<vmem>> -> memref<128x128xf32, #tpu.memory_space<vmem>>
        %dma_wait3A_122 = arith.constant 0 : i32
        %dma_wait3A_123 = arith.constant 0 : i32
        %dma_wait3A_124 = tpu.memref_slice %arg4[%dma_wait3A_122, %dma_wait3A_123] : memref<655360x128xf32, #tpu.memory_space<hbm>> -> memref<128x128xf32, #tpu.memory_space<hbm>>
        %dma_wait3A_125 = arith.constant 0 : i32
        %dma_wait3A_126 = arith.constant 0 : i32
        %dma_wait3A_127 = tpu.memref_slice %arg4[%dma_wait3A_125, %dma_wait3A_126] : memref<655360x128xf32, #tpu.memory_space<hbm>> -> memref<128x128xf32, #tpu.memory_space<hbm>>
        %dma_wait3A_128 = arith.constant 0 : i32
        %dma_wait3A_129 = arith.constant 0 : i32
        %dma_wait3A_130 = tpu.memref_slice %arg6[%dma_wait3A_117, %dma_wait3A_128, %dma_wait3A_129] : memref<2x128x128xf32, #tpu.memory_space<vmem>> -> memref<1x128x128xf32, #tpu.memory_space<vmem>>
        %dma_wait3A_131 = tpu.memref_squeeze %dma_wait3A_130 : memref<1x128x128xf32, #tpu.memory_space<vmem>> -> memref<128x128xf32, #tpu.memory_space<vmem>>
        tpu.wait_dma2 semaphore(%arg9 : memref<!tpu.dma_semaphore, #tpu.memory_space<semaphore_mem>>) src(%dma_wait3A_131 : memref<128x128xf32, #tpu.memory_space<vmem>>) dst(%dma_wait3A_127 : memref<128x128xf32, #tpu.memory_space<hbm>>)
      } else {
      }
      %rem3A_105 = arith.constant 2 : i32
      %rem3A_106 = arith.remsi %scan3A_80, %rem3A_105 : i32
      %dma_start3A_107 = arith.constant 0 : i32
      %dma_start3A_108 = arith.constant 0 : i32
      %dma_start3A_109 = tpu.memref_slice %arg6[%rem3A_106, %dma_start3A_107, %dma_start3A_108] : memref<2x128x128xf32, #tpu.memory_space<vmem>> -> memref<1x128x128xf32, #tpu.memory_space<vmem>>
      %dma_start3A_110 = tpu.memref_squeeze %dma_start3A_109 : memref<1x128x128xf32, #tpu.memory_space<vmem>> -> memref<128x128xf32, #tpu.memory_space<vmem>>
      %dma_start3A_111 = arith.constant 0 : i32
      %dma_start3A_112 = tpu.memref_slice %arg5[%rem3A_106, %dma_start3A_111] : memref<2x128xi32, #tpu.memory_space<vmem>> -> memref<1x128xi32, #tpu.memory_space<vmem>>
      %dma_start3A_113 = tpu.memref_squeeze %dma_start3A_112 : memref<1x128xi32, #tpu.memory_space<vmem>> -> memref<128xi32, #tpu.memory_space<vmem>>
      %dma_start3A_114 = arith.constant 0 : i32
      %dma_start3A_115 = arith.constant 0 : i32
      %dma_start3A_116 = tpu.memref_slice %arg2[%dma_start3A_114, %dma_start3A_115] : memref<16384x128xf32, #tpu.memory_space<hbm>> -> memref<16384x128xf32, #tpu.memory_space<hbm>>
      tpu.enqueue_indirect_dma source(%dma_start3A_116 : memref<16384x128xf32, #tpu.memory_space<hbm>>) target(%dma_start3A_110 : memref<128x128xf32, #tpu.memory_space<vmem>>) offsets(%dma_start3A_113 : memref<128xi32, #tpu.memory_space<vmem>>) semaphore(%arg8 : memref<!tpu.dma_semaphore, #tpu.memory_space<semaphore_mem>>)
    }
    %scan3A_18 = arith.constant 160 : i32
    %dma_wait3A = arith.constant 0 : i32
    %dma_wait3A_19 = arith.constant 0 : i32
    %dma_wait3A_20 = arith.constant 0 : i32
    %dma_wait3A_21 = tpu.memref_slice %arg6[%dma_wait3A, %dma_wait3A_19, %dma_wait3A_20] : memref<2x128x128xf32, #tpu.memory_space<vmem>> -> memref<1x128x128xf32, #tpu.memory_space<vmem>>
    %dma_wait3A_22 = tpu.memref_squeeze %dma_wait3A_21 : memref<1x128x128xf32, #tpu.memory_space<vmem>> -> memref<128x128xf32, #tpu.memory_space<vmem>>
    %dma_wait3A_23 = arith.constant 0 : i32
    %dma_wait3A_24 = arith.constant 0 : i32
    %dma_wait3A_25 = tpu.memref_slice %arg2[%dma_wait3A_23, %dma_wait3A_24] : memref<16384x128xf32, #tpu.memory_space<hbm>> -> memref<128x128xf32, #tpu.memory_space<hbm>>
    %dma_wait3A_26 = arith.constant 0 : i32
    %dma_wait3A_27 = arith.constant 0 : i32
    %dma_wait3A_28 = tpu.memref_slice %arg6[%dma_wait3A, %dma_wait3A_26, %dma_wait3A_27] : memref<2x128x128xf32, #tpu.memory_space<vmem>> -> memref<1x128x128xf32, #tpu.memory_space<vmem>>
    %dma_wait3A_29 = tpu.memref_squeeze %dma_wait3A_28 : memref<1x128x128xf32, #tpu.memory_space<vmem>> -> memref<128x128xf32, #tpu.memory_space<vmem>>
    %dma_wait3A_30 = arith.constant 0 : i32
    %dma_wait3A_31 = arith.constant 0 : i32
    %dma_wait3A_32 = tpu.memref_slice %arg2[%dma_wait3A_30, %dma_wait3A_31] : memref<16384x128xf32, #tpu.memory_space<hbm>> -> memref<128x128xf32, #tpu.memory_space<hbm>>
    tpu.wait_dma2 semaphore(%arg8 : memref<!tpu.dma_semaphore, #tpu.memory_space<semaphore_mem>>) src(%dma_wait3A_32 : memref<128x128xf32, #tpu.memory_space<hbm>>) dst(%dma_wait3A_29 : memref<128x128xf32, #tpu.memory_space<vmem>>)
    %rem3A_33 = arith.constant 159 : i32
    %rem3A_34 = arith.constant 2 : i32
    %rem3A_35 = arith.remsi %rem3A_33, %rem3A_34 : i32
    %add3A_36 = arith.constant 20352 : i32
    %add3A_37 = arith.addi %mul3A_2, %add3A_36 : i32
    %dma_start3A_38 = arith.constant 0 : i32
    %dma_start3A_39 = arith.constant 0 : i32
    %dma_start3A_40 = tpu.memref_slice %arg6[%rem3A_35, %dma_start3A_38, %dma_start3A_39] : memref<2x128x128xf32, #tpu.memory_space<vmem>> -> memref<1x128x128xf32, #tpu.memory_space<vmem>>
    %dma_start3A_41 = tpu.memref_squeeze %dma_start3A_40 : memref<1x128x128xf32, #tpu.memory_space<vmem>> -> memref<128x128xf32, #tpu.memory_space<vmem>>
    %dma_start3A_42 = arith.constant 0 : i32
    %dma_start3A_43 = tpu.memref_slice %arg4[%add3A_37, %dma_start3A_42] : memref<655360x128xf32, #tpu.memory_space<hbm>> -> memref<128x128xf32, #tpu.memory_space<hbm>>
    %dma_start3A_44 = arith.constant 0 : i32
    %dma_start3A_45 = tpu.memref_slice %arg4[%add3A_37, %dma_start3A_44] : memref<655360x128xf32, #tpu.memory_space<hbm>> -> memref<128x128xf32, #tpu.memory_space<hbm>>
    %dma_start3A_46 = arith.constant 0 : i32
    %dma_start3A_47 = arith.constant 0 : i32
    %dma_start3A_48 = tpu.memref_slice %arg6[%rem3A_35, %dma_start3A_46, %dma_start3A_47] : memref<2x128x128xf32, #tpu.memory_space<vmem>> -> memref<1x128x128xf32, #tpu.memory_space<vmem>>
    %dma_start3A_49 = tpu.memref_squeeze %dma_start3A_48 : memref<1x128x128xf32, #tpu.memory_space<vmem>> -> memref<128x128xf32, #tpu.memory_space<vmem>>
    tpu.enqueue_dma source(%dma_start3A_49 : memref<128x128xf32, #tpu.memory_space<vmem>>) target(%dma_start3A_45 : memref<128x128xf32, #tpu.memory_space<hbm>>) target_semaphore(%arg9 : memref<!tpu.dma_semaphore, #tpu.memory_space<semaphore_mem>>)
    %dma_wait3A_50 = arith.constant 0 : i32
    %dma_wait3A_51 = arith.constant 0 : i32
    %dma_wait3A_52 = arith.constant 0 : i32
    %dma_wait3A_53 = tpu.memref_slice %arg6[%dma_wait3A_50, %dma_wait3A_51, %dma_wait3A_52] : memref<2x128x128xf32, #tpu.memory_space<vmem>> -> memref<1x128x128xf32, #tpu.memory_space<vmem>>
    %dma_wait3A_54 = tpu.memref_squeeze %dma_wait3A_53 : memref<1x128x128xf32, #tpu.memory_space<vmem>> -> memref<128x128xf32, #tpu.memory_space<vmem>>
    %dma_wait3A_55 = arith.constant 0 : i32
    %dma_wait3A_56 = arith.constant 0 : i32
    %dma_wait3A_57 = tpu.memref_slice %arg4[%dma_wait3A_55, %dma_wait3A_56] : memref<655360x128xf32, #tpu.memory_space<hbm>> -> memref<128x128xf32, #tpu.memory_space<hbm>>
    %dma_wait3A_58 = arith.constant 0 : i32
    %dma_wait3A_59 = arith.constant 0 : i32
    %dma_wait3A_60 = tpu.memref_slice %arg4[%dma_wait3A_58, %dma_wait3A_59] : memref<655360x128xf32, #tpu.memory_space<hbm>> -> memref<128x128xf32, #tpu.memory_space<hbm>>
    %dma_wait3A_61 = arith.constant 0 : i32
    %dma_wait3A_62 = arith.constant 0 : i32
    %dma_wait3A_63 = tpu.memref_slice %arg6[%dma_wait3A_50, %dma_wait3A_61, %dma_wait3A_62] : memref<2x128x128xf32, #tpu.memory_space<vmem>> -> memref<1x128x128xf32, #tpu.memory_space<vmem>>
    %dma_wait3A_64 = tpu.memref_squeeze %dma_wait3A_63 : memref<1x128x128xf32, #tpu.memory_space<vmem>> -> memref<128x128xf32, #tpu.memory_space<vmem>>
    tpu.wait_dma2 semaphore(%arg9 : memref<!tpu.dma_semaphore, #tpu.memory_space<semaphore_mem>>) src(%dma_wait3A_64 : memref<128x128xf32, #tpu.memory_space<vmem>>) dst(%dma_wait3A_60 : memref<128x128xf32, #tpu.memory_space<hbm>>)
    %dma_wait3A_65 = arith.constant 0 : i32
    %dma_wait3A_66 = arith.constant 0 : i32
    %dma_wait3A_67 = arith.constant 0 : i32
    %dma_wait3A_68 = tpu.memref_slice %arg6[%dma_wait3A_65, %dma_wait3A_66, %dma_wait3A_67] : memref<2x128x128xf32, #tpu.memory_space<vmem>> -> memref<1x128x128xf32, #tpu.memory_space<vmem>>
    %dma_wait3A_69 = tpu.memref_squeeze %dma_wait3A_68 : memref<1x128x128xf32, #tpu.memory_space<vmem>> -> memref<128x128xf32, #tpu.memory_space<vmem>>
    %dma_wait3A_70 = arith.constant 0 : i32
    %dma_wait3A_71 = arith.constant 0 : i32
    %dma_wait3A_72 = tpu.memref_slice %arg4[%dma_wait3A_70, %dma_wait3A_71] : memref<655360x128xf32, #tpu.memory_space<hbm>> -> memref<128x128xf32, #tpu.memory_space<hbm>>
    %dma_wait3A_73 = arith.constant 0 : i32
    %dma_wait3A_74 = arith.constant 0 : i32
    %dma_wait3A_75 = tpu.memref_slice %arg4[%dma_wait3A_73, %dma_wait3A_74] : memref<655360x128xf32, #tpu.memory_space<hbm>> -> memref<128x128xf32, #tpu.memory_space<hbm>>
    %dma_wait3A_76 = arith.constant 0 : i32
    %dma_wait3A_77 = arith.constant 0 : i32
    %dma_wait3A_78 = tpu.memref_slice %arg6[%dma_wait3A_65, %dma_wait3A_76, %dma_wait3A_77] : memref<2x128x128xf32, #tpu.memory_space<vmem>> -> memref<1x128x128xf32, #tpu.memory_space<vmem>>
    %dma_wait3A_79 = tpu.memref_squeeze %dma_wait3A_78 : memref<1x128x128xf32, #tpu.memory_space<vmem>> -> memref<128x128xf32, #tpu.memory_space<vmem>>
    tpu.wait_dma2 semaphore(%arg9 : memref<!tpu.dma_semaphore, #tpu.memory_space<semaphore_mem>>) src(%dma_wait3A_79 : memref<128x128xf32, #tpu.memory_space<vmem>>) dst(%dma_wait3A_75 : memref<128x128xf32, #tpu.memory_space<hbm>>)
    return
  }
}

#map = affine_map<(d0, d1) -> (0, 0)>
module attributes {stable_mosaic.version = 14 : i64} {
  func.func @topk_gather_k(%arg0: i32, %arg1: i32, %arg2: memref<16384x2048xi32, #tpu.memory_space<hbm>>, %arg3: memref<16384x128xf32, #tpu.memory_space<hbm>>, %arg4: memref<655360x128xf32, #tpu.memory_space<hbm>>, %arg5: memref<2x2x2048xi32, #tpu.memory_space<vmem>>, %arg6: memref<2x80xi32, #tpu.memory_space<vmem>>, %arg7: memref<2x80x128xf32, #tpu.memory_space<vmem>>, %arg8: memref<!tpu.dma_semaphore, #tpu.memory_space<semaphore_mem>>, %arg9: memref<!tpu.dma_semaphore, #tpu.memory_space<semaphore_mem>>, %arg10: memref<!tpu.dma_semaphore, #tpu.memory_space<semaphore_mem>>) attributes {dimension_semantics = [#tpu.dimension_semantics<core_parallel>, #tpu.dimension_semantics<subcore_parallel>], iteration_bounds = array<i64: 2, 16>, scalar_prefetch = 0 : i64, scratch_operands = 6 : i64, tpu.core_type = #tpu.core_type<sc_vector_subcore>, window_params = [{transform_indices = #map}, {transform_indices = #map}, {transform_indices = #map}]} {
    %mul3A = arith.constant 2 : i32
    %mul3A_0 = arith.muli %arg1, %mul3A : i32
    %add3A = arith.addi %mul3A_0, %arg0 : i32
    %mul3A_1 = arith.constant 512 : i32
    %mul3A_2 = arith.muli %add3A, %mul3A_1 : i32
    %iota3A = tpu.iota {dimensions = array<i32: 0>} : vector<16xi32>
    %rem3A = arith.constant 0 : i32
    %rem3A_3 = arith.constant 2 : i32
    %rem3A_4 = arith.remsi %rem3A, %rem3A_3 : i32
    %add3A_5 = arith.constant 0 : i32
    %add3A_6 = arith.addi %mul3A_2, %add3A_5 : i32
    %dma_start3A = arith.constant 0 : i32
    %dma_start3A_7 = arith.constant 0 : i32
    %dma_start3A_8 = tpu.memref_slice %arg5[%rem3A_4, %dma_start3A, %dma_start3A_7] : memref<2x2x2048xi32, #tpu.memory_space<vmem>> -> memref<1x2x2048xi32, #tpu.memory_space<vmem>>
    %dma_start3A_9 = tpu.memref_squeeze %dma_start3A_8 : memref<1x2x2048xi32, #tpu.memory_space<vmem>> -> memref<2x2048xi32, #tpu.memory_space<vmem>>
    %dma_start3A_10 = arith.constant 0 : i32
    %dma_start3A_11 = tpu.memref_slice %arg2[%add3A_6, %dma_start3A_10] : memref<16384x2048xi32, #tpu.memory_space<hbm>> -> memref<2x2048xi32, #tpu.memory_space<hbm>>
    %dma_start3A_12 = arith.constant 0 : i32
    %dma_start3A_13 = arith.constant 0 : i32
    %dma_start3A_14 = tpu.memref_slice %arg5[%rem3A_4, %dma_start3A_12, %dma_start3A_13] : memref<2x2x2048xi32, #tpu.memory_space<vmem>> -> memref<1x2x2048xi32, #tpu.memory_space<vmem>>
    %dma_start3A_15 = tpu.memref_squeeze %dma_start3A_14 : memref<1x2x2048xi32, #tpu.memory_space<vmem>> -> memref<2x2048xi32, #tpu.memory_space<vmem>>
    %dma_start3A_16 = arith.constant 0 : i32
    %dma_start3A_17 = tpu.memref_slice %arg2[%add3A_6, %dma_start3A_16] : memref<16384x2048xi32, #tpu.memory_space<hbm>> -> memref<2x2048xi32, #tpu.memory_space<hbm>>
    tpu.enqueue_dma source(%dma_start3A_17 : memref<2x2048xi32, #tpu.memory_space<hbm>>) target(%dma_start3A_15 : memref<2x2048xi32, #tpu.memory_space<vmem>>) target_semaphore(%arg8 : memref<!tpu.dma_semaphore, #tpu.memory_space<semaphore_mem>>)
    %scan3A = arith.constant 0 : i32
    %scan3A_18 = arith.constant 0 : i32
    %scan3A_19 = arith.constant 256 : i32
    %scan3A_20 = arith.addi %scan3A_18, %scan3A_19 : i32
    %scan3A_21 = arith.constant 1 : i32
    scf.for %scan3A_86 = %scan3A_18 to %scan3A_20 step %scan3A_21  : i32 {
      %rem3A_87 = arith.constant 2 : i32
      %rem3A_88 = arith.remsi %scan3A_86, %rem3A_87 : i32
      %mul3A_89 = arith.constant 2 : i32
      %mul3A_90 = arith.muli %mul3A_89, %scan3A_86 : i32
      %add3A_91 = arith.addi %mul3A_2, %mul3A_90 : i32
      %jit3A = arith.constant 2048 : i32
      %div3A = arith.divsi %add3A_91, %jit3A : i32
      %sign3A = arith.constant 0 : i32
      %sign3A_92 = arith.cmpi sgt, %add3A_91, %sign3A : i32
      %sign3A_93 = arith.extui %sign3A_92 : i1 to i32
      %sign3A_94 = arith.constant 0 : i32
      %sign3A_95 = arith.cmpi slt, %add3A_91, %sign3A_94 : i32
      %sign3A_96 = arith.extui %sign3A_95 : i1 to i32
      %sign3A_97 = arith.subi %sign3A_93, %sign3A_96 : i32
      %sign3A_98 = arith.constant 0 : i32
      %sign3A_99 = arith.cmpi sgt, %jit3A, %sign3A_98 : i32
      %sign3A_100 = arith.extui %sign3A_99 : i1 to i32
      %sign3A_101 = arith.constant 0 : i32
      %sign3A_102 = arith.cmpi slt, %jit3A, %sign3A_101 : i32
      %sign3A_103 = arith.extui %sign3A_102 : i1 to i32
      %sign3A_104 = arith.subi %sign3A_100, %sign3A_103 : i32
      %ne3A = arith.cmpi ne, %sign3A_97, %sign3A_104 : i32
      %rem3A_105 = arith.remsi %add3A_91, %jit3A : i32
      %ne3A_106 = arith.constant 0 : i32
      %ne3A_107 = arith.cmpi ne, %rem3A_105, %ne3A_106 : i32
      %and3A = arith.andi %ne3A, %ne3A_107 : i1
      %sub3A = arith.constant 1 : i32
      %sub3A_108 = arith.subi %div3A, %sub3A : i32
      %select_n3A = arith.select %and3A, %sub3A_108, %div3A : i32
      %mul3A_109 = arith.constant 2048 : i32
      %mul3A_110 = arith.muli %select_n3A, %mul3A_109 : i32
      %dma_wait3A_111 = arith.constant 0 : i32
      %dma_wait3A_112 = arith.constant 0 : i32
      %dma_wait3A_113 = arith.constant 0 : i32
      %dma_wait3A_114 = tpu.memref_slice %arg5[%dma_wait3A_111, %dma_wait3A_112, %dma_wait3A_113] : memref<2x2x2048xi32, #tpu.memory_space<vmem>> -> memref<1x2x2048xi32, #tpu.memory_space<vmem>>
      %dma_wait3A_115 = tpu.memref_squeeze %dma_wait3A_114 : memref<1x2x2048xi32, #tpu.memory_space<vmem>> -> memref<2x2048xi32, #tpu.memory_space<vmem>>
      %dma_wait3A_116 = arith.constant 0 : i32
      %dma_wait3A_117 = arith.constant 0 : i32
      %dma_wait3A_118 = tpu.memref_slice %arg2[%dma_wait3A_116, %dma_wait3A_117] : memref<16384x2048xi32, #tpu.memory_space<hbm>> -> memref<2x2048xi32, #tpu.memory_space<hbm>>
      %dma_wait3A_119 = arith.constant 0 : i32
      %dma_wait3A_120 = arith.constant 0 : i32
      %dma_wait3A_121 = tpu.memref_slice %arg5[%dma_wait3A_111, %dma_wait3A_119, %dma_wait3A_120] : memref<2x2x2048xi32, #tpu.memory_space<vmem>> -> memref<1x2x2048xi32, #tpu.memory_space<vmem>>
      %dma_wait3A_122 = tpu.memref_squeeze %dma_wait3A_121 : memref<1x2x2048xi32, #tpu.memory_space<vmem>> -> memref<2x2048xi32, #tpu.memory_space<vmem>>
      %dma_wait3A_123 = arith.constant 0 : i32
      %dma_wait3A_124 = arith.constant 0 : i32
      %dma_wait3A_125 = tpu.memref_slice %arg2[%dma_wait3A_123, %dma_wait3A_124] : memref<16384x2048xi32, #tpu.memory_space<hbm>> -> memref<2x2048xi32, #tpu.memory_space<hbm>>
      tpu.wait_dma2 semaphore(%arg8 : memref<!tpu.dma_semaphore, #tpu.memory_space<semaphore_mem>>) src(%dma_wait3A_125 : memref<2x2048xi32, #tpu.memory_space<hbm>>) dst(%dma_wait3A_122 : memref<2x2048xi32, #tpu.memory_space<vmem>>)
      %add3A_126 = arith.constant 1 : i32
      %add3A_127 = arith.addi %scan3A_86, %add3A_126 : i32
      %lt3A = arith.constant 256 : i32
      %lt3A_128 = arith.cmpi slt, %add3A_127, %lt3A : i32
      %convert_element_type3A = arith.extui %lt3A_128 : i1 to i32
      %cond3A = arith.constant 0 : i32
      %cond3A_129 = arith.cmpi ne, %convert_element_type3A, %cond3A : i32
      scf.if %cond3A_129 {
        %add3A_163 = arith.constant 1 : i32
        %add3A_164 = arith.addi %scan3A_86, %add3A_163 : i32
        %rem3A_165 = arith.constant 2 : i32
        %rem3A_166 = arith.remsi %add3A_164, %rem3A_165 : i32
        %mul3A_167 = arith.constant 2 : i32
        %mul3A_168 = arith.muli %mul3A_167, %add3A_164 : i32
        %add3A_169 = arith.addi %mul3A_2, %mul3A_168 : i32
        %dma_start3A_170 = arith.constant 0 : i32
        %dma_start3A_171 = arith.constant 0 : i32
        %dma_start3A_172 = tpu.memref_slice %arg5[%rem3A_166, %dma_start3A_170, %dma_start3A_171] : memref<2x2x2048xi32, #tpu.memory_space<vmem>> -> memref<1x2x2048xi32, #tpu.memory_space<vmem>>
        %dma_start3A_173 = tpu.memref_squeeze %dma_start3A_172 : memref<1x2x2048xi32, #tpu.memory_space<vmem>> -> memref<2x2048xi32, #tpu.memory_space<vmem>>
        %dma_start3A_174 = arith.constant 0 : i32
        %dma_start3A_175 = tpu.memref_slice %arg2[%add3A_169, %dma_start3A_174] : memref<16384x2048xi32, #tpu.memory_space<hbm>> -> memref<2x2048xi32, #tpu.memory_space<hbm>>
        %dma_start3A_176 = arith.constant 0 : i32
        %dma_start3A_177 = arith.constant 0 : i32
        %dma_start3A_178 = tpu.memref_slice %arg5[%rem3A_166, %dma_start3A_176, %dma_start3A_177] : memref<2x2x2048xi32, #tpu.memory_space<vmem>> -> memref<1x2x2048xi32, #tpu.memory_space<vmem>>
        %dma_start3A_179 = tpu.memref_squeeze %dma_start3A_178 : memref<1x2x2048xi32, #tpu.memory_space<vmem>> -> memref<2x2048xi32, #tpu.memory_space<vmem>>
        %dma_start3A_180 = arith.constant 0 : i32
        %dma_start3A_181 = tpu.memref_slice %arg2[%add3A_169, %dma_start3A_180] : memref<16384x2048xi32, #tpu.memory_space<hbm>> -> memref<2x2048xi32, #tpu.memory_space<hbm>>
        tpu.enqueue_dma source(%dma_start3A_181 : memref<2x2048xi32, #tpu.memory_space<hbm>>) target(%dma_start3A_179 : memref<2x2048xi32, #tpu.memory_space<vmem>>) target_semaphore(%arg8 : memref<!tpu.dma_semaphore, #tpu.memory_space<semaphore_mem>>)
      } else {
      }
      %scan3A_130 = arith.constant 0 : i32
      %scan3A_131 = arith.constant 0 : i32
      %scan3A_132 = arith.constant 64 : i32
      %scan3A_133 = arith.addi %scan3A_131, %scan3A_132 : i32
      %scan3A_134 = arith.constant 1 : i32
      scf.for %scan3A_163 = %scan3A_131 to %scan3A_133 step %scan3A_134  : i32 {
        %mul3A_164 = arith.constant 2 : i32
        %mul3A_165 = arith.muli %mul3A_164, %scan3A_163 : i32
        %mul3A_166 = arith.constant 2 : i32
        %mul3A_167 = arith.muli %mul3A_166, %scan3A_163 : i32
        %add3A_168 = arith.constant 1 : i32
        %add3A_169 = arith.addi %mul3A_167, %add3A_168 : i32
        %mul3A_170 = arith.constant 16 : i32
        %mul3A_171 = arith.muli %mul3A_165, %mul3A_170 : i32
        %get3A = arith.constant 0 : i32
        %get3A_172 = arith.index_cast %rem3A_88 : i32 to index
        %get3A_173 = arith.index_cast %get3A : i32 to index
        %get3A_174 = arith.index_cast %mul3A_171 : i32 to index
        %get3A_175 = tpu.vector_load %arg5[%get3A_172, %get3A_173, %get3A_174] {strides = array<i32>} : memref<2x2x2048xi32, #tpu.memory_space<vmem>>, vector<16xi32>,
        %gt3A = arith.constant 0 : i32
        %gt3A_176 = vector.broadcast %gt3A : i32 to vector<16xi32>
        %gt3A_177 = arith.cmpi sgt, %get3A_175, %gt3A_176 : vector<16xi32>
        %mul3A_178 = arith.constant 16 : i32
        %mul3A_179 = arith.muli %mul3A_165, %mul3A_178 : i32
        %add3A_180 = arith.addi %mul3A_179, %mul3A_110 : i32
        %add3A_181 = vector.broadcast %add3A_180 : i32 to vector<16xi32>
        %add3A_182 = arith.addi %iota3A, %add3A_181 : vector<16xi32>
        %add3A_183 = arith.constant -1 : i32
        %add3A_184 = vector.broadcast %add3A_183 : i32 to vector<16xi32>
        %add3A_185 = arith.addi %get3A_175, %add3A_184 : vector<16xi32>
        %scatter3A = arith.constant 0 : i32
        %scatter3A_186 = tpu.memref_slice %arg6[%rem3A_88, %scatter3A] : memref<2x80xi32, #tpu.memory_space<vmem>> -> memref<1x80xi32, #tpu.memory_space<vmem>>
        %scatter3A_187 = tpu.memref_squeeze %scatter3A_186 : memref<1x80xi32, #tpu.memory_space<vmem>> -> memref<80xi32, #tpu.memory_space<vmem>>
        tpu.vector_store_idx %scatter3A_187[%add3A_185], %add3A_182 masked %gt3A_177 : memref<80xi32, #tpu.memory_space<vmem>>[vector<16xi32>], vector<16xi32>, vector<16xi1>
        %mul3A_188 = arith.constant 16 : i32
        %mul3A_189 = arith.muli %add3A_169, %mul3A_188 : i32
        %get3A_190 = arith.constant 0 : i32
        %get3A_191 = arith.index_cast %rem3A_88 : i32 to index
        %get3A_192 = arith.index_cast %get3A_190 : i32 to index
        %get3A_193 = arith.index_cast %mul3A_189 : i32 to index
        %get3A_194 = tpu.vector_load %arg5[%get3A_191, %get3A_192, %get3A_193] {strides = array<i32>} : memref<2x2x2048xi32, #tpu.memory_space<vmem>>, vector<16xi32>,
        %gt3A_195 = arith.constant 0 : i32
        %gt3A_196 = vector.broadcast %gt3A_195 : i32 to vector<16xi32>
        %gt3A_197 = arith.cmpi sgt, %get3A_194, %gt3A_196 : vector<16xi32>
        %mul3A_198 = arith.constant 16 : i32
        %mul3A_199 = arith.muli %add3A_169, %mul3A_198 : i32
        %add3A_200 = arith.addi %mul3A_199, %mul3A_110 : i32
        %add3A_201 = vector.broadcast %add3A_200 : i32 to vector<16xi32>
        %add3A_202 = arith.addi %iota3A, %add3A_201 : vector<16xi32>
        %add3A_203 = arith.constant -1 : i32
        %add3A_204 = vector.broadcast %add3A_203 : i32 to vector<16xi32>
        %add3A_205 = arith.addi %get3A_194, %add3A_204 : vector<16xi32>
        %scatter3A_206 = arith.constant 0 : i32
        %scatter3A_207 = tpu.memref_slice %arg6[%rem3A_88, %scatter3A_206] : memref<2x80xi32, #tpu.memory_space<vmem>> -> memref<1x80xi32, #tpu.memory_space<vmem>>
        %scatter3A_208 = tpu.memref_squeeze %scatter3A_207 : memref<1x80xi32, #tpu.memory_space<vmem>> -> memref<80xi32, #tpu.memory_space<vmem>>
        tpu.vector_store_idx %scatter3A_208[%add3A_205], %add3A_202 masked %gt3A_197 : memref<80xi32, #tpu.memory_space<vmem>>[vector<16xi32>], vector<16xi32>, vector<16xi1>
      }
      %scan3A_135 = arith.constant 64 : i32
      %scan3A_136 = arith.constant 0 : i32
      %scan3A_137 = arith.constant 0 : i32
      %scan3A_138 = arith.constant 64 : i32
      %scan3A_139 = arith.addi %scan3A_137, %scan3A_138 : i32
      %scan3A_140 = arith.constant 1 : i32
      scf.for %scan3A_163 = %scan3A_137 to %scan3A_139 step %scan3A_140  : i32 {
        %mul3A_164 = arith.constant 2 : i32
        %mul3A_165 = arith.muli %mul3A_164, %scan3A_163 : i32
        %mul3A_166 = arith.constant 2 : i32
        %mul3A_167 = arith.muli %mul3A_166, %scan3A_163 : i32
        %add3A_168 = arith.constant 1 : i32
        %add3A_169 = arith.addi %mul3A_167, %add3A_168 : i32
        %mul3A_170 = arith.constant 16 : i32
        %mul3A_171 = arith.muli %mul3A_165, %mul3A_170 : i32
        %get3A = arith.constant 1 : i32
        %get3A_172 = arith.index_cast %rem3A_88 : i32 to index
        %get3A_173 = arith.index_cast %get3A : i32 to index
        %get3A_174 = arith.index_cast %mul3A_171 : i32 to index
        %get3A_175 = tpu.vector_load %arg5[%get3A_172, %get3A_173, %get3A_174] {strides = array<i32>} : memref<2x2x2048xi32, #tpu.memory_space<vmem>>, vector<16xi32>,
        %gt3A = arith.constant 0 : i32
        %gt3A_176 = vector.broadcast %gt3A : i32 to vector<16xi32>
        %gt3A_177 = arith.cmpi sgt, %get3A_175, %gt3A_176 : vector<16xi32>
        %mul3A_178 = arith.constant 16 : i32
        %mul3A_179 = arith.muli %mul3A_165, %mul3A_178 : i32
        %add3A_180 = arith.addi %mul3A_179, %mul3A_110 : i32
        %add3A_181 = vector.broadcast %add3A_180 : i32 to vector<16xi32>
        %add3A_182 = arith.addi %iota3A, %add3A_181 : vector<16xi32>
        %add3A_183 = arith.constant 39 : i32
        %add3A_184 = vector.broadcast %add3A_183 : i32 to vector<16xi32>
        %add3A_185 = arith.addi %get3A_175, %add3A_184 : vector<16xi32>
        %scatter3A = arith.constant 0 : i32
        %scatter3A_186 = tpu.memref_slice %arg6[%rem3A_88, %scatter3A] : memref<2x80xi32, #tpu.memory_space<vmem>> -> memref<1x80xi32, #tpu.memory_space<vmem>>
        %scatter3A_187 = tpu.memref_squeeze %scatter3A_186 : memref<1x80xi32, #tpu.memory_space<vmem>> -> memref<80xi32, #tpu.memory_space<vmem>>
        tpu.vector_store_idx %scatter3A_187[%add3A_185], %add3A_182 masked %gt3A_177 : memref<80xi32, #tpu.memory_space<vmem>>[vector<16xi32>], vector<16xi32>, vector<16xi1>
        %mul3A_188 = arith.constant 16 : i32
        %mul3A_189 = arith.muli %add3A_169, %mul3A_188 : i32
        %get3A_190 = arith.constant 1 : i32
        %get3A_191 = arith.index_cast %rem3A_88 : i32 to index
        %get3A_192 = arith.index_cast %get3A_190 : i32 to index
        %get3A_193 = arith.index_cast %mul3A_189 : i32 to index
        %get3A_194 = tpu.vector_load %arg5[%get3A_191, %get3A_192, %get3A_193] {strides = array<i32>} : memref<2x2x2048xi32, #tpu.memory_space<vmem>>, vector<16xi32>,
        %gt3A_195 = arith.constant 0 : i32
        %gt3A_196 = vector.broadcast %gt3A_195 : i32 to vector<16xi32>
        %gt3A_197 = arith.cmpi sgt, %get3A_194, %gt3A_196 : vector<16xi32>
        %mul3A_198 = arith.constant 16 : i32
        %mul3A_199 = arith.muli %add3A_169, %mul3A_198 : i32
        %add3A_200 = arith.addi %mul3A_199, %mul3A_110 : i32
        %add3A_201 = vector.broadcast %add3A_200 : i32 to vector<16xi32>
        %add3A_202 = arith.addi %iota3A, %add3A_201 : vector<16xi32>
        %add3A_203 = arith.constant 39 : i32
        %add3A_204 = vector.broadcast %add3A_203 : i32 to vector<16xi32>
        %add3A_205 = arith.addi %get3A_194, %add3A_204 : vector<16xi32>
        %scatter3A_206 = arith.constant 0 : i32
        %scatter3A_207 = tpu.memref_slice %arg6[%rem3A_88, %scatter3A_206] : memref<2x80xi32, #tpu.memory_space<vmem>> -> memref<1x80xi32, #tpu.memory_space<vmem>>
        %scatter3A_208 = tpu.memref_squeeze %scatter3A_207 : memref<1x80xi32, #tpu.memory_space<vmem>> -> memref<80xi32, #tpu.memory_space<vmem>>
        tpu.vector_store_idx %scatter3A_208[%add3A_205], %add3A_202 masked %gt3A_197 : memref<80xi32, #tpu.memory_space<vmem>>[vector<16xi32>], vector<16xi32>, vector<16xi1>
      }
      %scan3A_141 = arith.constant 64 : i32
      %ge3A = arith.constant 2 : i32
      %ge3A_142 = arith.cmpi sge, %scan3A_86, %ge3A : i32
      %convert_element_type3A_143 = arith.extui %ge3A_142 : i1 to i32
      %cond3A_144 = arith.constant 0 : i32
      %cond3A_145 = arith.cmpi ne, %convert_element_type3A_143, %cond3A_144 : i32
      scf.if %cond3A_145 {
        %dma_wait3A_163 = arith.constant 0 : i32
        %dma_wait3A_164 = arith.constant 0 : i32
        %dma_wait3A_165 = arith.constant 0 : i32
        %dma_wait3A_166 = tpu.memref_slice %arg7[%dma_wait3A_163, %dma_wait3A_164, %dma_wait3A_165] : memref<2x80x128xf32, #tpu.memory_space<vmem>> -> memref<1x80x128xf32, #tpu.memory_space<vmem>>
        %dma_wait3A_167 = tpu.memref_squeeze %dma_wait3A_166 : memref<1x80x128xf32, #tpu.memory_space<vmem>> -> memref<80x128xf32, #tpu.memory_space<vmem>>
        %dma_wait3A_168 = arith.constant 0 : i32
        %dma_wait3A_169 = arith.constant 0 : i32
        %dma_wait3A_170 = tpu.memref_slice %arg4[%dma_wait3A_168, %dma_wait3A_169] : memref<655360x128xf32, #tpu.memory_space<hbm>> -> memref<80x128xf32, #tpu.memory_space<hbm>>
        %dma_wait3A_171 = arith.constant 0 : i32
        %dma_wait3A_172 = arith.constant 0 : i32
        %dma_wait3A_173 = tpu.memref_slice %arg4[%dma_wait3A_171, %dma_wait3A_172] : memref<655360x128xf32, #tpu.memory_space<hbm>> -> memref<80x128xf32, #tpu.memory_space<hbm>>
        %dma_wait3A_174 = arith.constant 0 : i32
        %dma_wait3A_175 = arith.constant 0 : i32
        %dma_wait3A_176 = tpu.memref_slice %arg7[%dma_wait3A_163, %dma_wait3A_174, %dma_wait3A_175] : memref<2x80x128xf32, #tpu.memory_space<vmem>> -> memref<1x80x128xf32, #tpu.memory_space<vmem>>
        %dma_wait3A_177 = tpu.memref_squeeze %dma_wait3A_176 : memref<1x80x128xf32, #tpu.memory_space<vmem>> -> memref<80x128xf32, #tpu.memory_space<vmem>>
        tpu.wait_dma2 semaphore(%arg10 : memref<!tpu.dma_semaphore, #tpu.memory_space<semaphore_mem>>) src(%dma_wait3A_177 : memref<80x128xf32, #tpu.memory_space<vmem>>) dst(%dma_wait3A_173 : memref<80x128xf32, #tpu.memory_space<hbm>>)
      } else {
      }
      %rem3A_146 = arith.constant 2 : i32
      %rem3A_147 = arith.remsi %scan3A_86, %rem3A_146 : i32
      %dma_start3A_148 = arith.constant 0 : i32
      %dma_start3A_149 = arith.constant 0 : i32
      %dma_start3A_150 = tpu.memref_slice %arg7[%rem3A_147, %dma_start3A_148, %dma_start3A_149] : memref<2x80x128xf32, #tpu.memory_space<vmem>> -> memref<1x80x128xf32, #tpu.memory_space<vmem>>
      %dma_start3A_151 = tpu.memref_squeeze %dma_start3A_150 : memref<1x80x128xf32, #tpu.memory_space<vmem>> -> memref<80x128xf32, #tpu.memory_space<vmem>>
      %dma_start3A_152 = arith.constant 0 : i32
      %dma_start3A_153 = tpu.memref_slice %arg6[%rem3A_147, %dma_start3A_152] : memref<2x80xi32, #tpu.memory_space<vmem>> -> memref<1x80xi32, #tpu.memory_space<vmem>>
      %dma_start3A_154 = tpu.memref_squeeze %dma_start3A_153 : memref<1x80xi32, #tpu.memory_space<vmem>> -> memref<80xi32, #tpu.memory_space<vmem>>
      %dma_start3A_155 = arith.constant 0 : i32
      %dma_start3A_156 = arith.constant 0 : i32
      %dma_start3A_157 = tpu.memref_slice %arg3[%dma_start3A_155, %dma_start3A_156] : memref<16384x128xf32, #tpu.memory_space<hbm>> -> memref<16384x128xf32, #tpu.memory_space<hbm>>
      tpu.enqueue_indirect_dma source(%dma_start3A_157 : memref<16384x128xf32, #tpu.memory_space<hbm>>) target(%dma_start3A_151 : memref<80x128xf32, #tpu.memory_space<vmem>>) offsets(%dma_start3A_154 : memref<80xi32, #tpu.memory_space<vmem>>) semaphore(%arg9 : memref<!tpu.dma_semaphore, #tpu.memory_space<semaphore_mem>>)
      %ge3A_158 = arith.constant 1 : i32
      %ge3A_159 = arith.cmpi sge, %scan3A_86, %ge3A_158 : i32
      %convert_element_type3A_160 = arith.extui %ge3A_159 : i1 to i32
      %cond3A_161 = arith.constant 0 : i32
      %cond3A_162 = arith.cmpi ne, %convert_element_type3A_160, %cond3A_161 : i32
      scf.if %cond3A_162 {
        %dma_wait3A_163 = arith.constant 0 : i32
        %dma_wait3A_164 = arith.constant 0 : i32
        %dma_wait3A_165 = arith.constant 0 : i32
        %dma_wait3A_166 = tpu.memref_slice %arg7[%dma_wait3A_163, %dma_wait3A_164, %dma_wait3A_165] : memref<2x80x128xf32, #tpu.memory_space<vmem>> -> memref<1x80x128xf32, #tpu.memory_space<vmem>>
        %dma_wait3A_167 = tpu.memref_squeeze %dma_wait3A_166 : memref<1x80x128xf32, #tpu.memory_space<vmem>> -> memref<80x128xf32, #tpu.memory_space<vmem>>
        %dma_wait3A_168 = arith.constant 0 : i32
        %dma_wait3A_169 = arith.constant 0 : i32
        %dma_wait3A_170 = tpu.memref_slice %arg3[%dma_wait3A_168, %dma_wait3A_169] : memref<16384x128xf32, #tpu.memory_space<hbm>> -> memref<80x128xf32, #tpu.memory_space<hbm>>
        %dma_wait3A_171 = arith.constant 0 : i32
        %dma_wait3A_172 = arith.constant 0 : i32
        %dma_wait3A_173 = tpu.memref_slice %arg7[%dma_wait3A_163, %dma_wait3A_171, %dma_wait3A_172] : memref<2x80x128xf32, #tpu.memory_space<vmem>> -> memref<1x80x128xf32, #tpu.memory_space<vmem>>
        %dma_wait3A_174 = tpu.memref_squeeze %dma_wait3A_173 : memref<1x80x128xf32, #tpu.memory_space<vmem>> -> memref<80x128xf32, #tpu.memory_space<vmem>>
        %dma_wait3A_175 = arith.constant 0 : i32
        %dma_wait3A_176 = arith.constant 0 : i32
        %dma_wait3A_177 = tpu.memref_slice %arg3[%dma_wait3A_175, %dma_wait3A_176] : memref<16384x128xf32, #tpu.memory_space<hbm>> -> memref<80x128xf32, #tpu.memory_space<hbm>>
        tpu.wait_dma2 semaphore(%arg9 : memref<!tpu.dma_semaphore, #tpu.memory_space<semaphore_mem>>) src(%dma_wait3A_177 : memref<80x128xf32, #tpu.memory_space<hbm>>) dst(%dma_wait3A_174 : memref<80x128xf32, #tpu.memory_space<vmem>>)
        %sub3A_178 = arith.constant 1 : i32
        %sub3A_179 = arith.subi %scan3A_86, %sub3A_178 : i32
        %rem3A_180 = arith.constant 2 : i32
        %rem3A_181 = arith.remsi %sub3A_179, %rem3A_180 : i32
        %mul3A_182 = arith.constant 2 : i32
        %mul3A_183 = arith.muli %mul3A_182, %sub3A_179 : i32
        %add3A_184 = arith.addi %mul3A_2, %mul3A_183 : i32
        %mul3A_185 = arith.constant 40 : i32
        %mul3A_186 = arith.muli %add3A_184, %mul3A_185 : i32
        %dma_start3A_187 = arith.constant 0 : i32
        %dma_start3A_188 = arith.constant 0 : i32
        %dma_start3A_189 = tpu.memref_slice %arg7[%rem3A_181, %dma_start3A_187, %dma_start3A_188] : memref<2x80x128xf32, #tpu.memory_space<vmem>> -> memref<1x80x128xf32, #tpu.memory_space<vmem>>
        %dma_start3A_190 = tpu.memref_squeeze %dma_start3A_189 : memref<1x80x128xf32, #tpu.memory_space<vmem>> -> memref<80x128xf32, #tpu.memory_space<vmem>>
        %dma_start3A_191 = arith.constant 0 : i32
        %dma_start3A_192 = tpu.memref_slice %arg4[%mul3A_186, %dma_start3A_191] : memref<655360x128xf32, #tpu.memory_space<hbm>> -> memref<80x128xf32, #tpu.memory_space<hbm>>
        %dma_start3A_193 = arith.constant 0 : i32
        %dma_start3A_194 = tpu.memref_slice %arg4[%mul3A_186, %dma_start3A_193] : memref<655360x128xf32, #tpu.memory_space<hbm>> -> memref<80x128xf32, #tpu.memory_space<hbm>>
        %dma_start3A_195 = arith.constant 0 : i32
        %dma_start3A_196 = arith.constant 0 : i32
        %dma_start3A_197 = tpu.memref_slice %arg7[%rem3A_181, %dma_start3A_195, %dma_start3A_196] : memref<2x80x128xf32, #tpu.memory_space<vmem>> -> memref<1x80x128xf32, #tpu.memory_space<vmem>>
        %dma_start3A_198 = tpu.memref_squeeze %dma_start3A_197 : memref<1x80x128xf32, #tpu.memory_space<vmem>> -> memref<80x128xf32, #tpu.memory_space<vmem>>
        tpu.enqueue_dma source(%dma_start3A_198 : memref<80x128xf32, #tpu.memory_space<vmem>>) target(%dma_start3A_194 : memref<80x128xf32, #tpu.memory_space<hbm>>) target_semaphore(%arg10 : memref<!tpu.dma_semaphore, #tpu.memory_space<semaphore_mem>>)
      } else {
      }
    }
    %scan3A_22 = arith.constant 256 : i32
    %dma_wait3A = arith.constant 0 : i32
    %dma_wait3A_23 = arith.constant 0 : i32
    %dma_wait3A_24 = arith.constant 0 : i32
    %dma_wait3A_25 = tpu.memref_slice %arg7[%dma_wait3A, %dma_wait3A_23, %dma_wait3A_24] : memref<2x80x128xf32, #tpu.memory_space<vmem>> -> memref<1x80x128xf32, #tpu.memory_space<vmem>>
    %dma_wait3A_26 = tpu.memref_squeeze %dma_wait3A_25 : memref<1x80x128xf32, #tpu.memory_space<vmem>> -> memref<80x128xf32, #tpu.memory_space<vmem>>
    %dma_wait3A_27 = arith.constant 0 : i32
    %dma_wait3A_28 = arith.constant 0 : i32
    %dma_wait3A_29 = tpu.memref_slice %arg3[%dma_wait3A_27, %dma_wait3A_28] : memref<16384x128xf32, #tpu.memory_space<hbm>> -> memref<80x128xf32, #tpu.memory_space<hbm>>
    %dma_wait3A_30 = arith.constant 0 : i32
    %dma_wait3A_31 = arith.constant 0 : i32
    %dma_wait3A_32 = tpu.memref_slice %arg7[%dma_wait3A, %dma_wait3A_30, %dma_wait3A_31] : memref<2x80x128xf32, #tpu.memory_space<vmem>> -> memref<1x80x128xf32, #tpu.memory_space<vmem>>
    %dma_wait3A_33 = tpu.memref_squeeze %dma_wait3A_32 : memref<1x80x128xf32, #tpu.memory_space<vmem>> -> memref<80x128xf32, #tpu.memory_space<vmem>>
    %dma_wait3A_34 = arith.constant 0 : i32
    %dma_wait3A_35 = arith.constant 0 : i32
    %dma_wait3A_36 = tpu.memref_slice %arg3[%dma_wait3A_34, %dma_wait3A_35] : memref<16384x128xf32, #tpu.memory_space<hbm>> -> memref<80x128xf32, #tpu.memory_space<hbm>>
    tpu.wait_dma2 semaphore(%arg9 : memref<!tpu.dma_semaphore, #tpu.memory_space<semaphore_mem>>) src(%dma_wait3A_36 : memref<80x128xf32, #tpu.memory_space<hbm>>) dst(%dma_wait3A_33 : memref<80x128xf32, #tpu.memory_space<vmem>>)
    %rem3A_37 = arith.constant 255 : i32
    %rem3A_38 = arith.constant 2 : i32
    %rem3A_39 = arith.remsi %rem3A_37, %rem3A_38 : i32
    %add3A_40 = arith.constant 510 : i32
    %add3A_41 = arith.addi %mul3A_2, %add3A_40 : i32
    %mul3A_42 = arith.constant 40 : i32
    %mul3A_43 = arith.muli %add3A_41, %mul3A_42 : i32
    %dma_start3A_44 = arith.constant 0 : i32
    %dma_start3A_45 = arith.constant 0 : i32
    %dma_start3A_46 = tpu.memref_slice %arg7[%rem3A_39, %dma_start3A_44, %dma_start3A_45] : memref<2x80x128xf32, #tpu.memory_space<vmem>> -> memref<1x80x128xf32, #tpu.memory_space<vmem>>
    %dma_start3A_47 = tpu.memref_squeeze %dma_start3A_46 : memref<1x80x128xf32, #tpu.memory_space<vmem>> -> memref<80x128xf32, #tpu.memory_space<vmem>>
    %dma_start3A_48 = arith.constant 0 : i32
    %dma_start3A_49 = tpu.memref_slice %arg4[%mul3A_43, %dma_start3A_48] : memref<655360x128xf32, #tpu.memory_space<hbm>> -> memref<80x128xf32, #tpu.memory_space<hbm>>
    %dma_start3A_50 = arith.constant 0 : i32
    %dma_start3A_51 = tpu.memref_slice %arg4[%mul3A_43, %dma_start3A_50] : memref<655360x128xf32, #tpu.memory_space<hbm>> -> memref<80x128xf32, #tpu.memory_space<hbm>>
    %dma_start3A_52 = arith.constant 0 : i32
    %dma_start3A_53 = arith.constant 0 : i32
    %dma_start3A_54 = tpu.memref_slice %arg7[%rem3A_39, %dma_start3A_52, %dma_start3A_53] : memref<2x80x128xf32, #tpu.memory_space<vmem>> -> memref<1x80x128xf32, #tpu.memory_space<vmem>>
    %dma_start3A_55 = tpu.memref_squeeze %dma_start3A_54 : memref<1x80x128xf32, #tpu.memory_space<vmem>> -> memref<80x128xf32, #tpu.memory_space<vmem>>
    tpu.enqueue_dma source(%dma_start3A_55 : memref<80x128xf32, #tpu.memory_space<vmem>>) target(%dma_start3A_51 : memref<80x128xf32, #tpu.memory_space<hbm>>) target_semaphore(%arg10 : memref<!tpu.dma_semaphore, #tpu.memory_space<semaphore_mem>>)
    %dma_wait3A_56 = arith.constant 0 : i32
    %dma_wait3A_57 = arith.constant 0 : i32
    %dma_wait3A_58 = arith.constant 0 : i32
    %dma_wait3A_59 = tpu.memref_slice %arg7[%dma_wait3A_56, %dma_wait3A_57, %dma_wait3A_58] : memref<2x80x128xf32, #tpu.memory_space<vmem>> -> memref<1x80x128xf32, #tpu.memory_space<vmem>>
    %dma_wait3A_60 = tpu.memref_squeeze %dma_wait3A_59 : memref<1x80x128xf32, #tpu.memory_space<vmem>> -> memref<80x128xf32, #tpu.memory_space<vmem>>
    %dma_wait3A_61 = arith.constant 0 : i32
    %dma_wait3A_62 = arith.constant 0 : i32
    %dma_wait3A_63 = tpu.memref_slice %arg4[%dma_wait3A_61, %dma_wait3A_62] : memref<655360x128xf32, #tpu.memory_space<hbm>> -> memref<80x128xf32, #tpu.memory_space<hbm>>
    %dma_wait3A_64 = arith.constant 0 : i32
    %dma_wait3A_65 = arith.constant 0 : i32
    %dma_wait3A_66 = tpu.memref_slice %arg4[%dma_wait3A_64, %dma_wait3A_65] : memref<655360x128xf32, #tpu.memory_space<hbm>> -> memref<80x128xf32, #tpu.memory_space<hbm>>
    %dma_wait3A_67 = arith.constant 0 : i32
    %dma_wait3A_68 = arith.constant 0 : i32
    %dma_wait3A_69 = tpu.memref_slice %arg7[%dma_wait3A_56, %dma_wait3A_67, %dma_wait3A_68] : memref<2x80x128xf32, #tpu.memory_space<vmem>> -> memref<1x80x128xf32, #tpu.memory_space<vmem>>
    %dma_wait3A_70 = tpu.memref_squeeze %dma_wait3A_69 : memref<1x80x128xf32, #tpu.memory_space<vmem>> -> memref<80x128xf32, #tpu.memory_space<vmem>>
    tpu.wait_dma2 semaphore(%arg10 : memref<!tpu.dma_semaphore, #tpu.memory_space<semaphore_mem>>) src(%dma_wait3A_70 : memref<80x128xf32, #tpu.memory_space<vmem>>) dst(%dma_wait3A_66 : memref<80x128xf32, #tpu.memory_space<hbm>>)
    %dma_wait3A_71 = arith.constant 0 : i32
    %dma_wait3A_72 = arith.constant 0 : i32
    %dma_wait3A_73 = arith.constant 0 : i32
    %dma_wait3A_74 = tpu.memref_slice %arg7[%dma_wait3A_71, %dma_wait3A_72, %dma_wait3A_73] : memref<2x80x128xf32, #tpu.memory_space<vmem>> -> memref<1x80x128xf32, #tpu.memory_space<vmem>>
    %dma_wait3A_75 = tpu.memref_squeeze %dma_wait3A_74 : memref<1x80x128xf32, #tpu.memory_space<vmem>> -> memref<80x128xf32, #tpu.memory_space<vmem>>
    %dma_wait3A_76 = arith.constant 0 : i32
    %dma_wait3A_77 = arith.constant 0 : i32
    %dma_wait3A_78 = tpu.memref_slice %arg4[%dma_wait3A_76, %dma_wait3A_77] : memref<655360x128xf32, #tpu.memory_space<hbm>> -> memref<80x128xf32, #tpu.memory_space<hbm>>
    %dma_wait3A_79 = arith.constant 0 : i32
    %dma_wait3A_80 = arith.constant 0 : i32
    %dma_wait3A_81 = tpu.memref_slice %arg4[%dma_wait3A_79, %dma_wait3A_80] : memref<655360x128xf32, #tpu.memory_space<hbm>> -> memref<80x128xf32, #tpu.memory_space<hbm>>
    %dma_wait3A_82 = arith.constant 0 : i32
    %dma_wait3A_83 = arith.constant 0 : i32
    %dma_wait3A_84 = tpu.memref_slice %arg7[%dma_wait3A_71, %dma_wait3A_82, %dma_wait3A_83] : memref<2x80x128xf32, #tpu.memory_space<vmem>> -> memref<1x80x128xf32, #tpu.memory_space<vmem>>
    %dma_wait3A_85 = tpu.memref_squeeze %dma_wait3A_84 : memref<1x80x128xf32, #tpu.memory_space<vmem>> -> memref<80x128xf32, #tpu.memory_space<vmem>>
    tpu.wait_dma2 semaphore(%arg10 : memref<!tpu.dma_semaphore, #tpu.memory_space<semaphore_mem>>) src(%dma_wait3A_85 : memref<80x128xf32, #tpu.memory_space<vmem>>) dst(%dma_wait3A_81 : memref<80x128xf32, #tpu.memory_space<hbm>>)
    return
  }
}

#map = affine_map<(d0, d1) -> (0, 0)>
module attributes {stable_mosaic.version = 14 : i64} {
  func.func @topk_gather_k(%arg0: i32, %arg1: i32, %arg2: memref<16384x2048xi32, #tpu.memory_space<hbm>>, %arg3: memref<16384x128xf32, #tpu.memory_space<hbm>>, %arg4: memref<655360x128xf32, #tpu.memory_space<hbm>>, %arg5: memref<2x2x2048xi32, #tpu.memory_space<vmem>>, %arg6: memref<2x80xi32, #tpu.memory_space<vmem>>, %arg7: memref<2x80x128xf32, #tpu.memory_space<vmem>>, %arg8: memref<!tpu.dma_semaphore, #tpu.memory_space<semaphore_mem>>, %arg9: memref<!tpu.dma_semaphore, #tpu.memory_space<semaphore_mem>>, %arg10: memref<!tpu.dma_semaphore, #tpu.memory_space<semaphore_mem>>) attributes {dimension_semantics = [#tpu.dimension_semantics<core_parallel>, #tpu.dimension_semantics<subcore_parallel>], iteration_bounds = array<i64: 2, 16>, scalar_prefetch = 0 : i64, scratch_operands = 6 : i64, tpu.core_type = #tpu.core_type<sc_vector_subcore>, window_params = [{transform_indices = #map}, {transform_indices = #map}, {transform_indices = #map}]} {
    %mul3A = arith.constant 2 : i32
    %mul3A_0 = arith.muli %arg1, %mul3A : i32
    %add3A = arith.addi %mul3A_0, %arg0 : i32
    %mul3A_1 = arith.constant 512 : i32
    %mul3A_2 = arith.muli %add3A, %mul3A_1 : i32
    %iota3A = tpu.iota {dimensions = array<i32: 0>} : vector<16xi32>
    %rem3A = arith.constant 0 : i32
    %rem3A_3 = arith.constant 2 : i32
    %rem3A_4 = arith.remsi %rem3A, %rem3A_3 : i32
    %add3A_5 = arith.constant 0 : i32
    %add3A_6 = arith.addi %mul3A_2, %add3A_5 : i32
    %dma_start3A = arith.constant 0 : i32
    %dma_start3A_7 = arith.constant 0 : i32
    %dma_start3A_8 = tpu.memref_slice %arg5[%rem3A_4, %dma_start3A, %dma_start3A_7] : memref<2x2x2048xi32, #tpu.memory_space<vmem>> -> memref<1x2x2048xi32, #tpu.memory_space<vmem>>
    %dma_start3A_9 = tpu.memref_squeeze %dma_start3A_8 : memref<1x2x2048xi32, #tpu.memory_space<vmem>> -> memref<2x2048xi32, #tpu.memory_space<vmem>>
    %dma_start3A_10 = arith.constant 0 : i32
    %dma_start3A_11 = tpu.memref_slice %arg2[%add3A_6, %dma_start3A_10] : memref<16384x2048xi32, #tpu.memory_space<hbm>> -> memref<2x2048xi32, #tpu.memory_space<hbm>>
    %dma_start3A_12 = arith.constant 0 : i32
    %dma_start3A_13 = arith.constant 0 : i32
    %dma_start3A_14 = tpu.memref_slice %arg5[%rem3A_4, %dma_start3A_12, %dma_start3A_13] : memref<2x2x2048xi32, #tpu.memory_space<vmem>> -> memref<1x2x2048xi32, #tpu.memory_space<vmem>>
    %dma_start3A_15 = tpu.memref_squeeze %dma_start3A_14 : memref<1x2x2048xi32, #tpu.memory_space<vmem>> -> memref<2x2048xi32, #tpu.memory_space<vmem>>
    %dma_start3A_16 = arith.constant 0 : i32
    %dma_start3A_17 = tpu.memref_slice %arg2[%add3A_6, %dma_start3A_16] : memref<16384x2048xi32, #tpu.memory_space<hbm>> -> memref<2x2048xi32, #tpu.memory_space<hbm>>
    tpu.enqueue_dma source(%dma_start3A_17 : memref<2x2048xi32, #tpu.memory_space<hbm>>) target(%dma_start3A_15 : memref<2x2048xi32, #tpu.memory_space<vmem>>) target_semaphore(%arg8 : memref<!tpu.dma_semaphore, #tpu.memory_space<semaphore_mem>>)
    %scan3A = arith.constant 0 : i32
    %scan3A_18 = arith.constant 0 : i32
    %scan3A_19 = arith.constant 256 : i32
    %scan3A_20 = arith.addi %scan3A_18, %scan3A_19 : i32
    %scan3A_21 = arith.constant 1 : i32
    scf.for %scan3A_86 = %scan3A_18 to %scan3A_20 step %scan3A_21  : i32 {
      %rem3A_87 = arith.constant 2 : i32
      %rem3A_88 = arith.remsi %scan3A_86, %rem3A_87 : i32
      %mul3A_89 = arith.constant 2 : i32
      %mul3A_90 = arith.muli %mul3A_89, %scan3A_86 : i32
      %add3A_91 = arith.addi %mul3A_2, %mul3A_90 : i32
      %jit3A = arith.constant 2048 : i32
      %div3A = arith.divsi %add3A_91, %jit3A : i32
      %sign3A = arith.constant 0 : i32
      %sign3A_92 = arith.cmpi sgt, %add3A_91, %sign3A : i32
      %sign3A_93 = arith.extui %sign3A_92 : i1 to i32
      %sign3A_94 = arith.constant 0 : i32
      %sign3A_95 = arith.cmpi slt, %add3A_91, %sign3A_94 : i32
      %sign3A_96 = arith.extui %sign3A_95 : i1 to i32
      %sign3A_97 = arith.subi %sign3A_93, %sign3A_96 : i32
      %sign3A_98 = arith.constant 0 : i32
      %sign3A_99 = arith.cmpi sgt, %jit3A, %sign3A_98 : i32
      %sign3A_100 = arith.extui %sign3A_99 : i1 to i32
      %sign3A_101 = arith.constant 0 : i32
      %sign3A_102 = arith.cmpi slt, %jit3A, %sign3A_101 : i32
      %sign3A_103 = arith.extui %sign3A_102 : i1 to i32
      %sign3A_104 = arith.subi %sign3A_100, %sign3A_103 : i32
      %ne3A = arith.cmpi ne, %sign3A_97, %sign3A_104 : i32
      %rem3A_105 = arith.remsi %add3A_91, %jit3A : i32
      %ne3A_106 = arith.constant 0 : i32
      %ne3A_107 = arith.cmpi ne, %rem3A_105, %ne3A_106 : i32
      %and3A = arith.andi %ne3A, %ne3A_107 : i1
      %sub3A = arith.constant 1 : i32
      %sub3A_108 = arith.subi %div3A, %sub3A : i32
      %select_n3A = arith.select %and3A, %sub3A_108, %div3A : i32
      %mul3A_109 = arith.constant 2048 : i32
      %mul3A_110 = arith.muli %select_n3A, %mul3A_109 : i32
      %dma_wait3A_111 = arith.constant 0 : i32
      %dma_wait3A_112 = arith.constant 0 : i32
      %dma_wait3A_113 = arith.constant 0 : i32
      %dma_wait3A_114 = tpu.memref_slice %arg5[%dma_wait3A_111, %dma_wait3A_112, %dma_wait3A_113] : memref<2x2x2048xi32, #tpu.memory_space<vmem>> -> memref<1x2x2048xi32, #tpu.memory_space<vmem>>
      %dma_wait3A_115 = tpu.memref_squeeze %dma_wait3A_114 : memref<1x2x2048xi32, #tpu.memory_space<vmem>> -> memref<2x2048xi32, #tpu.memory_space<vmem>>
      %dma_wait3A_116 = arith.constant 0 : i32
      %dma_wait3A_117 = arith.constant 0 : i32
      %dma_wait3A_118 = tpu.memref_slice %arg2[%dma_wait3A_116, %dma_wait3A_117] : memref<16384x2048xi32, #tpu.memory_space<hbm>> -> memref<2x2048xi32, #tpu.memory_space<hbm>>
      %dma_wait3A_119 = arith.constant 0 : i32
      %dma_wait3A_120 = arith.constant 0 : i32
      %dma_wait3A_121 = tpu.memref_slice %arg5[%dma_wait3A_111, %dma_wait3A_119, %dma_wait3A_120] : memref<2x2x2048xi32, #tpu.memory_space<vmem>> -> memref<1x2x2048xi32, #tpu.memory_space<vmem>>
      %dma_wait3A_122 = tpu.memref_squeeze %dma_wait3A_121 : memref<1x2x2048xi32, #tpu.memory_space<vmem>> -> memref<2x2048xi32, #tpu.memory_space<vmem>>
      %dma_wait3A_123 = arith.constant 0 : i32
      %dma_wait3A_124 = arith.constant 0 : i32
      %dma_wait3A_125 = tpu.memref_slice %arg2[%dma_wait3A_123, %dma_wait3A_124] : memref<16384x2048xi32, #tpu.memory_space<hbm>> -> memref<2x2048xi32, #tpu.memory_space<hbm>>
      tpu.wait_dma2 semaphore(%arg8 : memref<!tpu.dma_semaphore, #tpu.memory_space<semaphore_mem>>) src(%dma_wait3A_125 : memref<2x2048xi32, #tpu.memory_space<hbm>>) dst(%dma_wait3A_122 : memref<2x2048xi32, #tpu.memory_space<vmem>>)
      %add3A_126 = arith.constant 1 : i32
      %add3A_127 = arith.addi %scan3A_86, %add3A_126 : i32
      %lt3A = arith.constant 256 : i32
      %lt3A_128 = arith.cmpi slt, %add3A_127, %lt3A : i32
      %convert_element_type3A = arith.extui %lt3A_128 : i1 to i32
      %cond3A = arith.constant 0 : i32
      %cond3A_129 = arith.cmpi ne, %convert_element_type3A, %cond3A : i32
      scf.if %cond3A_129 {
        %add3A_163 = arith.constant 1 : i32
        %add3A_164 = arith.addi %scan3A_86, %add3A_163 : i32
        %rem3A_165 = arith.constant 2 : i32
        %rem3A_166 = arith.remsi %add3A_164, %rem3A_165 : i32
        %mul3A_167 = arith.constant 2 : i32
        %mul3A_168 = arith.muli %mul3A_167, %add3A_164 : i32
        %add3A_169 = arith.addi %mul3A_2, %mul3A_168 : i32
        %dma_start3A_170 = arith.constant 0 : i32
        %dma_start3A_171 = arith.constant 0 : i32
        %dma_start3A_172 = tpu.memref_slice %arg5[%rem3A_166, %dma_start3A_170, %dma_start3A_171] : memref<2x2x2048xi32, #tpu.memory_space<vmem>> -> memref<1x2x2048xi32, #tpu.memory_space<vmem>>
        %dma_start3A_173 = tpu.memref_squeeze %dma_start3A_172 : memref<1x2x2048xi32, #tpu.memory_space<vmem>> -> memref<2x2048xi32, #tpu.memory_space<vmem>>
        %dma_start3A_174 = arith.constant 0 : i32
        %dma_start3A_175 = tpu.memref_slice %arg2[%add3A_169, %dma_start3A_174] : memref<16384x2048xi32, #tpu.memory_space<hbm>> -> memref<2x2048xi32, #tpu.memory_space<hbm>>
        %dma_start3A_176 = arith.constant 0 : i32
        %dma_start3A_177 = arith.constant 0 : i32
        %dma_start3A_178 = tpu.memref_slice %arg5[%rem3A_166, %dma_start3A_176, %dma_start3A_177] : memref<2x2x2048xi32, #tpu.memory_space<vmem>> -> memref<1x2x2048xi32, #tpu.memory_space<vmem>>
        %dma_start3A_179 = tpu.memref_squeeze %dma_start3A_178 : memref<1x2x2048xi32, #tpu.memory_space<vmem>> -> memref<2x2048xi32, #tpu.memory_space<vmem>>
        %dma_start3A_180 = arith.constant 0 : i32
        %dma_start3A_181 = tpu.memref_slice %arg2[%add3A_169, %dma_start3A_180] : memref<16384x2048xi32, #tpu.memory_space<hbm>> -> memref<2x2048xi32, #tpu.memory_space<hbm>>
        tpu.enqueue_dma source(%dma_start3A_181 : memref<2x2048xi32, #tpu.memory_space<hbm>>) target(%dma_start3A_179 : memref<2x2048xi32, #tpu.memory_space<vmem>>) target_semaphore(%arg8 : memref<!tpu.dma_semaphore, #tpu.memory_space<semaphore_mem>>)
      } else {
      }
      %scan3A_130 = arith.constant 0 : i32
      %scan3A_131 = arith.constant 0 : i32
      %scan3A_132 = arith.constant 64 : i32
      %scan3A_133 = arith.addi %scan3A_131, %scan3A_132 : i32
      %scan3A_134 = arith.constant 1 : i32
      scf.for %scan3A_163 = %scan3A_131 to %scan3A_133 step %scan3A_134  : i32 {
        %mul3A_164 = arith.constant 2 : i32
        %mul3A_165 = arith.muli %mul3A_164, %scan3A_163 : i32
        %mul3A_166 = arith.constant 2 : i32
        %mul3A_167 = arith.muli %mul3A_166, %scan3A_163 : i32
        %add3A_168 = arith.constant 1 : i32
        %add3A_169 = arith.addi %mul3A_167, %add3A_168 : i32
        %mul3A_170 = arith.constant 16 : i32
        %mul3A_171 = arith.muli %mul3A_165, %mul3A_170 : i32
        %get3A = arith.constant 0 : i32
        %get3A_172 = arith.index_cast %rem3A_88 : i32 to index
        %get3A_173 = arith.index_cast %get3A : i32 to index
        %get3A_174 = arith.index_cast %mul3A_171 : i32 to index
        %get3A_175 = tpu.vector_load %arg5[%get3A_172, %get3A_173, %get3A_174] {strides = array<i32>} : memref<2x2x2048xi32, #tpu.memory_space<vmem>>, vector<16xi32>,
        %gt3A = arith.constant 0 : i32
        %gt3A_176 = vector.broadcast %gt3A : i32 to vector<16xi32>
        %gt3A_177 = arith.cmpi sgt, %get3A_175, %gt3A_176 : vector<16xi32>
        %mul3A_178 = arith.constant 16 : i32
        %mul3A_179 = arith.muli %mul3A_165, %mul3A_178 : i32
        %add3A_180 = arith.addi %mul3A_179, %mul3A_110 : i32
        %add3A_181 = vector.broadcast %add3A_180 : i32 to vector<16xi32>
        %add3A_182 = arith.addi %iota3A, %add3A_181 : vector<16xi32>
        %add3A_183 = arith.constant -1 : i32
        %add3A_184 = vector.broadcast %add3A_183 : i32 to vector<16xi32>
        %add3A_185 = arith.addi %get3A_175, %add3A_184 : vector<16xi32>
        %scatter3A = arith.constant 0 : i32
        %scatter3A_186 = tpu.memref_slice %arg6[%rem3A_88, %scatter3A] : memref<2x80xi32, #tpu.memory_space<vmem>> -> memref<1x80xi32, #tpu.memory_space<vmem>>
        %scatter3A_187 = tpu.memref_squeeze %scatter3A_186 : memref<1x80xi32, #tpu.memory_space<vmem>> -> memref<80xi32, #tpu.memory_space<vmem>>
        tpu.vector_store_idx %scatter3A_187[%add3A_185], %add3A_182 masked %gt3A_177 : memref<80xi32, #tpu.memory_space<vmem>>[vector<16xi32>], vector<16xi32>, vector<16xi1>
        %mul3A_188 = arith.constant 16 : i32
        %mul3A_189 = arith.muli %add3A_169, %mul3A_188 : i32
        %get3A_190 = arith.constant 0 : i32
        %get3A_191 = arith.index_cast %rem3A_88 : i32 to index
        %get3A_192 = arith.index_cast %get3A_190 : i32 to index
        %get3A_193 = arith.index_cast %mul3A_189 : i32 to index
        %get3A_194 = tpu.vector_load %arg5[%get3A_191, %get3A_192, %get3A_193] {strides = array<i32>} : memref<2x2x2048xi32, #tpu.memory_space<vmem>>, vector<16xi32>,
        %gt3A_195 = arith.constant 0 : i32
        %gt3A_196 = vector.broadcast %gt3A_195 : i32 to vector<16xi32>
        %gt3A_197 = arith.cmpi sgt, %get3A_194, %gt3A_196 : vector<16xi32>
        %mul3A_198 = arith.constant 16 : i32
        %mul3A_199 = arith.muli %add3A_169, %mul3A_198 : i32
        %add3A_200 = arith.addi %mul3A_199, %mul3A_110 : i32
        %add3A_201 = vector.broadcast %add3A_200 : i32 to vector<16xi32>
        %add3A_202 = arith.addi %iota3A, %add3A_201 : vector<16xi32>
        %add3A_203 = arith.constant -1 : i32
        %add3A_204 = vector.broadcast %add3A_203 : i32 to vector<16xi32>
        %add3A_205 = arith.addi %get3A_194, %add3A_204 : vector<16xi32>
        %scatter3A_206 = arith.constant 0 : i32
        %scatter3A_207 = tpu.memref_slice %arg6[%rem3A_88, %scatter3A_206] : memref<2x80xi32, #tpu.memory_space<vmem>> -> memref<1x80xi32, #tpu.memory_space<vmem>>
        %scatter3A_208 = tpu.memref_squeeze %scatter3A_207 : memref<1x80xi32, #tpu.memory_space<vmem>> -> memref<80xi32, #tpu.memory_space<vmem>>
        tpu.vector_store_idx %scatter3A_208[%add3A_205], %add3A_202 masked %gt3A_197 : memref<80xi32, #tpu.memory_space<vmem>>[vector<16xi32>], vector<16xi32>, vector<16xi1>
      }
      %scan3A_135 = arith.constant 64 : i32
      %scan3A_136 = arith.constant 0 : i32
      %scan3A_137 = arith.constant 0 : i32
      %scan3A_138 = arith.constant 64 : i32
      %scan3A_139 = arith.addi %scan3A_137, %scan3A_138 : i32
      %scan3A_140 = arith.constant 1 : i32
      scf.for %scan3A_163 = %scan3A_137 to %scan3A_139 step %scan3A_140  : i32 {
        %mul3A_164 = arith.constant 2 : i32
        %mul3A_165 = arith.muli %mul3A_164, %scan3A_163 : i32
        %mul3A_166 = arith.constant 2 : i32
        %mul3A_167 = arith.muli %mul3A_166, %scan3A_163 : i32
        %add3A_168 = arith.constant 1 : i32
        %add3A_169 = arith.addi %mul3A_167, %add3A_168 : i32
        %mul3A_170 = arith.constant 16 : i32
        %mul3A_171 = arith.muli %mul3A_165, %mul3A_170 : i32
        %get3A = arith.constant 1 : i32
        %get3A_172 = arith.index_cast %rem3A_88 : i32 to index
        %get3A_173 = arith.index_cast %get3A : i32 to index
        %get3A_174 = arith.index_cast %mul3A_171 : i32 to index
        %get3A_175 = tpu.vector_load %arg5[%get3A_172, %get3A_173, %get3A_174] {strides = array<i32>} : memref<2x2x2048xi32, #tpu.memory_space<vmem>>, vector<16xi32>,
        %gt3A = arith.constant 0 : i32
        %gt3A_176 = vector.broadcast %gt3A : i32 to vector<16xi32>
        %gt3A_177 = arith.cmpi sgt, %get3A_175, %gt3A_176 : vector<16xi32>
        %mul3A_178 = arith.constant 16 : i32
        %mul3A_179 = arith.muli %mul3A_165, %mul3A_178 : i32
        %add3A_180 = arith.addi %mul3A_179, %mul3A_110 : i32
        %add3A_181 = vector.broadcast %add3A_180 : i32 to vector<16xi32>
        %add3A_182 = arith.addi %iota3A, %add3A_181 : vector<16xi32>
        %add3A_183 = arith.constant 39 : i32
        %add3A_184 = vector.broadcast %add3A_183 : i32 to vector<16xi32>
        %add3A_185 = arith.addi %get3A_175, %add3A_184 : vector<16xi32>
        %scatter3A = arith.constant 0 : i32
        %scatter3A_186 = tpu.memref_slice %arg6[%rem3A_88, %scatter3A] : memref<2x80xi32, #tpu.memory_space<vmem>> -> memref<1x80xi32, #tpu.memory_space<vmem>>
        %scatter3A_187 = tpu.memref_squeeze %scatter3A_186 : memref<1x80xi32, #tpu.memory_space<vmem>> -> memref<80xi32, #tpu.memory_space<vmem>>
        tpu.vector_store_idx %scatter3A_187[%add3A_185], %add3A_182 masked %gt3A_177 : memref<80xi32, #tpu.memory_space<vmem>>[vector<16xi32>], vector<16xi32>, vector<16xi1>
        %mul3A_188 = arith.constant 16 : i32
        %mul3A_189 = arith.muli %add3A_169, %mul3A_188 : i32
        %get3A_190 = arith.constant 1 : i32
        %get3A_191 = arith.index_cast %rem3A_88 : i32 to index
        %get3A_192 = arith.index_cast %get3A_190 : i32 to index
        %get3A_193 = arith.index_cast %mul3A_189 : i32 to index
        %get3A_194 = tpu.vector_load %arg5[%get3A_191, %get3A_192, %get3A_193] {strides = array<i32>} : memref<2x2x2048xi32, #tpu.memory_space<vmem>>, vector<16xi32>,
        %gt3A_195 = arith.constant 0 : i32
        %gt3A_196 = vector.broadcast %gt3A_195 : i32 to vector<16xi32>
        %gt3A_197 = arith.cmpi sgt, %get3A_194, %gt3A_196 : vector<16xi32>
        %mul3A_198 = arith.constant 16 : i32
        %mul3A_199 = arith.muli %add3A_169, %mul3A_198 : i32
        %add3A_200 = arith.addi %mul3A_199, %mul3A_110 : i32
        %add3A_201 = vector.broadcast %add3A_200 : i32 to vector<16xi32>
        %add3A_202 = arith.addi %iota3A, %add3A_201 : vector<16xi32>
        %add3A_203 = arith.constant 39 : i32
        %add3A_204 = vector.broadcast %add3A_203 : i32 to vector<16xi32>
        %add3A_205 = arith.addi %get3A_194, %add3A_204 : vector<16xi32>
        %scatter3A_206 = arith.constant 0 : i32
        %scatter3A_207 = tpu.memref_slice %arg6[%rem3A_88, %scatter3A_206] : memref<2x80xi32, #tpu.memory_space<vmem>> -> memref<1x80xi32, #tpu.memory_space<vmem>>
        %scatter3A_208 = tpu.memref_squeeze %scatter3A_207 : memref<1x80xi32, #tpu.memory_space<vmem>> -> memref<80xi32, #tpu.memory_space<vmem>>
        tpu.vector_store_idx %scatter3A_208[%add3A_205], %add3A_202 masked %gt3A_197 : memref<80xi32, #tpu.memory_space<vmem>>[vector<16xi32>], vector<16xi32>, vector<16xi1>
      }
      %scan3A_141 = arith.constant 64 : i32
      %ge3A = arith.constant 2 : i32
      %ge3A_142 = arith.cmpi sge, %scan3A_86, %ge3A : i32
      %convert_element_type3A_143 = arith.extui %ge3A_142 : i1 to i32
      %cond3A_144 = arith.constant 0 : i32
      %cond3A_145 = arith.cmpi ne, %convert_element_type3A_143, %cond3A_144 : i32
      scf.if %cond3A_145 {
        %dma_wait3A_163 = arith.constant 0 : i32
        %dma_wait3A_164 = arith.constant 0 : i32
        %dma_wait3A_165 = arith.constant 0 : i32
        %dma_wait3A_166 = tpu.memref_slice %arg7[%dma_wait3A_163, %dma_wait3A_164, %dma_wait3A_165] : memref<2x80x128xf32, #tpu.memory_space<vmem>> -> memref<1x80x128xf32, #tpu.memory_space<vmem>>
        %dma_wait3A_167 = tpu.memref_squeeze %dma_wait3A_166 : memref<1x80x128xf32, #tpu.memory_space<vmem>> -> memref<80x128xf32, #tpu.memory_space<vmem>>
        %dma_wait3A_168 = arith.constant 0 : i32
        %dma_wait3A_169 = arith.constant 0 : i32
        %dma_wait3A_170 = tpu.memref_slice %arg4[%dma_wait3A_168, %dma_wait3A_169] : memref<655360x128xf32, #tpu.memory_space<hbm>> -> memref<80x128xf32, #tpu.memory_space<hbm>>
        %dma_wait3A_171 = arith.constant 0 : i32
        %dma_wait3A_172 = arith.constant 0 : i32
        %dma_wait3A_173 = tpu.memref_slice %arg4[%dma_wait3A_171, %dma_wait3A_172] : memref<655360x128xf32, #tpu.memory_space<hbm>> -> memref<80x128xf32, #tpu.memory_space<hbm>>
        %dma_wait3A_174 = arith.constant 0 : i32
        %dma_wait3A_175 = arith.constant 0 : i32
        %dma_wait3A_176 = tpu.memref_slice %arg7[%dma_wait3A_163, %dma_wait3A_174, %dma_wait3A_175] : memref<2x80x128xf32, #tpu.memory_space<vmem>> -> memref<1x80x128xf32, #tpu.memory_space<vmem>>
        %dma_wait3A_177 = tpu.memref_squeeze %dma_wait3A_176 : memref<1x80x128xf32, #tpu.memory_space<vmem>> -> memref<80x128xf32, #tpu.memory_space<vmem>>
        tpu.wait_dma2 semaphore(%arg10 : memref<!tpu.dma_semaphore, #tpu.memory_space<semaphore_mem>>) src(%dma_wait3A_177 : memref<80x128xf32, #tpu.memory_space<vmem>>) dst(%dma_wait3A_173 : memref<80x128xf32, #tpu.memory_space<hbm>>)
      } else {
      }
      %rem3A_146 = arith.constant 2 : i32
      %rem3A_147 = arith.remsi %scan3A_86, %rem3A_146 : i32
      %dma_start3A_148 = arith.constant 0 : i32
      %dma_start3A_149 = arith.constant 0 : i32
      %dma_start3A_150 = tpu.memref_slice %arg7[%rem3A_147, %dma_start3A_148, %dma_start3A_149] : memref<2x80x128xf32, #tpu.memory_space<vmem>> -> memref<1x80x128xf32, #tpu.memory_space<vmem>>
      %dma_start3A_151 = tpu.memref_squeeze %dma_start3A_150 : memref<1x80x128xf32, #tpu.memory_space<vmem>> -> memref<80x128xf32, #tpu.memory_space<vmem>>
      %dma_start3A_152 = arith.constant 0 : i32
      %dma_start3A_153 = tpu.memref_slice %arg6[%rem3A_147, %dma_start3A_152] : memref<2x80xi32, #tpu.memory_space<vmem>> -> memref<1x80xi32, #tpu.memory_space<vmem>>
      %dma_start3A_154 = tpu.memref_squeeze %dma_start3A_153 : memref<1x80xi32, #tpu.memory_space<vmem>> -> memref<80xi32, #tpu.memory_space<vmem>>
      %dma_start3A_155 = arith.constant 0 : i32
      %dma_start3A_156 = arith.constant 0 : i32
      %dma_start3A_157 = tpu.memref_slice %arg3[%dma_start3A_155, %dma_start3A_156] : memref<16384x128xf32, #tpu.memory_space<hbm>> -> memref<16384x128xf32, #tpu.memory_space<hbm>>
      tpu.enqueue_indirect_dma source(%dma_start3A_157 : memref<16384x128xf32, #tpu.memory_space<hbm>>) target(%dma_start3A_151 : memref<80x128xf32, #tpu.memory_space<vmem>>) offsets(%dma_start3A_154 : memref<80xi32, #tpu.memory_space<vmem>>) semaphore(%arg9 : memref<!tpu.dma_semaphore, #tpu.memory_space<semaphore_mem>>)
      %ge3A_158 = arith.constant 1 : i32
      %ge3A_159 = arith.cmpi sge, %scan3A_86, %ge3A_158 : i32
      %convert_element_type3A_160 = arith.extui %ge3A_159 : i1 to i32
      %cond3A_161 = arith.constant 0 : i32
      %cond3A_162 = arith.cmpi ne, %convert_element_type3A_160, %cond3A_161 : i32
      scf.if %cond3A_162 {
        %dma_wait3A_163 = arith.constant 0 : i32
        %dma_wait3A_164 = arith.constant 0 : i32
        %dma_wait3A_165 = arith.constant 0 : i32
        %dma_wait3A_166 = tpu.memref_slice %arg7[%dma_wait3A_163, %dma_wait3A_164, %dma_wait3A_165] : memref<2x80x128xf32, #tpu.memory_space<vmem>> -> memref<1x80x128xf32, #tpu.memory_space<vmem>>
        %dma_wait3A_167 = tpu.memref_squeeze %dma_wait3A_166 : memref<1x80x128xf32, #tpu.memory_space<vmem>> -> memref<80x128xf32, #tpu.memory_space<vmem>>
        %dma_wait3A_168 = arith.constant 0 : i32
        %dma_wait3A_169 = arith.constant 0 : i32
        %dma_wait3A_170 = tpu.memref_slice %arg3[%dma_wait3A_168, %dma_wait3A_169] : memref<16384x128xf32, #tpu.memory_space<hbm>> -> memref<80x128xf32, #tpu.memory_space<hbm>>
        %dma_wait3A_171 = arith.constant 0 : i32
        %dma_wait3A_172 = arith.constant 0 : i32
        %dma_wait3A_173 = tpu.memref_slice %arg7[%dma_wait3A_163, %dma_wait3A_171, %dma_wait3A_172] : memref<2x80x128xf32, #tpu.memory_space<vmem>> -> memref<1x80x128xf32, #tpu.memory_space<vmem>>
        %dma_wait3A_174 = tpu.memref_squeeze %dma_wait3A_173 : memref<1x80x128xf32, #tpu.memory_space<vmem>> -> memref<80x128xf32, #tpu.memory_space<vmem>>
        %dma_wait3A_175 = arith.constant 0 : i32
        %dma_wait3A_176 = arith.constant 0 : i32
        %dma_wait3A_177 = tpu.memref_slice %arg3[%dma_wait3A_175, %dma_wait3A_176] : memref<16384x128xf32, #tpu.memory_space<hbm>> -> memref<80x128xf32, #tpu.memory_space<hbm>>
        tpu.wait_dma2 semaphore(%arg9 : memref<!tpu.dma_semaphore, #tpu.memory_space<semaphore_mem>>) src(%dma_wait3A_177 : memref<80x128xf32, #tpu.memory_space<hbm>>) dst(%dma_wait3A_174 : memref<80x128xf32, #tpu.memory_space<vmem>>)
        %sub3A_178 = arith.constant 1 : i32
        %sub3A_179 = arith.subi %scan3A_86, %sub3A_178 : i32
        %rem3A_180 = arith.constant 2 : i32
        %rem3A_181 = arith.remsi %sub3A_179, %rem3A_180 : i32
        %mul3A_182 = arith.constant 2 : i32
        %mul3A_183 = arith.muli %mul3A_182, %sub3A_179 : i32
        %add3A_184 = arith.addi %mul3A_2, %mul3A_183 : i32
        %mul3A_185 = arith.constant 40 : i32
        %mul3A_186 = arith.muli %add3A_184, %mul3A_185 : i32
        %dma_start3A_187 = arith.constant 0 : i32
        %dma_start3A_188 = arith.constant 0 : i32
        %dma_start3A_189 = tpu.memref_slice %arg7[%rem3A_181, %dma_start3A_187, %dma_start3A_188] : memref<2x80x128xf32, #tpu.memory_space<vmem>> -> memref<1x80x128xf32, #tpu.memory_space<vmem>>
        %dma_start3A_190 = tpu.memref_squeeze %dma_start3A_189 : memref<1x80x128xf32, #tpu.memory_space<vmem>> -> memref<80x128xf32, #tpu.memory_space<vmem>>
        %dma_start3A_191 = arith.constant 0 : i32
        %dma_start3A_192 = tpu.memref_slice %arg4[%mul3A_186, %dma_start3A_191] : memref<655360x128xf32, #tpu.memory_space<hbm>> -> memref<80x128xf32, #tpu.memory_space<hbm>>
        %dma_start3A_193 = arith.constant 0 : i32
        %dma_start3A_194 = tpu.memref_slice %arg4[%mul3A_186, %dma_start3A_193] : memref<655360x128xf32, #tpu.memory_space<hbm>> -> memref<80x128xf32, #tpu.memory_space<hbm>>
        %dma_start3A_195 = arith.constant 0 : i32
        %dma_start3A_196 = arith.constant 0 : i32
        %dma_start3A_197 = tpu.memref_slice %arg7[%rem3A_181, %dma_start3A_195, %dma_start3A_196] : memref<2x80x128xf32, #tpu.memory_space<vmem>> -> memref<1x80x128xf32, #tpu.memory_space<vmem>>
        %dma_start3A_198 = tpu.memref_squeeze %dma_start3A_197 : memref<1x80x128xf32, #tpu.memory_space<vmem>> -> memref<80x128xf32, #tpu.memory_space<vmem>>
        tpu.enqueue_dma source(%dma_start3A_198 : memref<80x128xf32, #tpu.memory_space<vmem>>) target(%dma_start3A_194 : memref<80x128xf32, #tpu.memory_space<hbm>>) target_semaphore(%arg10 : memref<!tpu.dma_semaphore, #tpu.memory_space<semaphore_mem>>)
      } else {
      }
    }
    %scan3A_22 = arith.constant 256 : i32
    %dma_wait3A = arith.constant 0 : i32
    %dma_wait3A_23 = arith.constant 0 : i32
    %dma_wait3A_24 = arith.constant 0 : i32
    %dma_wait3A_25 = tpu.memref_slice %arg7[%dma_wait3A, %dma_wait3A_23, %dma_wait3A_24] : memref<2x80x128xf32, #tpu.memory_space<vmem>> -> memref<1x80x128xf32, #tpu.memory_space<vmem>>
    %dma_wait3A_26 = tpu.memref_squeeze %dma_wait3A_25 : memref<1x80x128xf32, #tpu.memory_space<vmem>> -> memref<80x128xf32, #tpu.memory_space<vmem>>
    %dma_wait3A_27 = arith.constant 0 : i32
    %dma_wait3A_28 = arith.constant 0 : i32
    %dma_wait3A_29 = tpu.memref_slice %arg3[%dma_wait3A_27, %dma_wait3A_28] : memref<16384x128xf32, #tpu.memory_space<hbm>> -> memref<80x128xf32, #tpu.memory_space<hbm>>
    %dma_wait3A_30 = arith.constant 0 : i32
    %dma_wait3A_31 = arith.constant 0 : i32
    %dma_wait3A_32 = tpu.memref_slice %arg7[%dma_wait3A, %dma_wait3A_30, %dma_wait3A_31] : memref<2x80x128xf32, #tpu.memory_space<vmem>> -> memref<1x80x128xf32, #tpu.memory_space<vmem>>
    %dma_wait3A_33 = tpu.memref_squeeze %dma_wait3A_32 : memref<1x80x128xf32, #tpu.memory_space<vmem>> -> memref<80x128xf32, #tpu.memory_space<vmem>>
    %dma_wait3A_34 = arith.constant 0 : i32
    %dma_wait3A_35 = arith.constant 0 : i32
    %dma_wait3A_36 = tpu.memref_slice %arg3[%dma_wait3A_34, %dma_wait3A_35] : memref<16384x128xf32, #tpu.memory_space<hbm>> -> memref<80x128xf32, #tpu.memory_space<hbm>>
    tpu.wait_dma2 semaphore(%arg9 : memref<!tpu.dma_semaphore, #tpu.memory_space<semaphore_mem>>) src(%dma_wait3A_36 : memref<80x128xf32, #tpu.memory_space<hbm>>) dst(%dma_wait3A_33 : memref<80x128xf32, #tpu.memory_space<vmem>>)
    %rem3A_37 = arith.constant 255 : i32
    %rem3A_38 = arith.constant 2 : i32
    %rem3A_39 = arith.remsi %rem3A_37, %rem3A_38 : i32
    %add3A_40 = arith.constant 510 : i32
    %add3A_41 = arith.addi %mul3A_2, %add3A_40 : i32
    %mul3A_42 = arith.constant 40 : i32
    %mul3A_43 = arith.muli %add3A_41, %mul3A_42 : i32
    %dma_start3A_44 = arith.constant 0 : i32
    %dma_start3A_45 = arith.constant 0 : i32
    %dma_start3A_46 = tpu.memref_slice %arg7[%rem3A_39, %dma_start3A_44, %dma_start3A_45] : memref<2x80x128xf32, #tpu.memory_space<vmem>> -> memref<1x80x128xf32, #tpu.memory_space<vmem>>
    %dma_start3A_47 = tpu.memref_squeeze %dma_start3A_46 : memref<1x80x128xf32, #tpu.memory_space<vmem>> -> memref<80x128xf32, #tpu.memory_space<vmem>>
    %dma_start3A_48 = arith.constant 0 : i32
    %dma_start3A_49 = tpu.memref_slice %arg4[%mul3A_43, %dma_start3A_48] : memref<655360x128xf32, #tpu.memory_space<hbm>> -> memref<80x128xf32, #tpu.memory_space<hbm>>
    %dma_start3A_50 = arith.constant 0 : i32
    %dma_start3A_51 = tpu.memref_slice %arg4[%mul3A_43, %dma_start3A_50] : memref<655360x128xf32, #tpu.memory_space<hbm>> -> memref<80x128xf32, #tpu.memory_space<hbm>>
    %dma_start3A_52 = arith.constant 0 : i32
    %dma_start3A_53 = arith.constant 0 : i32
    %dma_start3A_54 = tpu.memref_slice %arg7[%rem3A_39, %dma_start3A_52, %dma_start3A_53] : memref<2x80x128xf32, #tpu.memory_space<vmem>> -> memref<1x80x128xf32, #tpu.memory_space<vmem>>
    %dma_start3A_55 = tpu.memref_squeeze %dma_start3A_54 : memref<1x80x128xf32, #tpu.memory_space<vmem>> -> memref<80x128xf32, #tpu.memory_space<vmem>>
    tpu.enqueue_dma source(%dma_start3A_55 : memref<80x128xf32, #tpu.memory_space<vmem>>) target(%dma_start3A_51 : memref<80x128xf32, #tpu.memory_space<hbm>>) target_semaphore(%arg10 : memref<!tpu.dma_semaphore, #tpu.memory_space<semaphore_mem>>)
    %dma_wait3A_56 = arith.constant 0 : i32
    %dma_wait3A_57 = arith.constant 0 : i32
    %dma_wait3A_58 = arith.constant 0 : i32
    %dma_wait3A_59 = tpu.memref_slice %arg7[%dma_wait3A_56, %dma_wait3A_57, %dma_wait3A_58] : memref<2x80x128xf32, #tpu.memory_space<vmem>> -> memref<1x80x128xf32, #tpu.memory_space<vmem>>
    %dma_wait3A_60 = tpu.memref_squeeze %dma_wait3A_59 : memref<1x80x128xf32, #tpu.memory_space<vmem>> -> memref<80x128xf32, #tpu.memory_space<vmem>>
    %dma_wait3A_61 = arith.constant 0 : i32
    %dma_wait3A_62 = arith.constant 0 : i32
    %dma_wait3A_63 = tpu.memref_slice %arg4[%dma_wait3A_61, %dma_wait3A_62] : memref<655360x128xf32, #tpu.memory_space<hbm>> -> memref<80x128xf32, #tpu.memory_space<hbm>>
    %dma_wait3A_64 = arith.constant 0 : i32
    %dma_wait3A_65 = arith.constant 0 : i32
    %dma_wait3A_66 = tpu.memref_slice %arg4[%dma_wait3A_64, %dma_wait3A_65] : memref<655360x128xf32, #tpu.memory_space<hbm>> -> memref<80x128xf32, #tpu.memory_space<hbm>>
    %dma_wait3A_67 = arith.constant 0 : i32
    %dma_wait3A_68 = arith.constant 0 : i32
    %dma_wait3A_69 = tpu.memref_slice %arg7[%dma_wait3A_56, %dma_wait3A_67, %dma_wait3A_68] : memref<2x80x128xf32, #tpu.memory_space<vmem>> -> memref<1x80x128xf32, #tpu.memory_space<vmem>>
    %dma_wait3A_70 = tpu.memref_squeeze %dma_wait3A_69 : memref<1x80x128xf32, #tpu.memory_space<vmem>> -> memref<80x128xf32, #tpu.memory_space<vmem>>
    tpu.wait_dma2 semaphore(%arg10 : memref<!tpu.dma_semaphore, #tpu.memory_space<semaphore_mem>>) src(%dma_wait3A_70 : memref<80x128xf32, #tpu.memory_space<vmem>>) dst(%dma_wait3A_66 : memref<80x128xf32, #tpu.memory_space<hbm>>)
    %dma_wait3A_71 = arith.constant 0 : i32
    %dma_wait3A_72 = arith.constant 0 : i32
    %dma_wait3A_73 = arith.constant 0 : i32
    %dma_wait3A_74 = tpu.memref_slice %arg7[%dma_wait3A_71, %dma_wait3A_72, %dma_wait3A_73] : memref<2x80x128xf32, #tpu.memory_space<vmem>> -> memref<1x80x128xf32, #tpu.memory_space<vmem>>
    %dma_wait3A_75 = tpu.memref_squeeze %dma_wait3A_74 : memref<1x80x128xf32, #tpu.memory_space<vmem>> -> memref<80x128xf32, #tpu.memory_space<vmem>>
    %dma_wait3A_76 = arith.constant 0 : i32
    %dma_wait3A_77 = arith.constant 0 : i32
    %dma_wait3A_78 = tpu.memref_slice %arg4[%dma_wait3A_76, %dma_wait3A_77] : memref<655360x128xf32, #tpu.memory_space<hbm>> -> memref<80x128xf32, #tpu.memory_space<hbm>>
    %dma_wait3A_79 = arith.constant 0 : i32
    %dma_wait3A_80 = arith.constant 0 : i32
    %dma_wait3A_81 = tpu.memref_slice %arg4[%dma_wait3A_79, %dma_wait3A_80] : memref<655360x128xf32, #tpu.memory_space<hbm>> -> memref<80x128xf32, #tpu.memory_space<hbm>>
    %dma_wait3A_82 = arith.constant 0 : i32
    %dma_wait3A_83 = arith.constant 0 : i32
    %dma_wait3A_84 = tpu.memref_slice %arg7[%dma_wait3A_71, %dma_wait3A_82, %dma_wait3A_83] : memref<2x80x128xf32, #tpu.memory_space<vmem>> -> memref<1x80x128xf32, #tpu.memory_space<vmem>>
    %dma_wait3A_85 = tpu.memref_squeeze %dma_wait3A_84 : memref<1x80x128xf32, #tpu.memory_space<vmem>> -> memref<80x128xf32, #tpu.memory_space<vmem>>
    tpu.wait_dma2 semaphore(%arg10 : memref<!tpu.dma_semaphore, #tpu.memory_space<semaphore_mem>>) src(%dma_wait3A_85 : memref<80x128xf32, #tpu.memory_space<vmem>>) dst(%dma_wait3A_81 : memref<80x128xf32, #tpu.memory_space<hbm>>)
    return
  }
}

#map = affine_map<(d0, d1) -> (0, 0)>
module attributes {stable_mosaic.version = 14 : i64} {
  func.func @topk_gather_k(%arg0: i32, %arg1: i32, %arg2: memref<16384x2048xi32, #tpu.memory_space<hbm>>, %arg3: memref<16384x128xf32, #tpu.memory_space<hbm>>, %arg4: memref<655360x128xf32, #tpu.memory_space<hbm>>, %arg5: memref<2x2x2048xi32, #tpu.memory_space<vmem>>, %arg6: memref<2x80xi32, #tpu.memory_space<vmem>>, %arg7: memref<2x80x128xf32, #tpu.memory_space<vmem>>, %arg8: memref<!tpu.dma_semaphore, #tpu.memory_space<semaphore_mem>>, %arg9: memref<!tpu.dma_semaphore, #tpu.memory_space<semaphore_mem>>, %arg10: memref<!tpu.dma_semaphore, #tpu.memory_space<semaphore_mem>>) attributes {dimension_semantics = [#tpu.dimension_semantics<core_parallel>, #tpu.dimension_semantics<subcore_parallel>], iteration_bounds = array<i64: 2, 16>, scalar_prefetch = 0 : i64, scratch_operands = 6 : i64, tpu.core_type = #tpu.core_type<sc_vector_subcore>, window_params = [{transform_indices = #map}, {transform_indices = #map}, {transform_indices = #map}]} {
    %mul3A = arith.constant 2 : i32
    %mul3A_0 = arith.muli %arg1, %mul3A : i32
    %add3A = arith.addi %mul3A_0, %arg0 : i32
    %mul3A_1 = arith.constant 512 : i32
    %mul3A_2 = arith.muli %add3A, %mul3A_1 : i32
    %iota3A = tpu.iota {dimensions = array<i32: 0>} : vector<16xi32>
    %rem3A = arith.constant 0 : i32
    %rem3A_3 = arith.constant 2 : i32
    %rem3A_4 = arith.remsi %rem3A, %rem3A_3 : i32
    %add3A_5 = arith.constant 0 : i32
    %add3A_6 = arith.addi %mul3A_2, %add3A_5 : i32
    %dma_start3A = arith.constant 0 : i32
    %dma_start3A_7 = arith.constant 0 : i32
    %dma_start3A_8 = tpu.memref_slice %arg5[%rem3A_4, %dma_start3A, %dma_start3A_7] : memref<2x2x2048xi32, #tpu.memory_space<vmem>> -> memref<1x2x2048xi32, #tpu.memory_space<vmem>>
    %dma_start3A_9 = tpu.memref_squeeze %dma_start3A_8 : memref<1x2x2048xi32, #tpu.memory_space<vmem>> -> memref<2x2048xi32, #tpu.memory_space<vmem>>
    %dma_start3A_10 = arith.constant 0 : i32
    %dma_start3A_11 = tpu.memref_slice %arg2[%add3A_6, %dma_start3A_10] : memref<16384x2048xi32, #tpu.memory_space<hbm>> -> memref<2x2048xi32, #tpu.memory_space<hbm>>
    %dma_start3A_12 = arith.constant 0 : i32
    %dma_start3A_13 = arith.constant 0 : i32
    %dma_start3A_14 = tpu.memref_slice %arg5[%rem3A_4, %dma_start3A_12, %dma_start3A_13] : memref<2x2x2048xi32, #tpu.memory_space<vmem>> -> memref<1x2x2048xi32, #tpu.memory_space<vmem>>
    %dma_start3A_15 = tpu.memref_squeeze %dma_start3A_14 : memref<1x2x2048xi32, #tpu.memory_space<vmem>> -> memref<2x2048xi32, #tpu.memory_space<vmem>>
    %dma_start3A_16 = arith.constant 0 : i32
    %dma_start3A_17 = tpu.memref_slice %arg2[%add3A_6, %dma_start3A_16] : memref<16384x2048xi32, #tpu.memory_space<hbm>> -> memref<2x2048xi32, #tpu.memory_space<hbm>>
    tpu.enqueue_dma source(%dma_start3A_17 : memref<2x2048xi32, #tpu.memory_space<hbm>>) target(%dma_start3A_15 : memref<2x2048xi32, #tpu.memory_space<vmem>>) target_semaphore(%arg8 : memref<!tpu.dma_semaphore, #tpu.memory_space<semaphore_mem>>)
    %scan3A = arith.constant 0 : i32
    %scan3A_18 = arith.constant 0 : i32
    %scan3A_19 = arith.constant 256 : i32
    %scan3A_20 = arith.addi %scan3A_18, %scan3A_19 : i32
    %scan3A_21 = arith.constant 1 : i32
    scf.for %scan3A_86 = %scan3A_18 to %scan3A_20 step %scan3A_21  : i32 {
      %rem3A_87 = arith.constant 2 : i32
      %rem3A_88 = arith.remsi %scan3A_86, %rem3A_87 : i32
      %mul3A_89 = arith.constant 2 : i32
      %mul3A_90 = arith.muli %mul3A_89, %scan3A_86 : i32
      %add3A_91 = arith.addi %mul3A_2, %mul3A_90 : i32
      %jit3A = arith.constant 2048 : i32
      %div3A = arith.divsi %add3A_91, %jit3A : i32
      %sign3A = arith.constant 0 : i32
      %sign3A_92 = arith.cmpi sgt, %add3A_91, %sign3A : i32
      %sign3A_93 = arith.extui %sign3A_92 : i1 to i32
      %sign3A_94 = arith.constant 0 : i32
      %sign3A_95 = arith.cmpi slt, %add3A_91, %sign3A_94 : i32
      %sign3A_96 = arith.extui %sign3A_95 : i1 to i32
      %sign3A_97 = arith.subi %sign3A_93, %sign3A_96 : i32
      %sign3A_98 = arith.constant 0 : i32
      %sign3A_99 = arith.cmpi sgt, %jit3A, %sign3A_98 : i32
      %sign3A_100 = arith.extui %sign3A_99 : i1 to i32
      %sign3A_101 = arith.constant 0 : i32
      %sign3A_102 = arith.cmpi slt, %jit3A, %sign3A_101 : i32
      %sign3A_103 = arith.extui %sign3A_102 : i1 to i32
      %sign3A_104 = arith.subi %sign3A_100, %sign3A_103 : i32
      %ne3A = arith.cmpi ne, %sign3A_97, %sign3A_104 : i32
      %rem3A_105 = arith.remsi %add3A_91, %jit3A : i32
      %ne3A_106 = arith.constant 0 : i32
      %ne3A_107 = arith.cmpi ne, %rem3A_105, %ne3A_106 : i32
      %and3A = arith.andi %ne3A, %ne3A_107 : i1
      %sub3A = arith.constant 1 : i32
      %sub3A_108 = arith.subi %div3A, %sub3A : i32
      %select_n3A = arith.select %and3A, %sub3A_108, %div3A : i32
      %mul3A_109 = arith.constant 2048 : i32
      %mul3A_110 = arith.muli %select_n3A, %mul3A_109 : i32
      %dma_wait3A_111 = arith.constant 0 : i32
      %dma_wait3A_112 = arith.constant 0 : i32
      %dma_wait3A_113 = arith.constant 0 : i32
      %dma_wait3A_114 = tpu.memref_slice %arg5[%dma_wait3A_111, %dma_wait3A_112, %dma_wait3A_113] : memref<2x2x2048xi32, #tpu.memory_space<vmem>> -> memref<1x2x2048xi32, #tpu.memory_space<vmem>>
      %dma_wait3A_115 = tpu.memref_squeeze %dma_wait3A_114 : memref<1x2x2048xi32, #tpu.memory_space<vmem>> -> memref<2x2048xi32, #tpu.memory_space<vmem>>
      %dma_wait3A_116 = arith.constant 0 : i32
      %dma_wait3A_117 = arith.constant 0 : i32
      %dma_wait3A_118 = tpu.memref_slice %arg2[%dma_wait3A_116, %dma_wait3A_117] : memref<16384x2048xi32, #tpu.memory_space<hbm>> -> memref<2x2048xi32, #tpu.memory_space<hbm>>
      %dma_wait3A_119 = arith.constant 0 : i32
      %dma_wait3A_120 = arith.constant 0 : i32
      %dma_wait3A_121 = tpu.memref_slice %arg5[%dma_wait3A_111, %dma_wait3A_119, %dma_wait3A_120] : memref<2x2x2048xi32, #tpu.memory_space<vmem>> -> memref<1x2x2048xi32, #tpu.memory_space<vmem>>
      %dma_wait3A_122 = tpu.memref_squeeze %dma_wait3A_121 : memref<1x2x2048xi32, #tpu.memory_space<vmem>> -> memref<2x2048xi32, #tpu.memory_space<vmem>>
      %dma_wait3A_123 = arith.constant 0 : i32
      %dma_wait3A_124 = arith.constant 0 : i32
      %dma_wait3A_125 = tpu.memref_slice %arg2[%dma_wait3A_123, %dma_wait3A_124] : memref<16384x2048xi32, #tpu.memory_space<hbm>> -> memref<2x2048xi32, #tpu.memory_space<hbm>>
      tpu.wait_dma2 semaphore(%arg8 : memref<!tpu.dma_semaphore, #tpu.memory_space<semaphore_mem>>) src(%dma_wait3A_125 : memref<2x2048xi32, #tpu.memory_space<hbm>>) dst(%dma_wait3A_122 : memref<2x2048xi32, #tpu.memory_space<vmem>>)
      %add3A_126 = arith.constant 1 : i32
      %add3A_127 = arith.addi %scan3A_86, %add3A_126 : i32
      %lt3A = arith.constant 256 : i32
      %lt3A_128 = arith.cmpi slt, %add3A_127, %lt3A : i32
      %convert_element_type3A = arith.extui %lt3A_128 : i1 to i32
      %cond3A = arith.constant 0 : i32
      %cond3A_129 = arith.cmpi ne, %convert_element_type3A, %cond3A : i32
      scf.if %cond3A_129 {
        %add3A_163 = arith.constant 1 : i32
        %add3A_164 = arith.addi %scan3A_86, %add3A_163 : i32
        %rem3A_165 = arith.constant 2 : i32
        %rem3A_166 = arith.remsi %add3A_164, %rem3A_165 : i32
        %mul3A_167 = arith.constant 2 : i32
        %mul3A_168 = arith.muli %mul3A_167, %add3A_164 : i32
        %add3A_169 = arith.addi %mul3A_2, %mul3A_168 : i32
        %dma_start3A_170 = arith.constant 0 : i32
        %dma_start3A_171 = arith.constant 0 : i32
        %dma_start3A_172 = tpu.memref_slice %arg5[%rem3A_166, %dma_start3A_170, %dma_start3A_171] : memref<2x2x2048xi32, #tpu.memory_space<vmem>> -> memref<1x2x2048xi32, #tpu.memory_space<vmem>>
        %dma_start3A_173 = tpu.memref_squeeze %dma_start3A_172 : memref<1x2x2048xi32, #tpu.memory_space<vmem>> -> memref<2x2048xi32, #tpu.memory_space<vmem>>
        %dma_start3A_174 = arith.constant 0 : i32
        %dma_start3A_175 = tpu.memref_slice %arg2[%add3A_169, %dma_start3A_174] : memref<16384x2048xi32, #tpu.memory_space<hbm>> -> memref<2x2048xi32, #tpu.memory_space<hbm>>
        %dma_start3A_176 = arith.constant 0 : i32
        %dma_start3A_177 = arith.constant 0 : i32
        %dma_start3A_178 = tpu.memref_slice %arg5[%rem3A_166, %dma_start3A_176, %dma_start3A_177] : memref<2x2x2048xi32, #tpu.memory_space<vmem>> -> memref<1x2x2048xi32, #tpu.memory_space<vmem>>
        %dma_start3A_179 = tpu.memref_squeeze %dma_start3A_178 : memref<1x2x2048xi32, #tpu.memory_space<vmem>> -> memref<2x2048xi32, #tpu.memory_space<vmem>>
        %dma_start3A_180 = arith.constant 0 : i32
        %dma_start3A_181 = tpu.memref_slice %arg2[%add3A_169, %dma_start3A_180] : memref<16384x2048xi32, #tpu.memory_space<hbm>> -> memref<2x2048xi32, #tpu.memory_space<hbm>>
        tpu.enqueue_dma source(%dma_start3A_181 : memref<2x2048xi32, #tpu.memory_space<hbm>>) target(%dma_start3A_179 : memref<2x2048xi32, #tpu.memory_space<vmem>>) target_semaphore(%arg8 : memref<!tpu.dma_semaphore, #tpu.memory_space<semaphore_mem>>)
      } else {
      }
      %scan3A_130 = arith.constant 0 : i32
      %scan3A_131 = arith.constant 0 : i32
      %scan3A_132 = arith.constant 64 : i32
      %scan3A_133 = arith.addi %scan3A_131, %scan3A_132 : i32
      %scan3A_134 = arith.constant 1 : i32
      scf.for %scan3A_163 = %scan3A_131 to %scan3A_133 step %scan3A_134  : i32 {
        %mul3A_164 = arith.constant 2 : i32
        %mul3A_165 = arith.muli %mul3A_164, %scan3A_163 : i32
        %mul3A_166 = arith.constant 2 : i32
        %mul3A_167 = arith.muli %mul3A_166, %scan3A_163 : i32
        %add3A_168 = arith.constant 1 : i32
        %add3A_169 = arith.addi %mul3A_167, %add3A_168 : i32
        %mul3A_170 = arith.constant 16 : i32
        %mul3A_171 = arith.muli %mul3A_165, %mul3A_170 : i32
        %get3A = arith.constant 0 : i32
        %get3A_172 = arith.index_cast %rem3A_88 : i32 to index
        %get3A_173 = arith.index_cast %get3A : i32 to index
        %get3A_174 = arith.index_cast %mul3A_171 : i32 to index
        %get3A_175 = tpu.vector_load %arg5[%get3A_172, %get3A_173, %get3A_174] {strides = array<i32>} : memref<2x2x2048xi32, #tpu.memory_space<vmem>>, vector<16xi32>,
        %gt3A = arith.constant 0 : i32
        %gt3A_176 = vector.broadcast %gt3A : i32 to vector<16xi32>
        %gt3A_177 = arith.cmpi sgt, %get3A_175, %gt3A_176 : vector<16xi32>
        %mul3A_178 = arith.constant 16 : i32
        %mul3A_179 = arith.muli %mul3A_165, %mul3A_178 : i32
        %add3A_180 = arith.addi %mul3A_179, %mul3A_110 : i32
        %add3A_181 = vector.broadcast %add3A_180 : i32 to vector<16xi32>
        %add3A_182 = arith.addi %iota3A, %add3A_181 : vector<16xi32>
        %add3A_183 = arith.constant -1 : i32
        %add3A_184 = vector.broadcast %add3A_183 : i32 to vector<16xi32>
        %add3A_185 = arith.addi %get3A_175, %add3A_184 : vector<16xi32>
        %scatter3A = arith.constant 0 : i32
        %scatter3A_186 = tpu.memref_slice %arg6[%rem3A_88, %scatter3A] : memref<2x80xi32, #tpu.memory_space<vmem>> -> memref<1x80xi32, #tpu.memory_space<vmem>>
        %scatter3A_187 = tpu.memref_squeeze %scatter3A_186 : memref<1x80xi32, #tpu.memory_space<vmem>> -> memref<80xi32, #tpu.memory_space<vmem>>
        tpu.vector_store_idx %scatter3A_187[%add3A_185], %add3A_182 masked %gt3A_177 : memref<80xi32, #tpu.memory_space<vmem>>[vector<16xi32>], vector<16xi32>, vector<16xi1>
        %mul3A_188 = arith.constant 16 : i32
        %mul3A_189 = arith.muli %add3A_169, %mul3A_188 : i32
        %get3A_190 = arith.constant 0 : i32
        %get3A_191 = arith.index_cast %rem3A_88 : i32 to index
        %get3A_192 = arith.index_cast %get3A_190 : i32 to index
        %get3A_193 = arith.index_cast %mul3A_189 : i32 to index
        %get3A_194 = tpu.vector_load %arg5[%get3A_191, %get3A_192, %get3A_193] {strides = array<i32>} : memref<2x2x2048xi32, #tpu.memory_space<vmem>>, vector<16xi32>,
        %gt3A_195 = arith.constant 0 : i32
        %gt3A_196 = vector.broadcast %gt3A_195 : i32 to vector<16xi32>
        %gt3A_197 = arith.cmpi sgt, %get3A_194, %gt3A_196 : vector<16xi32>
        %mul3A_198 = arith.constant 16 : i32
        %mul3A_199 = arith.muli %add3A_169, %mul3A_198 : i32
        %add3A_200 = arith.addi %mul3A_199, %mul3A_110 : i32
        %add3A_201 = vector.broadcast %add3A_200 : i32 to vector<16xi32>
        %add3A_202 = arith.addi %iota3A, %add3A_201 : vector<16xi32>
        %add3A_203 = arith.constant -1 : i32
        %add3A_204 = vector.broadcast %add3A_203 : i32 to vector<16xi32>
        %add3A_205 = arith.addi %get3A_194, %add3A_204 : vector<16xi32>
        %scatter3A_206 = arith.constant 0 : i32
        %scatter3A_207 = tpu.memref_slice %arg6[%rem3A_88, %scatter3A_206] : memref<2x80xi32, #tpu.memory_space<vmem>> -> memref<1x80xi32, #tpu.memory_space<vmem>>
        %scatter3A_208 = tpu.memref_squeeze %scatter3A_207 : memref<1x80xi32, #tpu.memory_space<vmem>> -> memref<80xi32, #tpu.memory_space<vmem>>
        tpu.vector_store_idx %scatter3A_208[%add3A_205], %add3A_202 masked %gt3A_197 : memref<80xi32, #tpu.memory_space<vmem>>[vector<16xi32>], vector<16xi32>, vector<16xi1>
      }
      %scan3A_135 = arith.constant 64 : i32
      %scan3A_136 = arith.constant 0 : i32
      %scan3A_137 = arith.constant 0 : i32
      %scan3A_138 = arith.constant 64 : i32
      %scan3A_139 = arith.addi %scan3A_137, %scan3A_138 : i32
      %scan3A_140 = arith.constant 1 : i32
      scf.for %scan3A_163 = %scan3A_137 to %scan3A_139 step %scan3A_140  : i32 {
        %mul3A_164 = arith.constant 2 : i32
        %mul3A_165 = arith.muli %mul3A_164, %scan3A_163 : i32
        %mul3A_166 = arith.constant 2 : i32
        %mul3A_167 = arith.muli %mul3A_166, %scan3A_163 : i32
        %add3A_168 = arith.constant 1 : i32
        %add3A_169 = arith.addi %mul3A_167, %add3A_168 : i32
        %mul3A_170 = arith.constant 16 : i32
        %mul3A_171 = arith.muli %mul3A_165, %mul3A_170 : i32
        %get3A = arith.constant 1 : i32
        %get3A_172 = arith.index_cast %rem3A_88 : i32 to index
        %get3A_173 = arith.index_cast %get3A : i32 to index
        %get3A_174 = arith.index_cast %mul3A_171 : i32 to index
        %get3A_175 = tpu.vector_load %arg5[%get3A_172, %get3A_173, %get3A_174] {strides = array<i32>} : memref<2x2x2048xi32, #tpu.memory_space<vmem>>, vector<16xi32>,
        %gt3A = arith.constant 0 : i32
        %gt3A_176 = vector.broadcast %gt3A : i32 to vector<16xi32>
        %gt3A_177 = arith.cmpi sgt, %get3A_175, %gt3A_176 : vector<16xi32>
        %mul3A_178 = arith.constant 16 : i32
        %mul3A_179 = arith.muli %mul3A_165, %mul3A_178 : i32
        %add3A_180 = arith.addi %mul3A_179, %mul3A_110 : i32
        %add3A_181 = vector.broadcast %add3A_180 : i32 to vector<16xi32>
        %add3A_182 = arith.addi %iota3A, %add3A_181 : vector<16xi32>
        %add3A_183 = arith.constant 39 : i32
        %add3A_184 = vector.broadcast %add3A_183 : i32 to vector<16xi32>
        %add3A_185 = arith.addi %get3A_175, %add3A_184 : vector<16xi32>
        %scatter3A = arith.constant 0 : i32
        %scatter3A_186 = tpu.memref_slice %arg6[%rem3A_88, %scatter3A] : memref<2x80xi32, #tpu.memory_space<vmem>> -> memref<1x80xi32, #tpu.memory_space<vmem>>
        %scatter3A_187 = tpu.memref_squeeze %scatter3A_186 : memref<1x80xi32, #tpu.memory_space<vmem>> -> memref<80xi32, #tpu.memory_space<vmem>>
        tpu.vector_store_idx %scatter3A_187[%add3A_185], %add3A_182 masked %gt3A_177 : memref<80xi32, #tpu.memory_space<vmem>>[vector<16xi32>], vector<16xi32>, vector<16xi1>
        %mul3A_188 = arith.constant 16 : i32
        %mul3A_189 = arith.muli %add3A_169, %mul3A_188 : i32
        %get3A_190 = arith.constant 1 : i32
        %get3A_191 = arith.index_cast %rem3A_88 : i32 to index
        %get3A_192 = arith.index_cast %get3A_190 : i32 to index
        %get3A_193 = arith.index_cast %mul3A_189 : i32 to index
        %get3A_194 = tpu.vector_load %arg5[%get3A_191, %get3A_192, %get3A_193] {strides = array<i32>} : memref<2x2x2048xi32, #tpu.memory_space<vmem>>, vector<16xi32>,
        %gt3A_195 = arith.constant 0 : i32
        %gt3A_196 = vector.broadcast %gt3A_195 : i32 to vector<16xi32>
        %gt3A_197 = arith.cmpi sgt, %get3A_194, %gt3A_196 : vector<16xi32>
        %mul3A_198 = arith.constant 16 : i32
        %mul3A_199 = arith.muli %add3A_169, %mul3A_198 : i32
        %add3A_200 = arith.addi %mul3A_199, %mul3A_110 : i32
        %add3A_201 = vector.broadcast %add3A_200 : i32 to vector<16xi32>
        %add3A_202 = arith.addi %iota3A, %add3A_201 : vector<16xi32>
        %add3A_203 = arith.constant 39 : i32
        %add3A_204 = vector.broadcast %add3A_203 : i32 to vector<16xi32>
        %add3A_205 = arith.addi %get3A_194, %add3A_204 : vector<16xi32>
        %scatter3A_206 = arith.constant 0 : i32
        %scatter3A_207 = tpu.memref_slice %arg6[%rem3A_88, %scatter3A_206] : memref<2x80xi32, #tpu.memory_space<vmem>> -> memref<1x80xi32, #tpu.memory_space<vmem>>
        %scatter3A_208 = tpu.memref_squeeze %scatter3A_207 : memref<1x80xi32, #tpu.memory_space<vmem>> -> memref<80xi32, #tpu.memory_space<vmem>>
        tpu.vector_store_idx %scatter3A_208[%add3A_205], %add3A_202 masked %gt3A_197 : memref<80xi32, #tpu.memory_space<vmem>>[vector<16xi32>], vector<16xi32>, vector<16xi1>
      }
      %scan3A_141 = arith.constant 64 : i32
      %ge3A = arith.constant 2 : i32
      %ge3A_142 = arith.cmpi sge, %scan3A_86, %ge3A : i32
      %convert_element_type3A_143 = arith.extui %ge3A_142 : i1 to i32
      %cond3A_144 = arith.constant 0 : i32
      %cond3A_145 = arith.cmpi ne, %convert_element_type3A_143, %cond3A_144 : i32
      scf.if %cond3A_145 {
        %dma_wait3A_163 = arith.constant 0 : i32
        %dma_wait3A_164 = arith.constant 0 : i32
        %dma_wait3A_165 = arith.constant 0 : i32
        %dma_wait3A_166 = tpu.memref_slice %arg7[%dma_wait3A_163, %dma_wait3A_164, %dma_wait3A_165] : memref<2x80x128xf32, #tpu.memory_space<vmem>> -> memref<1x80x128xf32, #tpu.memory_space<vmem>>
        %dma_wait3A_167 = tpu.memref_squeeze %dma_wait3A_166 : memref<1x80x128xf32, #tpu.memory_space<vmem>> -> memref<80x128xf32, #tpu.memory_space<vmem>>
        %dma_wait3A_168 = arith.constant 0 : i32
        %dma_wait3A_169 = arith.constant 0 : i32
        %dma_wait3A_170 = tpu.memref_slice %arg4[%dma_wait3A_168, %dma_wait3A_169] : memref<655360x128xf32, #tpu.memory_space<hbm>> -> memref<80x128xf32, #tpu.memory_space<hbm>>
        %dma_wait3A_171 = arith.constant 0 : i32
        %dma_wait3A_172 = arith.constant 0 : i32
        %dma_wait3A_173 = tpu.memref_slice %arg4[%dma_wait3A_171, %dma_wait3A_172] : memref<655360x128xf32, #tpu.memory_space<hbm>> -> memref<80x128xf32, #tpu.memory_space<hbm>>
        %dma_wait3A_174 = arith.constant 0 : i32
        %dma_wait3A_175 = arith.constant 0 : i32
        %dma_wait3A_176 = tpu.memref_slice %arg7[%dma_wait3A_163, %dma_wait3A_174, %dma_wait3A_175] : memref<2x80x128xf32, #tpu.memory_space<vmem>> -> memref<1x80x128xf32, #tpu.memory_space<vmem>>
        %dma_wait3A_177 = tpu.memref_squeeze %dma_wait3A_176 : memref<1x80x128xf32, #tpu.memory_space<vmem>> -> memref<80x128xf32, #tpu.memory_space<vmem>>
        tpu.wait_dma2 semaphore(%arg10 : memref<!tpu.dma_semaphore, #tpu.memory_space<semaphore_mem>>) src(%dma_wait3A_177 : memref<80x128xf32, #tpu.memory_space<vmem>>) dst(%dma_wait3A_173 : memref<80x128xf32, #tpu.memory_space<hbm>>)
      } else {
      }
      %rem3A_146 = arith.constant 2 : i32
      %rem3A_147 = arith.remsi %scan3A_86, %rem3A_146 : i32
      %dma_start3A_148 = arith.constant 0 : i32
      %dma_start3A_149 = arith.constant 0 : i32
      %dma_start3A_150 = tpu.memref_slice %arg7[%rem3A_147, %dma_start3A_148, %dma_start3A_149] : memref<2x80x128xf32, #tpu.memory_space<vmem>> -> memref<1x80x128xf32, #tpu.memory_space<vmem>>
      %dma_start3A_151 = tpu.memref_squeeze %dma_start3A_150 : memref<1x80x128xf32, #tpu.memory_space<vmem>> -> memref<80x128xf32, #tpu.memory_space<vmem>>
      %dma_start3A_152 = arith.constant 0 : i32
      %dma_start3A_153 = tpu.memref_slice %arg6[%rem3A_147, %dma_start3A_152] : memref<2x80xi32, #tpu.memory_space<vmem>> -> memref<1x80xi32, #tpu.memory_space<vmem>>
      %dma_start3A_154 = tpu.memref_squeeze %dma_start3A_153 : memref<1x80xi32, #tpu.memory_space<vmem>> -> memref<80xi32, #tpu.memory_space<vmem>>
      %dma_start3A_155 = arith.constant 0 : i32
      %dma_start3A_156 = arith.constant 0 : i32
      %dma_start3A_157 = tpu.memref_slice %arg3[%dma_start3A_155, %dma_start3A_156] : memref<16384x128xf32, #tpu.memory_space<hbm>> -> memref<16384x128xf32, #tpu.memory_space<hbm>>
      tpu.enqueue_indirect_dma source(%dma_start3A_157 : memref<16384x128xf32, #tpu.memory_space<hbm>>) target(%dma_start3A_151 : memref<80x128xf32, #tpu.memory_space<vmem>>) offsets(%dma_start3A_154 : memref<80xi32, #tpu.memory_space<vmem>>) semaphore(%arg9 : memref<!tpu.dma_semaphore, #tpu.memory_space<semaphore_mem>>)
      %ge3A_158 = arith.constant 1 : i32
      %ge3A_159 = arith.cmpi sge, %scan3A_86, %ge3A_158 : i32
      %convert_element_type3A_160 = arith.extui %ge3A_159 : i1 to i32
      %cond3A_161 = arith.constant 0 : i32
      %cond3A_162 = arith.cmpi ne, %convert_element_type3A_160, %cond3A_161 : i32
      scf.if %cond3A_162 {
        %dma_wait3A_163 = arith.constant 0 : i32
        %dma_wait3A_164 = arith.constant 0 : i32
        %dma_wait3A_165 = arith.constant 0 : i32
        %dma_wait3A_166 = tpu.memref_slice %arg7[%dma_wait3A_163, %dma_wait3A_164, %dma_wait3A_165] : memref<2x80x128xf32, #tpu.memory_space<vmem>> -> memref<1x80x128xf32, #tpu.memory_space<vmem>>
        %dma_wait3A_167 = tpu.memref_squeeze %dma_wait3A_166 : memref<1x80x128xf32, #tpu.memory_space<vmem>> -> memref<80x128xf32, #tpu.memory_space<vmem>>
        %dma_wait3A_168 = arith.constant 0 : i32
        %dma_wait3A_169 = arith.constant 0 : i32
        %dma_wait3A_170 = tpu.memref_slice %arg3[%dma_wait3A_168, %dma_wait3A_169] : memref<16384x128xf32, #tpu.memory_space<hbm>> -> memref<80x128xf32, #tpu.memory_space<hbm>>
        %dma_wait3A_171 = arith.constant 0 : i32
        %dma_wait3A_172 = arith.constant 0 : i32
        %dma_wait3A_173 = tpu.memref_slice %arg7[%dma_wait3A_163, %dma_wait3A_171, %dma_wait3A_172] : memref<2x80x128xf32, #tpu.memory_space<vmem>> -> memref<1x80x128xf32, #tpu.memory_space<vmem>>
        %dma_wait3A_174 = tpu.memref_squeeze %dma_wait3A_173 : memref<1x80x128xf32, #tpu.memory_space<vmem>> -> memref<80x128xf32, #tpu.memory_space<vmem>>
        %dma_wait3A_175 = arith.constant 0 : i32
        %dma_wait3A_176 = arith.constant 0 : i32
        %dma_wait3A_177 = tpu.memref_slice %arg3[%dma_wait3A_175, %dma_wait3A_176] : memref<16384x128xf32, #tpu.memory_space<hbm>> -> memref<80x128xf32, #tpu.memory_space<hbm>>
        tpu.wait_dma2 semaphore(%arg9 : memref<!tpu.dma_semaphore, #tpu.memory_space<semaphore_mem>>) src(%dma_wait3A_177 : memref<80x128xf32, #tpu.memory_space<hbm>>) dst(%dma_wait3A_174 : memref<80x128xf32, #tpu.memory_space<vmem>>)
        %sub3A_178 = arith.constant 1 : i32
        %sub3A_179 = arith.subi %scan3A_86, %sub3A_178 : i32
        %rem3A_180 = arith.constant 2 : i32
        %rem3A_181 = arith.remsi %sub3A_179, %rem3A_180 : i32
        %mul3A_182 = arith.constant 2 : i32
        %mul3A_183 = arith.muli %mul3A_182, %sub3A_179 : i32
        %add3A_184 = arith.addi %mul3A_2, %mul3A_183 : i32
        %mul3A_185 = arith.constant 40 : i32
        %mul3A_186 = arith.muli %add3A_184, %mul3A_185 : i32
        %dma_start3A_187 = arith.constant 0 : i32
        %dma_start3A_188 = arith.constant 0 : i32
        %dma_start3A_189 = tpu.memref_slice %arg7[%rem3A_181, %dma_start3A_187, %dma_start3A_188] : memref<2x80x128xf32, #tpu.memory_space<vmem>> -> memref<1x80x128xf32, #tpu.memory_space<vmem>>
        %dma_start3A_190 = tpu.memref_squeeze %dma_start3A_189 : memref<1x80x128xf32, #tpu.memory_space<vmem>> -> memref<80x128xf32, #tpu.memory_space<vmem>>
        %dma_start3A_191 = arith.constant 0 : i32
        %dma_start3A_192 = tpu.memref_slice %arg4[%mul3A_186, %dma_start3A_191] : memref<655360x128xf32, #tpu.memory_space<hbm>> -> memref<80x128xf32, #tpu.memory_space<hbm>>
        %dma_start3A_193 = arith.constant 0 : i32
        %dma_start3A_194 = tpu.memref_slice %arg4[%mul3A_186, %dma_start3A_193] : memref<655360x128xf32, #tpu.memory_space<hbm>> -> memref<80x128xf32, #tpu.memory_space<hbm>>
        %dma_start3A_195 = arith.constant 0 : i32
        %dma_start3A_196 = arith.constant 0 : i32
        %dma_start3A_197 = tpu.memref_slice %arg7[%rem3A_181, %dma_start3A_195, %dma_start3A_196] : memref<2x80x128xf32, #tpu.memory_space<vmem>> -> memref<1x80x128xf32, #tpu.memory_space<vmem>>
        %dma_start3A_198 = tpu.memref_squeeze %dma_start3A_197 : memref<1x80x128xf32, #tpu.memory_space<vmem>> -> memref<80x128xf32, #tpu.memory_space<vmem>>
        tpu.enqueue_dma source(%dma_start3A_198 : memref<80x128xf32, #tpu.memory_space<vmem>>) target(%dma_start3A_194 : memref<80x128xf32, #tpu.memory_space<hbm>>) target_semaphore(%arg10 : memref<!tpu.dma_semaphore, #tpu.memory_space<semaphore_mem>>)
      } else {
      }
    }
    %scan3A_22 = arith.constant 256 : i32
    %dma_wait3A = arith.constant 0 : i32
    %dma_wait3A_23 = arith.constant 0 : i32
    %dma_wait3A_24 = arith.constant 0 : i32
    %dma_wait3A_25 = tpu.memref_slice %arg7[%dma_wait3A, %dma_wait3A_23, %dma_wait3A_24] : memref<2x80x128xf32, #tpu.memory_space<vmem>> -> memref<1x80x128xf32, #tpu.memory_space<vmem>>
    %dma_wait3A_26 = tpu.memref_squeeze %dma_wait3A_25 : memref<1x80x128xf32, #tpu.memory_space<vmem>> -> memref<80x128xf32, #tpu.memory_space<vmem>>
    %dma_wait3A_27 = arith.constant 0 : i32
    %dma_wait3A_28 = arith.constant 0 : i32
    %dma_wait3A_29 = tpu.memref_slice %arg3[%dma_wait3A_27, %dma_wait3A_28] : memref<16384x128xf32, #tpu.memory_space<hbm>> -> memref<80x128xf32, #tpu.memory_space<hbm>>
    %dma_wait3A_30 = arith.constant 0 : i32
    %dma_wait3A_31 = arith.constant 0 : i32
    %dma_wait3A_32 = tpu.memref_slice %arg7[%dma_wait3A, %dma_wait3A_30, %dma_wait3A_31] : memref<2x80x128xf32, #tpu.memory_space<vmem>> -> memref<1x80x128xf32, #tpu.memory_space<vmem>>
    %dma_wait3A_33 = tpu.memref_squeeze %dma_wait3A_32 : memref<1x80x128xf32, #tpu.memory_space<vmem>> -> memref<80x128xf32, #tpu.memory_space<vmem>>
    %dma_wait3A_34 = arith.constant 0 : i32
    %dma_wait3A_35 = arith.constant 0 : i32
    %dma_wait3A_36 = tpu.memref_slice %arg3[%dma_wait3A_34, %dma_wait3A_35] : memref<16384x128xf32, #tpu.memory_space<hbm>> -> memref<80x128xf32, #tpu.memory_space<hbm>>
    tpu.wait_dma2 semaphore(%arg9 : memref<!tpu.dma_semaphore, #tpu.memory_space<semaphore_mem>>) src(%dma_wait3A_36 : memref<80x128xf32, #tpu.memory_space<hbm>>) dst(%dma_wait3A_33 : memref<80x128xf32, #tpu.memory_space<vmem>>)
    %rem3A_37 = arith.constant 255 : i32
    %rem3A_38 = arith.constant 2 : i32
    %rem3A_39 = arith.remsi %rem3A_37, %rem3A_38 : i32
    %add3A_40 = arith.constant 510 : i32
    %add3A_41 = arith.addi %mul3A_2, %add3A_40 : i32
    %mul3A_42 = arith.constant 40 : i32
    %mul3A_43 = arith.muli %add3A_41, %mul3A_42 : i32
    %dma_start3A_44 = arith.constant 0 : i32
    %dma_start3A_45 = arith.constant 0 : i32
    %dma_start3A_46 = tpu.memref_slice %arg7[%rem3A_39, %dma_start3A_44, %dma_start3A_45] : memref<2x80x128xf32, #tpu.memory_space<vmem>> -> memref<1x80x128xf32, #tpu.memory_space<vmem>>
    %dma_start3A_47 = tpu.memref_squeeze %dma_start3A_46 : memref<1x80x128xf32, #tpu.memory_space<vmem>> -> memref<80x128xf32, #tpu.memory_space<vmem>>
    %dma_start3A_48 = arith.constant 0 : i32
    %dma_start3A_49 = tpu.memref_slice %arg4[%mul3A_43, %dma_start3A_48] : memref<655360x128xf32, #tpu.memory_space<hbm>> -> memref<80x128xf32, #tpu.memory_space<hbm>>
    %dma_start3A_50 = arith.constant 0 : i32
    %dma_start3A_51 = tpu.memref_slice %arg4[%mul3A_43, %dma_start3A_50] : memref<655360x128xf32, #tpu.memory_space<hbm>> -> memref<80x128xf32, #tpu.memory_space<hbm>>
    %dma_start3A_52 = arith.constant 0 : i32
    %dma_start3A_53 = arith.constant 0 : i32
    %dma_start3A_54 = tpu.memref_slice %arg7[%rem3A_39, %dma_start3A_52, %dma_start3A_53] : memref<2x80x128xf32, #tpu.memory_space<vmem>> -> memref<1x80x128xf32, #tpu.memory_space<vmem>>
    %dma_start3A_55 = tpu.memref_squeeze %dma_start3A_54 : memref<1x80x128xf32, #tpu.memory_space<vmem>> -> memref<80x128xf32, #tpu.memory_space<vmem>>
    tpu.enqueue_dma source(%dma_start3A_55 : memref<80x128xf32, #tpu.memory_space<vmem>>) target(%dma_start3A_51 : memref<80x128xf32, #tpu.memory_space<hbm>>) target_semaphore(%arg10 : memref<!tpu.dma_semaphore, #tpu.memory_space<semaphore_mem>>)
    %dma_wait3A_56 = arith.constant 0 : i32
    %dma_wait3A_57 = arith.constant 0 : i32
    %dma_wait3A_58 = arith.constant 0 : i32
    %dma_wait3A_59 = tpu.memref_slice %arg7[%dma_wait3A_56, %dma_wait3A_57, %dma_wait3A_58] : memref<2x80x128xf32, #tpu.memory_space<vmem>> -> memref<1x80x128xf32, #tpu.memory_space<vmem>>
    %dma_wait3A_60 = tpu.memref_squeeze %dma_wait3A_59 : memref<1x80x128xf32, #tpu.memory_space<vmem>> -> memref<80x128xf32, #tpu.memory_space<vmem>>
    %dma_wait3A_61 = arith.constant 0 : i32
    %dma_wait3A_62 = arith.constant 0 : i32
    %dma_wait3A_63 = tpu.memref_slice %arg4[%dma_wait3A_61, %dma_wait3A_62] : memref<655360x128xf32, #tpu.memory_space<hbm>> -> memref<80x128xf32, #tpu.memory_space<hbm>>
    %dma_wait3A_64 = arith.constant 0 : i32
    %dma_wait3A_65 = arith.constant 0 : i32
    %dma_wait3A_66 = tpu.memref_slice %arg4[%dma_wait3A_64, %dma_wait3A_65] : memref<655360x128xf32, #tpu.memory_space<hbm>> -> memref<80x128xf32, #tpu.memory_space<hbm>>
    %dma_wait3A_67 = arith.constant 0 : i32
    %dma_wait3A_68 = arith.constant 0 : i32
    %dma_wait3A_69 = tpu.memref_slice %arg7[%dma_wait3A_56, %dma_wait3A_67, %dma_wait3A_68] : memref<2x80x128xf32, #tpu.memory_space<vmem>> -> memref<1x80x128xf32, #tpu.memory_space<vmem>>
    %dma_wait3A_70 = tpu.memref_squeeze %dma_wait3A_69 : memref<1x80x128xf32, #tpu.memory_space<vmem>> -> memref<80x128xf32, #tpu.memory_space<vmem>>
    tpu.wait_dma2 semaphore(%arg10 : memref<!tpu.dma_semaphore, #tpu.memory_space<semaphore_mem>>) src(%dma_wait3A_70 : memref<80x128xf32, #tpu.memory_space<vmem>>) dst(%dma_wait3A_66 : memref<80x128xf32, #tpu.memory_space<hbm>>)
    %dma_wait3A_71 = arith.constant 0 : i32
    %dma_wait3A_72 = arith.constant 0 : i32
    %dma_wait3A_73 = arith.constant 0 : i32
    %dma_wait3A_74 = tpu.memref_slice %arg7[%dma_wait3A_71, %dma_wait3A_72, %dma_wait3A_73] : memref<2x80x128xf32, #tpu.memory_space<vmem>> -> memref<1x80x128xf32, #tpu.memory_space<vmem>>
    %dma_wait3A_75 = tpu.memref_squeeze %dma_wait3A_74 : memref<1x80x128xf32, #tpu.memory_space<vmem>> -> memref<80x128xf32, #tpu.memory_space<vmem>>
    %dma_wait3A_76 = arith.constant 0 : i32
    %dma_wait3A_77 = arith.constant 0 : i32
    %dma_wait3A_78 = tpu.memref_slice %arg4[%dma_wait3A_76, %dma_wait3A_77] : memref<655360x128xf32, #tpu.memory_space<hbm>> -> memref<80x128xf32, #tpu.memory_space<hbm>>
    %dma_wait3A_79 = arith.constant 0 : i32
    %dma_wait3A_80 = arith.constant 0 : i32
    %dma_wait3A_81 = tpu.memref_slice %arg4[%dma_wait3A_79, %dma_wait3A_80] : memref<655360x128xf32, #tpu.memory_space<hbm>> -> memref<80x128xf32, #tpu.memory_space<hbm>>
    %dma_wait3A_82 = arith.constant 0 : i32
    %dma_wait3A_83 = arith.constant 0 : i32
    %dma_wait3A_84 = tpu.memref_slice %arg7[%dma_wait3A_71, %dma_wait3A_82, %dma_wait3A_83] : memref<2x80x128xf32, #tpu.memory_space<vmem>> -> memref<1x80x128xf32, #tpu.memory_space<vmem>>
    %dma_wait3A_85 = tpu.memref_squeeze %dma_wait3A_84 : memref<1x80x128xf32, #tpu.memory_space<vmem>> -> memref<80x128xf32, #tpu.memory_space<vmem>>
    tpu.wait_dma2 semaphore(%arg10 : memref<!tpu.dma_semaphore, #tpu.memory_space<semaphore_mem>>) src(%dma_wait3A_85 : memref<80x128xf32, #tpu.memory_space<vmem>>) dst(%dma_wait3A_81 : memref<80x128xf32, #tpu.memory_space<hbm>>)
    return
  }
}

module attributes {stable_mosaic.version = 14 : i64} {
  func.func @_edgeconv_body(%arg0: i32, %arg1: memref<5120x128xf32, #tpu.memory_space<vmem>>, %arg2: memref<128x128xf32, #tpu.memory_space<vmem>>, %arg3: memref<64x6xf32, #tpu.memory_space<vmem>>, %arg4: memref<1x64xf32, #tpu.memory_space<vmem>>, %arg5: memref<128x64xf32, #tpu.memory_space<vmem>>) attributes {dimension_semantics = [#tpu.dimension_semantics<arbitrary>], iteration_bounds = array<i64: 128>, scalar_prefetch = 0 : i64, scratch_operands = 0 : i64, tpu.core_type = #tpu.core_type<tc>, window_params = [{transform_indices = @transform_0, window_bounds = array<i64: 5120, 128>}, {transform_indices = @transform_1, window_bounds = array<i64: 128, 128>}, {pipeline_mode = #tpu.pipeline_mode<synchronous>, transform_indices = @transform_2, window_bounds = array<i64: 64, 6>}, {pipeline_mode = #tpu.pipeline_mode<synchronous>, transform_indices = @transform_3, window_bounds = array<i64: 1, 64>}, {transform_indices = @transform_4, window_bounds = array<i64: 128, 64>}]} {
    %get3A = arith.constant 0 : index
    %get3A_0 = arith.constant 0 : index
    %get3A_1 = vector.load %arg3[%get3A, %get3A_0] : memref<64x6xf32, #tpu.memory_space<vmem>>, vector<64x3xf32>
    %get3A_2 = arith.constant 0 : index
    %get3A_3 = arith.constant 3 : index
    %get3A_4 = vector.load %arg3[%get3A_2, %get3A_3] : memref<64x6xf32, #tpu.memory_space<vmem>>, vector<64x3xf32>
    %broadcast_in_dim3A = arith.constant 0.000000e+00 : f32
    %broadcast_in_dim3A_5 = vector.broadcast %broadcast_in_dim3A : f32 to vector<64x125xf32>
    %concatenate3A = tpu.concatenate %get3A_1, %broadcast_in_dim3A_5 in 1 : vector<64x3xf32>, vector<64x125xf32> -> vector<64x128xf32>
    %concatenate3A_6 = tpu.concatenate %get3A_4, %broadcast_in_dim3A_5 in 1 : vector<64x3xf32>, vector<64x125xf32> -> vector<64x128xf32>
    %get3A_7 = arith.constant 0 : index
    %get3A_8 = arith.constant 0 : index
    %get3A_9 = vector.load %arg2[%get3A_7, %get3A_8] : memref<128x128xf32, #tpu.memory_space<vmem>>, vector<128x128xf32>
    %get3A_10 = arith.constant 0 : index
    %get3A_11 = arith.constant 0 : index
    %get3A_12 = vector.load %arg1[%get3A_10, %get3A_11] : memref<5120x128xf32, #tpu.memory_space<vmem>>, vector<5120x128xf32>
    %reshape3A = vector.shape_cast %get3A_12 : vector<5120x128xf32> to vector<128x40x128xf32>
    %broadcast_in_dim3A_13 = vector.shape_cast %get3A_9 : vector<128x128xf32> to vector<128x1x128xf32>
    %sub3A = vector.broadcast %broadcast_in_dim3A_13 : vector<128x1x128xf32> to vector<128x40x128xf32>
    %sub3A_14 = arith.subf %reshape3A, %sub3A : vector<128x40x128xf32>
    %convert_element_type3A = arith.truncf %sub3A_14 : vector<128x40x128xf32> to vector<128x40x128xbf16>
    %reshape3A_15 = vector.shape_cast %convert_element_type3A : vector<128x40x128xbf16> to vector<5120x128xbf16>
    %convert_element_type3A_16 = arith.truncf %concatenate3A : vector<64x128xf32> to vector<64x128xbf16>
    %dot_general3A = arith.constant dense<0.000000e+00> : vector<5120x64xf32>
    %dot_general3A_17 = tpu.matmul %reshape3A_15, %convert_element_type3A_16, %dot_general3A {dimension_numbers = #tpu.dot_dimension_numbers<[1], [1], [0], [0], [0, 0, 1, 0], [], []>, transpose_lhs_hint = false} : vector<5120x128xbf16>, vector<64x128xbf16>, vector<5120x64xf32> -> vector<5120x64xf32>
    %convert_element_type3A_18 = arith.truncf %get3A_9 : vector<128x128xf32> to vector<128x128xbf16>
    %convert_element_type3A_19 = arith.truncf %concatenate3A_6 : vector<64x128xf32> to vector<64x128xbf16>
    %dot_general3A_20 = arith.constant dense<0.000000e+00> : vector<128x64xf32>
    %dot_general3A_21 = tpu.matmul %convert_element_type3A_18, %convert_element_type3A_19, %dot_general3A_20 {dimension_numbers = #tpu.dot_dimension_numbers<[1], [1], [0], [0], [0, 0, 1, 0], [], []>, transpose_lhs_hint = false} : vector<128x128xbf16>, vector<64x128xbf16>, vector<128x64xf32> -> vector<128x64xf32>
    %reshape3A_22 = vector.shape_cast %dot_general3A_17 : vector<5120x64xf32> to vector<128x40x64xf32>
    %get3A_23 = arith.constant 0 : index
    %get3A_24 = arith.constant 0 : index
    %get3A_25 = vector.load %arg4[%get3A_23, %get3A_24] : memref<1x64xf32, #tpu.memory_space<vmem>>, vector<1x64xf32>
    %add3A = vector.broadcast %get3A_25 : vector<1x64xf32> to vector<128x64xf32>
    %add3A_26 = arith.addf %dot_general3A_21, %add3A : vector<128x64xf32>
    %broadcast_in_dim3A_27 = vector.shape_cast %add3A_26 : vector<128x64xf32> to vector<128x1x64xf32>
    %add3A_28 = vector.broadcast %broadcast_in_dim3A_27 : vector<128x1x64xf32> to vector<128x40x64xf32>
    %add3A_29 = arith.addf %reshape3A_22, %add3A_28 : vector<128x40x64xf32>
    %ge3A = arith.constant 0.000000e+00 : f32
    %ge3A_30 = vector.broadcast %ge3A : f32 to vector<128x40x64xf32>
    %ge3A_31 = arith.cmpf oge, %add3A_29, %ge3A_30 : vector<128x40x64xf32>
    %mul3A = arith.constant 2.000000e-01 : f32
    %mul3A_32 = vector.broadcast %mul3A : f32 to vector<128x40x64xf32>
    %mul3A_33 = arith.mulf %mul3A_32, %add3A_29 : vector<128x40x64xf32>
    %select_n3A = arith.select %ge3A_31, %add3A_29, %mul3A_33 : vector<128x40x64xi1>, vector<128x40x64xf32>
    %reduce_max3A = arith.constant dense<0xFF800000> : vector<128x64xf32>
    %reduce_max3A_34 = vector.multi_reduction <maximumf>, %select_n3A, %reduce_max3A [1] : vector<128x40x64xf32> to vector<128x64xf32>
    %swap3A = arith.constant 0 : index
    %swap3A_35 = arith.constant 0 : index
    %swap3A_36 = vector.load %arg5[%swap3A, %swap3A_35] : memref<128x64xf32, #tpu.memory_space<vmem>>, vector<128x64xf32>
    tpu.vector_store %arg5[%swap3A, %swap3A_35], %reduce_max3A_34 {strides = array<i32>} : memref<128x64xf32, #tpu.memory_space<vmem>>, vector<128x64xf32>,
    return
  }
  func.func @transform_0(%arg0: i32) -> (i32, i32) {
    %c0_i32 = arith.constant 0 : i32
    %c0_i32_0 = arith.constant 0 : i32
    return %arg0, %c0_i32 : i32, i32
  }
  func.func @transform_1(%arg0: i32) -> (i32, i32) {
    %c0_i32 = arith.constant 0 : i32
    %c0_i32_0 = arith.constant 0 : i32
    return %arg0, %c0_i32 : i32, i32
  }
  func.func @transform_2(%arg0: i32) -> (i32, i32) {
    %c0_i32 = arith.constant 0 : i32
    %c0_i32_0 = arith.constant 0 : i32
    %c0_i32_1 = arith.constant 0 : i32
    return %c0_i32, %c0_i32_0 : i32, i32
  }
  func.func @transform_3(%arg0: i32) -> (i32, i32) {
    %c0_i32 = arith.constant 0 : i32
    %c0_i32_0 = arith.constant 0 : i32
    %c0_i32_1 = arith.constant 0 : i32
    return %c0_i32, %c0_i32_0 : i32, i32
  }
  func.func @transform_4(%arg0: i32) -> (i32, i32) {
    %c0_i32 = arith.constant 0 : i32
    %c0_i32_0 = arith.constant 0 : i32
    return %arg0, %c0_i32 : i32, i32
  }
}

module attributes {stable_mosaic.version = 14 : i64} {
  func.func @_score_pos_body(%arg0: i32, %arg1: i32, %arg2: memref<1x256x64xf32, #tpu.memory_space<vmem>>, %arg3: memref<1x2048x64xf32, #tpu.memory_space<vmem>>, %arg4: memref<1x256x2048xi32, #tpu.memory_space<vmem>>) attributes {dimension_semantics = [#tpu.dimension_semantics<arbitrary>, #tpu.dimension_semantics<arbitrary>], iteration_bounds = array<i64: 8, 8>, scalar_prefetch = 0 : i64, scratch_operands = 0 : i64, tpu.core_type = #tpu.core_type<tc>, window_params = [{transform_indices = @transform_0, window_bounds = array<i64: 1, 256, 64>}, {transform_indices = @transform_1, window_bounds = array<i64: 1, 2048, 64>}, {transform_indices = @transform_2, window_bounds = array<i64: 1, 256, 2048>}]} {
    %get3A = arith.constant 0 : index
    %get3A_0 = arith.constant 0 : index
    %get3A_1 = arith.constant 0 : index
    %get3A_2 = vector.load %arg2[%get3A, %get3A_0, %get3A_1] : memref<1x256x64xf32, #tpu.memory_space<vmem>>, vector<1x256x64xf32>
    %get3A_3 = vector.shape_cast %get3A_2 : vector<1x256x64xf32> to vector<256x64xf32>
    %get3A_4 = arith.constant 0 : index
    %get3A_5 = arith.constant 0 : index
    %get3A_6 = arith.constant 0 : index
    %get3A_7 = vector.load %arg3[%get3A_4, %get3A_5, %get3A_6] : memref<1x2048x64xf32, #tpu.memory_space<vmem>>, vector<1x2048x64xf32>
    %get3A_8 = vector.shape_cast %get3A_7 : vector<1x2048x64xf32> to vector<2048x64xf32>
    %convert_element_type3A = arith.truncf %get3A_3 : vector<256x64xf32> to vector<256x64xbf16>
    %convert_element_type3A_9 = arith.truncf %get3A_8 : vector<2048x64xf32> to vector<2048x64xbf16>
    %dot_general3A = arith.constant dense<0.000000e+00> : vector<256x2048xf32>
    %dot_general3A_10 = tpu.matmul %convert_element_type3A, %convert_element_type3A_9, %dot_general3A {dimension_numbers = #tpu.dot_dimension_numbers<[1], [1], [0], [0], [0, 0, 1, 0], [], []>, transpose_lhs_hint = false} : vector<256x64xbf16>, vector<2048x64xbf16>, vector<256x2048xf32> -> vector<256x2048xf32>
    %mul3A = arith.mulf %get3A_3, %get3A_3 : vector<256x64xf32>
    %reduce_sum3A = arith.constant dense<0.000000e+00> : vector<256xf32>
    %reduce_sum3A_11 = vector.multi_reduction <add>, %mul3A, %reduce_sum3A [1] : vector<256x64xf32> to vector<256xf32>
    %mul3A_12 = arith.mulf %get3A_8, %get3A_8 : vector<2048x64xf32>
    %reduce_sum3A_13 = arith.constant dense<0.000000e+00> : vector<2048xf32>
    %reduce_sum3A_14 = vector.multi_reduction <add>, %mul3A_12, %reduce_sum3A_13 [1] : vector<2048x64xf32> to vector<2048xf32>
    %mul3A_15 = arith.constant 2.000000e+00 : f32
    %mul3A_16 = vector.broadcast %mul3A_15 : f32 to vector<256x2048xf32>
    %mul3A_17 = arith.mulf %mul3A_16, %dot_general3A_10 : vector<256x2048xf32>
    %broadcast_in_dim3A = vector.shape_cast %reduce_sum3A_11 : vector<256xf32> to vector<256x1xf32>
    %sub3A = vector.broadcast %broadcast_in_dim3A : vector<256x1xf32> to vector<256x2048xf32>
    %sub3A_18 = arith.subf %mul3A_17, %sub3A : vector<256x2048xf32>
    %broadcast_in_dim3A_19 = vector.shape_cast %reduce_sum3A_14 : vector<2048xf32> to vector<1x2048xf32>
    %sub3A_20 = vector.broadcast %broadcast_in_dim3A_19 : vector<1x2048xf32> to vector<256x2048xf32>
    %sub3A_21 = arith.subf %sub3A_18, %sub3A_20 : vector<256x2048xf32>
    %bitcast_convert_type3A = tpu.bitcast %sub3A_21 : vector<256x2048xf32> -> vector<256x2048xi32>
    %shift_right_arithmetic3A = arith.constant 31 : i32
    %shift_right_arithmetic3A_22 = vector.broadcast %shift_right_arithmetic3A : i32 to vector<256x2048xi32>
    %shift_right_arithmetic3A_23 = arith.shrsi %bitcast_convert_type3A, %shift_right_arithmetic3A_22 : vector<256x2048xi32>
    %and3A = arith.constant 2147483647 : i32
    %and3A_24 = vector.broadcast %and3A : i32 to vector<256x2048xi32>
    %and3A_25 = arith.andi %shift_right_arithmetic3A_23, %and3A_24 : vector<256x2048xi32>
    %xor3A = arith.xori %bitcast_convert_type3A, %and3A_25 : vector<256x2048xi32>
    %reduce_min3A = arith.constant dense<2147483647> : vector<256xi32>
    %reduce_min3A_26 = vector.multi_reduction <minsi>, %xor3A, %reduce_min3A [1] : vector<256x2048xi32> to vector<256xi32>
    %broadcast_in_dim3A_27 = vector.shape_cast %reduce_min3A_26 : vector<256xi32> to vector<256x1xi32>
    %sub3A_28 = arith.constant 1 : i32
    %sub3A_29 = vector.broadcast %sub3A_28 : i32 to vector<256x1xi32>
    %sub3A_30 = arith.subi %broadcast_in_dim3A_27, %sub3A_29 : vector<256x1xi32>
    %reduce_max3A = arith.constant dense<-2147483648> : vector<256xi32>
    %reduce_max3A_31 = vector.multi_reduction <maxsi>, %xor3A, %reduce_max3A [1] : vector<256x2048xi32> to vector<256xi32>
    %broadcast_in_dim3A_32 = vector.shape_cast %reduce_max3A_31 : vector<256xi32> to vector<256x1xi32>
    %scan3A = arith.constant 0 : i32
    %scan3A_33 = arith.constant 32 : i32
    %scan3A_34 = arith.addi %scan3A, %scan3A_33 : i32
    %scan3A_35 = arith.constant 1 : i32
    %scan3A_36:2 = scf.for %scan3A_217 = %scan3A to %scan3A_34 step %scan3A_35 iter_args(%scan3A_218 = %sub3A_30, %scan3A_219 = %broadcast_in_dim3A_32) -> (vector<256x1xi32>, vector<256x1xi32>)  : i32 {
      %and3A_220 = arith.andi %scan3A_218, %scan3A_219 : vector<256x1xi32>
      %xor3A_221 = arith.xori %scan3A_218, %scan3A_219 : vector<256x1xi32>
      %shift_right_arithmetic3A_222 = arith.constant 1 : i32
      %shift_right_arithmetic3A_223 = vector.broadcast %shift_right_arithmetic3A_222 : i32 to vector<256x1xi32>
      %shift_right_arithmetic3A_224 = arith.shrsi %xor3A_221, %shift_right_arithmetic3A_223 : vector<256x1xi32>
      %add3A_225 = arith.addi %and3A_220, %shift_right_arithmetic3A_224 : vector<256x1xi32>
      %gt3A_226 = vector.broadcast %add3A_225 : vector<256x1xi32> to vector<256x2048xi32>
      %gt3A_227 = arith.cmpi sgt, %xor3A, %gt3A_226 : vector<256x2048xi32>
      %convert_element_type3A_228 = arith.extui %gt3A_227 : vector<256x2048xi1> to vector<256x2048xi32>
      %reduce_sum3A_229 = arith.constant dense<0> : vector<256xi32>
      %reduce_sum3A_230 = vector.multi_reduction <add>, %convert_element_type3A_228, %reduce_sum3A_229 [1] : vector<256x2048xi32> to vector<256xi32>
      %broadcast_in_dim3A_231 = vector.shape_cast %reduce_sum3A_230 : vector<256xi32> to vector<256x1xi32>
      %gt3A_232 = arith.constant 40 : i32
      %gt3A_233 = vector.broadcast %gt3A_232 : i32 to vector<256x1xi32>
      %gt3A_234 = arith.cmpi sgt, %broadcast_in_dim3A_231, %gt3A_233 : vector<256x1xi32>
      %select_n3A_235 = arith.select %gt3A_234, %add3A_225, %scan3A_218 : vector<256x1xi1>, vector<256x1xi32>
      %select_n3A_236 = arith.select %gt3A_234, %scan3A_219, %add3A_225 : vector<256x1xi1>, vector<256x1xi32>
      scf.yield %select_n3A_235, %select_n3A_236 : vector<256x1xi32>, vector<256x1xi32>
    }
    %gt3A = vector.broadcast %scan3A_36#1 : vector<256x1xi32> to vector<256x2048xi32>
    %gt3A_37 = arith.cmpi sgt, %xor3A, %gt3A : vector<256x2048xi32>
    %eq3A = vector.broadcast %scan3A_36#1 : vector<256x1xi32> to vector<256x2048xi32>
    %eq3A_38 = arith.cmpi eq, %xor3A, %eq3A : vector<256x2048xi32>
    %convert_element_type3A_39 = arith.extui %gt3A_37 : vector<256x2048xi1> to vector<256x2048xi32>
    %convert_element_type3A_40 = arith.extui %eq3A_38 : vector<256x2048xi1> to vector<256x2048xi32>
    %shift_left3A = arith.constant 12 : i32
    %shift_left3A_41 = vector.broadcast %shift_left3A : i32 to vector<256x2048xi32>
    %shift_left3A_42 = arith.shli %convert_element_type3A_40, %shift_left3A_41 : vector<256x2048xi32>
    %add3A = arith.addi %convert_element_type3A_39, %shift_left3A_42 : vector<256x2048xi32>
    %iota3A = tpu.iota {dimensions = array<i32: 1>} : vector<256x2048xi32>
    %jit3A = arith.constant 128 : i32
    %eq3A_43 = arith.constant 0 : i32
    %eq3A_44 = arith.cmpi eq, %jit3A, %eq3A_43 : i32
    %jit3A_45 = arith.constant 1 : i32
    %select_n3A = arith.select %eq3A_44, %jit3A_45, %jit3A : i32
    %rem3A = vector.broadcast %select_n3A : i32 to vector<256x2048xi32>
    %rem3A_46 = arith.remsi %iota3A, %rem3A : vector<256x2048xi32>
    %ne3A = arith.constant 0 : i32
    %ne3A_47 = vector.broadcast %ne3A : i32 to vector<256x2048xi32>
    %ne3A_48 = arith.cmpi ne, %rem3A_46, %ne3A_47 : vector<256x2048xi32>
    %lt3A = arith.constant 0 : i32
    %lt3A_49 = vector.broadcast %lt3A : i32 to vector<256x2048xi32>
    %lt3A_50 = arith.cmpi slt, %rem3A_46, %lt3A_49 : vector<256x2048xi32>
    %lt3A_51 = arith.constant 0 : i32
    %lt3A_52 = arith.cmpi slt, %select_n3A, %lt3A_51 : i32
    %ne3A_53 = vector.broadcast %lt3A_52 : i1 to vector<256x2048xi1>
    %ne3A_54 = vector.broadcast %ne3A_53 : vector<256x2048xi1> to vector<256x2048xi1>
    %ne3A_55 = arith.xori %lt3A_50, %ne3A_54 : vector<256x2048xi1>
    %and3A_56 = arith.andi %ne3A_55, %ne3A_48 : vector<256x2048xi1>
    %add3A_57 = vector.broadcast %select_n3A : i32 to vector<256x2048xi32>
    %add3A_58 = arith.addi %rem3A_46, %add3A_57 : vector<256x2048xi32>
    %select_n3A_59 = arith.select %and3A_56, %add3A_58, %rem3A_46 : vector<256x2048xi1>, vector<256x2048xi32>
    %ge3A = arith.constant 1 : i32
    %ge3A_60 = vector.broadcast %ge3A : i32 to vector<256x2048xi32>
    %ge3A_61 = arith.cmpi sge, %select_n3A_59, %ge3A_60 : vector<256x2048xi32>
    %roll3A = arith.constant 1 : i32
    %roll3A_62 = tpu.dynamic_rotate %add3A by %roll3A dim 1 : vector<256x2048xi32>, i32 -> vector<256x2048xi32>
    %jit3A_63 = arith.constant 0 : i32
    %broadcast_in_dim3A_64 = vector.broadcast %jit3A_63 : i32 to vector<256x2048xi32>
    %select_n3A_65 = arith.select %ge3A_61, %roll3A_62, %broadcast_in_dim3A_64 : vector<256x2048xi1>, vector<256x2048xi32>
    %add3A_66 = arith.addi %add3A, %select_n3A_65 : vector<256x2048xi32>
    %ge3A_67 = arith.constant 2 : i32
    %ge3A_68 = vector.broadcast %ge3A_67 : i32 to vector<256x2048xi32>
    %ge3A_69 = arith.cmpi sge, %select_n3A_59, %ge3A_68 : vector<256x2048xi32>
    %roll3A_70 = arith.constant 2 : i32
    %roll3A_71 = tpu.dynamic_rotate %add3A_66 by %roll3A_70 dim 1 : vector<256x2048xi32>, i32 -> vector<256x2048xi32>
    %jit3A_72 = arith.constant 0 : i32
    %broadcast_in_dim3A_73 = vector.broadcast %jit3A_72 : i32 to vector<256x2048xi32>
    %select_n3A_74 = arith.select %ge3A_69, %roll3A_71, %broadcast_in_dim3A_73 : vector<256x2048xi1>, vector<256x2048xi32>
    %add3A_75 = arith.addi %add3A_66, %select_n3A_74 : vector<256x2048xi32>
    %ge3A_76 = arith.constant 4 : i32
    %ge3A_77 = vector.broadcast %ge3A_76 : i32 to vector<256x2048xi32>
    %ge3A_78 = arith.cmpi sge, %select_n3A_59, %ge3A_77 : vector<256x2048xi32>
    %roll3A_79 = arith.constant 4 : i32
    %roll3A_80 = tpu.dynamic_rotate %add3A_75 by %roll3A_79 dim 1 : vector<256x2048xi32>, i32 -> vector<256x2048xi32>
    %jit3A_81 = arith.constant 0 : i32
    %broadcast_in_dim3A_82 = vector.broadcast %jit3A_81 : i32 to vector<256x2048xi32>
    %select_n3A_83 = arith.select %ge3A_78, %roll3A_80, %broadcast_in_dim3A_82 : vector<256x2048xi1>, vector<256x2048xi32>
    %add3A_84 = arith.addi %add3A_75, %select_n3A_83 : vector<256x2048xi32>
    %ge3A_85 = arith.constant 8 : i32
    %ge3A_86 = vector.broadcast %ge3A_85 : i32 to vector<256x2048xi32>
    %ge3A_87 = arith.cmpi sge, %select_n3A_59, %ge3A_86 : vector<256x2048xi32>
    %roll3A_88 = arith.constant 8 : i32
    %roll3A_89 = tpu.dynamic_rotate %add3A_84 by %roll3A_88 dim 1 : vector<256x2048xi32>, i32 -> vector<256x2048xi32>
    %jit3A_90 = arith.constant 0 : i32
    %broadcast_in_dim3A_91 = vector.broadcast %jit3A_90 : i32 to vector<256x2048xi32>
    %select_n3A_92 = arith.select %ge3A_87, %roll3A_89, %broadcast_in_dim3A_91 : vector<256x2048xi1>, vector<256x2048xi32>
    %add3A_93 = arith.addi %add3A_84, %select_n3A_92 : vector<256x2048xi32>
    %ge3A_94 = arith.constant 16 : i32
    %ge3A_95 = vector.broadcast %ge3A_94 : i32 to vector<256x2048xi32>
    %ge3A_96 = arith.cmpi sge, %select_n3A_59, %ge3A_95 : vector<256x2048xi32>
    %roll3A_97 = arith.constant 16 : i32
    %roll3A_98 = tpu.dynamic_rotate %add3A_93 by %roll3A_97 dim 1 : vector<256x2048xi32>, i32 -> vector<256x2048xi32>
    %jit3A_99 = arith.constant 0 : i32
    %broadcast_in_dim3A_100 = vector.broadcast %jit3A_99 : i32 to vector<256x2048xi32>
    %select_n3A_101 = arith.select %ge3A_96, %roll3A_98, %broadcast_in_dim3A_100 : vector<256x2048xi1>, vector<256x2048xi32>
    %add3A_102 = arith.addi %add3A_93, %select_n3A_101 : vector<256x2048xi32>
    %ge3A_103 = arith.constant 32 : i32
    %ge3A_104 = vector.broadcast %ge3A_103 : i32 to vector<256x2048xi32>
    %ge3A_105 = arith.cmpi sge, %select_n3A_59, %ge3A_104 : vector<256x2048xi32>
    %roll3A_106 = arith.constant 32 : i32
    %roll3A_107 = tpu.dynamic_rotate %add3A_102 by %roll3A_106 dim 1 : vector<256x2048xi32>, i32 -> vector<256x2048xi32>
    %jit3A_108 = arith.constant 0 : i32
    %broadcast_in_dim3A_109 = vector.broadcast %jit3A_108 : i32 to vector<256x2048xi32>
    %select_n3A_110 = arith.select %ge3A_105, %roll3A_107, %broadcast_in_dim3A_109 : vector<256x2048xi1>, vector<256x2048xi32>
    %add3A_111 = arith.addi %add3A_102, %select_n3A_110 : vector<256x2048xi32>
    %ge3A_112 = arith.constant 64 : i32
    %ge3A_113 = vector.broadcast %ge3A_112 : i32 to vector<256x2048xi32>
    %ge3A_114 = arith.cmpi sge, %select_n3A_59, %ge3A_113 : vector<256x2048xi32>
    %roll3A_115 = arith.constant 64 : i32
    %roll3A_116 = tpu.dynamic_rotate %add3A_111 by %roll3A_115 dim 1 : vector<256x2048xi32>, i32 -> vector<256x2048xi32>
    %jit3A_117 = arith.constant 0 : i32
    %broadcast_in_dim3A_118 = vector.broadcast %jit3A_117 : i32 to vector<256x2048xi32>
    %select_n3A_119 = arith.select %ge3A_114, %roll3A_116, %broadcast_in_dim3A_118 : vector<256x2048xi1>, vector<256x2048xi32>
    %add3A_120 = arith.addi %add3A_111, %select_n3A_119 : vector<256x2048xi32>
    %iota3A_121 = tpu.iota {dimensions = array<i32: 0>} : vector<2048x16xi32>
    %jit3A_122 = arith.constant 128 : i32
    %div3A = vector.broadcast %jit3A_122 : i32 to vector<2048x16xi32>
    %div3A_123 = arith.divsi %iota3A_121, %div3A : vector<2048x16xi32>
    %sign3A = arith.constant 0 : i32
    %sign3A_124 = vector.broadcast %sign3A : i32 to vector<2048x16xi32>
    %sign3A_125 = arith.cmpi sgt, %iota3A_121, %sign3A_124 : vector<2048x16xi32>
    %sign3A_126 = arith.extui %sign3A_125 : vector<2048x16xi1> to vector<2048x16xi32>
    %sign3A_127 = arith.constant 0 : i32
    %sign3A_128 = vector.broadcast %sign3A_127 : i32 to vector<2048x16xi32>
    %sign3A_129 = arith.cmpi slt, %iota3A_121, %sign3A_128 : vector<2048x16xi32>
    %sign3A_130 = arith.extui %sign3A_129 : vector<2048x16xi1> to vector<2048x16xi32>
    %sign3A_131 = arith.subi %sign3A_126, %sign3A_130 : vector<2048x16xi32>
    %sign3A_132 = arith.constant 0 : i32
    %sign3A_133 = arith.cmpi sgt, %jit3A_122, %sign3A_132 : i32
    %sign3A_134 = arith.extui %sign3A_133 : i1 to i32
    %sign3A_135 = arith.constant 0 : i32
    %sign3A_136 = arith.cmpi slt, %jit3A_122, %sign3A_135 : i32
    %sign3A_137 = arith.extui %sign3A_136 : i1 to i32
    %sign3A_138 = arith.subi %sign3A_134, %sign3A_137 : i32
    %ne3A_139 = vector.broadcast %sign3A_138 : i32 to vector<2048x16xi32>
    %ne3A_140 = arith.cmpi ne, %sign3A_131, %ne3A_139 : vector<2048x16xi32>
    %rem3A_141 = vector.broadcast %jit3A_122 : i32 to vector<2048x16xi32>
    %rem3A_142 = arith.remsi %iota3A_121, %rem3A_141 : vector<2048x16xi32>
    %ne3A_143 = arith.constant 0 : i32
    %ne3A_144 = vector.broadcast %ne3A_143 : i32 to vector<2048x16xi32>
    %ne3A_145 = arith.cmpi ne, %rem3A_142, %ne3A_144 : vector<2048x16xi32>
    %and3A_146 = arith.andi %ne3A_140, %ne3A_145 : vector<2048x16xi1>
    %sub3A_147 = arith.constant 1 : i32
    %sub3A_148 = vector.broadcast %sub3A_147 : i32 to vector<2048x16xi32>
    %sub3A_149 = arith.subi %div3A_123, %sub3A_148 : vector<2048x16xi32>
    %select_n3A_150 = arith.select %and3A_146, %sub3A_149, %div3A_123 : vector<2048x16xi1>, vector<2048x16xi32>
    %iota3A_151 = tpu.iota {dimensions = array<i32: 1>} : vector<2048x16xi32>
    %eq3A_152 = arith.cmpi eq, %select_n3A_150, %iota3A_151 : vector<2048x16xi32>
    %convert_element_type3A_153 = arith.sitofp %add3A : vector<256x2048xi32> to vector<256x2048xf32>
    %convert_element_type3A_154 = arith.extui %eq3A_152 : vector<2048x16xi1> to vector<2048x16xi32>
    %convert_element_type3A_155 = arith.sitofp %convert_element_type3A_154 : vector<2048x16xi32> to vector<2048x16xf32>
    %dot_general3A_156 = arith.constant dense<0.000000e+00> : vector<256x16xf32>
    %dot_general3A_157 = tpu.matmul %convert_element_type3A_153, %convert_element_type3A_155, %dot_general3A_156 {dimension_numbers = #tpu.dot_dimension_numbers<[1], [0], [0], [1], [0, 0, 1, 1], [], []>, transpose_lhs_hint = false} : vector<256x2048xf32>, vector<2048x16xf32>, vector<256x16xf32> -> vector<256x16xf32>
    %convert_element_type3A_158 = arith.fptosi %dot_general3A_157 : vector<256x16xf32> to vector<256x16xi32>
    %broadcast_in_dim3A_159 = arith.constant 0 : i32
    %broadcast_in_dim3A_160 = vector.broadcast %broadcast_in_dim3A_159 : i32 to vector<256x1xi32>
    %slice3A = vector.extract_strided_slice %convert_element_type3A_158 {offsets = [0, 0], sizes = [256, 15], strides = [1, 1]} : vector<256x16xi32> to vector<256x15xi32>
    %concatenate3A = tpu.concatenate %broadcast_in_dim3A_160, %slice3A in 1 : vector<256x1xi32>, vector<256x15xi32> -> vector<256x16xi32>
    %add3A_161 = arith.addi %convert_element_type3A_158, %concatenate3A : vector<256x16xi32>
    %broadcast_in_dim3A_162 = arith.constant 0 : i32
    %broadcast_in_dim3A_163 = vector.broadcast %broadcast_in_dim3A_162 : i32 to vector<256x2xi32>
    %slice3A_164 = vector.extract_strided_slice %add3A_161 {offsets = [0, 0], sizes = [256, 14], strides = [1, 1]} : vector<256x16xi32> to vector<256x14xi32>
    %concatenate3A_165 = tpu.concatenate %broadcast_in_dim3A_163, %slice3A_164 in 1 : vector<256x2xi32>, vector<256x14xi32> -> vector<256x16xi32>
    %add3A_166 = arith.addi %add3A_161, %concatenate3A_165 : vector<256x16xi32>
    %broadcast_in_dim3A_167 = arith.constant 0 : i32
    %broadcast_in_dim3A_168 = vector.broadcast %broadcast_in_dim3A_167 : i32 to vector<256x4xi32>
    %slice3A_169 = vector.extract_strided_slice %add3A_166 {offsets = [0, 0], sizes = [256, 12], strides = [1, 1]} : vector<256x16xi32> to vector<256x12xi32>
    %concatenate3A_170 = tpu.concatenate %broadcast_in_dim3A_168, %slice3A_169 in 1 : vector<256x4xi32>, vector<256x12xi32> -> vector<256x16xi32>
    %add3A_171 = arith.addi %add3A_166, %concatenate3A_170 : vector<256x16xi32>
    %broadcast_in_dim3A_172 = arith.constant 0 : i32
    %broadcast_in_dim3A_173 = vector.broadcast %broadcast_in_dim3A_172 : i32 to vector<256x8xi32>
    %slice3A_174 = vector.extract_strided_slice %add3A_171 {offsets = [0, 0], sizes = [256, 8], strides = [1, 1]} : vector<256x16xi32> to vector<256x8xi32>
    %concatenate3A_175 = tpu.concatenate %broadcast_in_dim3A_173, %slice3A_174 in 1 : vector<256x8xi32>, vector<256x8xi32> -> vector<256x16xi32>
    %add3A_176 = arith.addi %add3A_171, %concatenate3A_175 : vector<256x16xi32>
    %sub3A_177 = arith.subi %add3A_176, %convert_element_type3A_158 : vector<256x16xi32>
    %broadcast_in_dim3A_178 = vector.shape_cast %sub3A_177 : vector<256x16xi32> to vector<256x16x1xi32>
    %broadcast_in_dim3A_179 = vector.shape_cast %broadcast_in_dim3A_178 : vector<256x16x1xi32> to vector<256x16x1xi32>
    %broadcast_in_dim3A_180 = vector.broadcast %broadcast_in_dim3A_179 : vector<256x16x1xi32> to vector<256x16x128xi32>
    %reshape3A = vector.shape_cast %broadcast_in_dim3A_180 : vector<256x16x128xi32> to vector<256x2048xi32>
    %add3A_181 = arith.addi %add3A_120, %reshape3A : vector<256x2048xi32>
    %and3A_182 = arith.constant 4095 : i32
    %and3A_183 = vector.broadcast %and3A_182 : i32 to vector<256x2048xi32>
    %and3A_184 = arith.andi %add3A_181, %and3A_183 : vector<256x2048xi32>
    %shift_right_arithmetic3A_185 = arith.constant 12 : i32
    %shift_right_arithmetic3A_186 = vector.broadcast %shift_right_arithmetic3A_185 : i32 to vector<256x2048xi32>
    %shift_right_arithmetic3A_187 = arith.shrsi %add3A_181, %shift_right_arithmetic3A_186 : vector<256x2048xi32>
    %convert_element_type3A_188 = arith.extui %gt3A_37 : vector<256x2048xi1> to vector<256x2048xi32>
    %reduce_sum3A_189 = arith.constant dense<0> : vector<256xi32>
    %reduce_sum3A_190 = vector.multi_reduction <add>, %convert_element_type3A_188, %reduce_sum3A_189 [1] : vector<256x2048xi32> to vector<256xi32>
    %broadcast_in_dim3A_191 = vector.shape_cast %reduce_sum3A_190 : vector<256xi32> to vector<256x1xi32>
    %sub3A_192 = arith.constant 40 : i32
    %sub3A_193 = vector.broadcast %sub3A_192 : i32 to vector<256x1xi32>
    %sub3A_194 = arith.subi %sub3A_193, %broadcast_in_dim3A_191 : vector<256x1xi32>
    %le3A = vector.broadcast %sub3A_194 : vector<256x1xi32> to vector<256x2048xi32>
    %le3A_195 = arith.cmpi sle, %shift_right_arithmetic3A_187, %le3A : vector<256x2048xi32>
    %and3A_196 = arith.andi %eq3A_38, %le3A_195 : vector<256x2048xi1>
    %sub3A_197 = arith.constant 1 : i32
    %sub3A_198 = vector.broadcast %sub3A_197 : i32 to vector<256x2048xi32>
    %sub3A_199 = arith.subi %and3A_184, %sub3A_198 : vector<256x2048xi32>
    %add3A_200 = vector.broadcast %broadcast_in_dim3A_191 : vector<256x1xi32> to vector<256x2048xi32>
    %add3A_201 = arith.addi %add3A_200, %shift_right_arithmetic3A_187 : vector<256x2048xi32>
    %sub3A_202 = arith.constant 1 : i32
    %sub3A_203 = vector.broadcast %sub3A_202 : i32 to vector<256x2048xi32>
    %sub3A_204 = arith.subi %add3A_201, %sub3A_203 : vector<256x2048xi32>
    %select_n3A_205 = arith.select %gt3A_37, %sub3A_199, %sub3A_204 : vector<256x2048xi1>, vector<256x2048xi32>
    %or3A = arith.ori %gt3A_37, %and3A_196 : vector<256x2048xi1>
    %add3A_206 = arith.constant 1 : i32
    %add3A_207 = vector.broadcast %add3A_206 : i32 to vector<256x2048xi32>
    %add3A_208 = arith.addi %select_n3A_205, %add3A_207 : vector<256x2048xi32>
    %jit3A_209 = arith.constant 0 : i32
    %broadcast_in_dim3A_210 = vector.broadcast %jit3A_209 : i32 to vector<256x2048xi32>
    %select_n3A_211 = arith.select %or3A, %add3A_208, %broadcast_in_dim3A_210 : vector<256x2048xi1>, vector<256x2048xi32>
    %swap3A = arith.constant 0 : index
    %swap3A_212 = arith.constant 0 : index
    %swap3A_213 = arith.constant 0 : index
    %swap3A_214 = vector.load %arg4[%swap3A, %swap3A_212, %swap3A_213] : memref<1x256x2048xi32, #tpu.memory_space<vmem>>, vector<1x256x2048xi32>
    %swap3A_215 = vector.shape_cast %swap3A_214 : vector<1x256x2048xi32> to vector<256x2048xi32>
    %swap3A_216 = vector.shape_cast %select_n3A_211 : vector<256x2048xi32> to vector<1x256x2048xi32>
    tpu.vector_store %arg4[%swap3A, %swap3A_212, %swap3A_213], %swap3A_216 {strides = array<i32>} : memref<1x256x2048xi32, #tpu.memory_space<vmem>>, vector<1x256x2048xi32>,
    return
  }
  func.func @transform_0(%arg0: i32, %arg1: i32) -> (i32, i32, i32) {
    %c0_i32 = arith.constant 0 : i32
    %c0_i32_0 = arith.constant 0 : i32
    return %arg0, %arg1, %c0_i32 : i32, i32, i32
  }
  func.func @transform_1(%arg0: i32, %arg1: i32) -> (i32, i32, i32) {
    %c0_i32 = arith.constant 0 : i32
    %c0_i32_0 = arith.constant 0 : i32
    %c0_i32_1 = arith.constant 0 : i32
    return %arg0, %c0_i32, %c0_i32_0 : i32, i32, i32
  }
  func.func @transform_2(%arg0: i32, %arg1: i32) -> (i32, i32, i32) {
    %c0_i32 = arith.constant 0 : i32
    %c0_i32_0 = arith.constant 0 : i32
    return %arg0, %arg1, %c0_i32 : i32, i32, i32
  }
}

module attributes {stable_mosaic.version = 14 : i64} {
  func.func @_edgeconv_body(%arg0: i32, %arg1: memref<5120x128xf32, #tpu.memory_space<vmem>>, %arg2: memref<128x128xf32, #tpu.memory_space<vmem>>, %arg3: memref<64x128xf32, #tpu.memory_space<vmem>>, %arg4: memref<1x64xf32, #tpu.memory_space<vmem>>, %arg5: memref<128x64xf32, #tpu.memory_space<vmem>>) attributes {dimension_semantics = [#tpu.dimension_semantics<arbitrary>], iteration_bounds = array<i64: 128>, scalar_prefetch = 0 : i64, scratch_operands = 0 : i64, tpu.core_type = #tpu.core_type<tc>, window_params = [{transform_indices = @transform_0, window_bounds = array<i64: 5120, 128>}, {transform_indices = @transform_1, window_bounds = array<i64: 128, 128>}, {pipeline_mode = #tpu.pipeline_mode<synchronous>, transform_indices = @transform_2, window_bounds = array<i64: 64, 128>}, {pipeline_mode = #tpu.pipeline_mode<synchronous>, transform_indices = @transform_3, window_bounds = array<i64: 1, 64>}, {transform_indices = @transform_4, window_bounds = array<i64: 128, 64>}]} {
    %get3A = arith.constant 0 : index
    %get3A_0 = arith.constant 0 : index
    %get3A_1 = vector.load %arg3[%get3A, %get3A_0] : memref<64x128xf32, #tpu.memory_space<vmem>>, vector<64x64xf32>
    %get3A_2 = arith.constant 0 : index
    %get3A_3 = arith.constant 64 : index
    %get3A_4 = vector.load %arg3[%get3A_2, %get3A_3] : memref<64x128xf32, #tpu.memory_space<vmem>>, vector<64x64xf32>
    %broadcast_in_dim3A = arith.constant 0.000000e+00 : f32
    %broadcast_in_dim3A_5 = vector.broadcast %broadcast_in_dim3A : f32 to vector<64x64xf32>
    %concatenate3A = tpu.concatenate %get3A_1, %broadcast_in_dim3A_5 in 1 : vector<64x64xf32>, vector<64x64xf32> -> vector<64x128xf32>
    %concatenate3A_6 = tpu.concatenate %get3A_4, %broadcast_in_dim3A_5 in 1 : vector<64x64xf32>, vector<64x64xf32> -> vector<64x128xf32>
    %get3A_7 = arith.constant 0 : index
    %get3A_8 = arith.constant 0 : index
    %get3A_9 = vector.load %arg2[%get3A_7, %get3A_8] : memref<128x128xf32, #tpu.memory_space<vmem>>, vector<128x128xf32>
    %get3A_10 = arith.constant 0 : index
    %get3A_11 = arith.constant 0 : index
    %get3A_12 = vector.load %arg1[%get3A_10, %get3A_11] : memref<5120x128xf32, #tpu.memory_space<vmem>>, vector<5120x128xf32>
    %reshape3A = vector.shape_cast %get3A_12 : vector<5120x128xf32> to vector<128x40x128xf32>
    %broadcast_in_dim3A_13 = vector.shape_cast %get3A_9 : vector<128x128xf32> to vector<128x1x128xf32>
    %sub3A = vector.broadcast %broadcast_in_dim3A_13 : vector<128x1x128xf32> to vector<128x40x128xf32>
    %sub3A_14 = arith.subf %reshape3A, %sub3A : vector<128x40x128xf32>
    %convert_element_type3A = arith.truncf %sub3A_14 : vector<128x40x128xf32> to vector<128x40x128xbf16>
    %reshape3A_15 = vector.shape_cast %convert_element_type3A : vector<128x40x128xbf16> to vector<5120x128xbf16>
    %convert_element_type3A_16 = arith.truncf %concatenate3A : vector<64x128xf32> to vector<64x128xbf16>
    %dot_general3A = arith.constant dense<0.000000e+00> : vector<5120x64xf32>
    %dot_general3A_17 = tpu.matmul %reshape3A_15, %convert_element_type3A_16, %dot_general3A {dimension_numbers = #tpu.dot_dimension_numbers<[1], [1], [0], [0], [0, 0, 1, 0], [], []>, transpose_lhs_hint = false} : vector<5120x128xbf16>, vector<64x128xbf16>, vector<5120x64xf32> -> vector<5120x64xf32>
    %convert_element_type3A_18 = arith.truncf %get3A_9 : vector<128x128xf32> to vector<128x128xbf16>
    %convert_element_type3A_19 = arith.truncf %concatenate3A_6 : vector<64x128xf32> to vector<64x128xbf16>
    %dot_general3A_20 = arith.constant dense<0.000000e+00> : vector<128x64xf32>
    %dot_general3A_21 = tpu.matmul %convert_element_type3A_18, %convert_element_type3A_19, %dot_general3A_20 {dimension_numbers = #tpu.dot_dimension_numbers<[1], [1], [0], [0], [0, 0, 1, 0], [], []>, transpose_lhs_hint = false} : vector<128x128xbf16>, vector<64x128xbf16>, vector<128x64xf32> -> vector<128x64xf32>
    %reshape3A_22 = vector.shape_cast %dot_general3A_17 : vector<5120x64xf32> to vector<128x40x64xf32>
    %get3A_23 = arith.constant 0 : index
    %get3A_24 = arith.constant 0 : index
    %get3A_25 = vector.load %arg4[%get3A_23, %get3A_24] : memref<1x64xf32, #tpu.memory_space<vmem>>, vector<1x64xf32>
    %add3A = vector.broadcast %get3A_25 : vector<1x64xf32> to vector<128x64xf32>
    %add3A_26 = arith.addf %dot_general3A_21, %add3A : vector<128x64xf32>
    %broadcast_in_dim3A_27 = vector.shape_cast %add3A_26 : vector<128x64xf32> to vector<128x1x64xf32>
    %add3A_28 = vector.broadcast %broadcast_in_dim3A_27 : vector<128x1x64xf32> to vector<128x40x64xf32>
    %add3A_29 = arith.addf %reshape3A_22, %add3A_28 : vector<128x40x64xf32>
    %ge3A = arith.constant 0.000000e+00 : f32
    %ge3A_30 = vector.broadcast %ge3A : f32 to vector<128x40x64xf32>
    %ge3A_31 = arith.cmpf oge, %add3A_29, %ge3A_30 : vector<128x40x64xf32>
    %mul3A = arith.constant 2.000000e-01 : f32
    %mul3A_32 = vector.broadcast %mul3A : f32 to vector<128x40x64xf32>
    %mul3A_33 = arith.mulf %mul3A_32, %add3A_29 : vector<128x40x64xf32>
    %select_n3A = arith.select %ge3A_31, %add3A_29, %mul3A_33 : vector<128x40x64xi1>, vector<128x40x64xf32>
    %reduce_max3A = arith.constant dense<0xFF800000> : vector<128x64xf32>
    %reduce_max3A_34 = vector.multi_reduction <maximumf>, %select_n3A, %reduce_max3A [1] : vector<128x40x64xf32> to vector<128x64xf32>
    %swap3A = arith.constant 0 : index
    %swap3A_35 = arith.constant 0 : index
    %swap3A_36 = vector.load %arg5[%swap3A, %swap3A_35] : memref<128x64xf32, #tpu.memory_space<vmem>>, vector<128x64xf32>
    tpu.vector_store %arg5[%swap3A, %swap3A_35], %reduce_max3A_34 {strides = array<i32>} : memref<128x64xf32, #tpu.memory_space<vmem>>, vector<128x64xf32>,
    return
  }
  func.func @transform_0(%arg0: i32) -> (i32, i32) {
    %c0_i32 = arith.constant 0 : i32
    %c0_i32_0 = arith.constant 0 : i32
    return %arg0, %c0_i32 : i32, i32
  }
  func.func @transform_1(%arg0: i32) -> (i32, i32) {
    %c0_i32 = arith.constant 0 : i32
    %c0_i32_0 = arith.constant 0 : i32
    return %arg0, %c0_i32 : i32, i32
  }
  func.func @transform_2(%arg0: i32) -> (i32, i32) {
    %c0_i32 = arith.constant 0 : i32
    %c0_i32_0 = arith.constant 0 : i32
    %c0_i32_1 = arith.constant 0 : i32
    return %c0_i32, %c0_i32_0 : i32, i32
  }
  func.func @transform_3(%arg0: i32) -> (i32, i32) {
    %c0_i32 = arith.constant 0 : i32
    %c0_i32_0 = arith.constant 0 : i32
    %c0_i32_1 = arith.constant 0 : i32
    return %c0_i32, %c0_i32_0 : i32, i32
  }
  func.func @transform_4(%arg0: i32) -> (i32, i32) {
    %c0_i32 = arith.constant 0 : i32
    %c0_i32_0 = arith.constant 0 : i32
    return %arg0, %c0_i32 : i32, i32
  }
}

module attributes {stable_mosaic.version = 14 : i64} {
  func.func @_edgeconv_body(%arg0: i32, %arg1: memref<5120x128xf32, #tpu.memory_space<vmem>>, %arg2: memref<128x128xf32, #tpu.memory_space<vmem>>, %arg3: memref<128x128xf32, #tpu.memory_space<vmem>>, %arg4: memref<1x128xf32, #tpu.memory_space<vmem>>, %arg5: memref<128x128xf32, #tpu.memory_space<vmem>>) attributes {dimension_semantics = [#tpu.dimension_semantics<arbitrary>], iteration_bounds = array<i64: 128>, scalar_prefetch = 0 : i64, scratch_operands = 0 : i64, tpu.core_type = #tpu.core_type<tc>, window_params = [{transform_indices = @transform_0, window_bounds = array<i64: 5120, 128>}, {transform_indices = @transform_1, window_bounds = array<i64: 128, 128>}, {pipeline_mode = #tpu.pipeline_mode<synchronous>, transform_indices = @transform_2, window_bounds = array<i64: 128, 128>}, {pipeline_mode = #tpu.pipeline_mode<synchronous>, transform_indices = @transform_3, window_bounds = array<i64: 1, 128>}, {transform_indices = @transform_4, window_bounds = array<i64: 128, 128>}]} {
    %get3A = arith.constant 0 : index
    %get3A_0 = arith.constant 0 : index
    %get3A_1 = vector.load %arg3[%get3A, %get3A_0] : memref<128x128xf32, #tpu.memory_space<vmem>>, vector<128x64xf32>
    %get3A_2 = arith.constant 0 : index
    %get3A_3 = arith.constant 64 : index
    %get3A_4 = vector.load %arg3[%get3A_2, %get3A_3] : memref<128x128xf32, #tpu.memory_space<vmem>>, vector<128x64xf32>
    %broadcast_in_dim3A = arith.constant 0.000000e+00 : f32
    %broadcast_in_dim3A_5 = vector.broadcast %broadcast_in_dim3A : f32 to vector<128x64xf32>
    %concatenate3A = tpu.concatenate %get3A_1, %broadcast_in_dim3A_5 in 1 : vector<128x64xf32>, vector<128x64xf32> -> vector<128x128xf32>
    %concatenate3A_6 = tpu.concatenate %get3A_4, %broadcast_in_dim3A_5 in 1 : vector<128x64xf32>, vector<128x64xf32> -> vector<128x128xf32>
    %get3A_7 = arith.constant 0 : index
    %get3A_8 = arith.constant 0 : index
    %get3A_9 = vector.load %arg2[%get3A_7, %get3A_8] : memref<128x128xf32, #tpu.memory_space<vmem>>, vector<128x128xf32>
    %get3A_10 = arith.constant 0 : index
    %get3A_11 = arith.constant 0 : index
    %get3A_12 = vector.load %arg1[%get3A_10, %get3A_11] : memref<5120x128xf32, #tpu.memory_space<vmem>>, vector<5120x128xf32>
    %reshape3A = vector.shape_cast %get3A_12 : vector<5120x128xf32> to vector<128x40x128xf32>
    %broadcast_in_dim3A_13 = vector.shape_cast %get3A_9 : vector<128x128xf32> to vector<128x1x128xf32>
    %sub3A = vector.broadcast %broadcast_in_dim3A_13 : vector<128x1x128xf32> to vector<128x40x128xf32>
    %sub3A_14 = arith.subf %reshape3A, %sub3A : vector<128x40x128xf32>
    %convert_element_type3A = arith.truncf %sub3A_14 : vector<128x40x128xf32> to vector<128x40x128xbf16>
    %reshape3A_15 = vector.shape_cast %convert_element_type3A : vector<128x40x128xbf16> to vector<5120x128xbf16>
    %convert_element_type3A_16 = arith.truncf %concatenate3A : vector<128x128xf32> to vector<128x128xbf16>
    %dot_general3A = arith.constant dense<0.000000e+00> : vector<5120x128xf32>
    %dot_general3A_17 = tpu.matmul %reshape3A_15, %convert_element_type3A_16, %dot_general3A {dimension_numbers = #tpu.dot_dimension_numbers<[1], [1], [0], [0], [0, 0, 1, 0], [], []>, transpose_lhs_hint = false} : vector<5120x128xbf16>, vector<128x128xbf16>, vector<5120x128xf32> -> vector<5120x128xf32>
    %convert_element_type3A_18 = arith.truncf %get3A_9 : vector<128x128xf32> to vector<128x128xbf16>
    %convert_element_type3A_19 = arith.truncf %concatenate3A_6 : vector<128x128xf32> to vector<128x128xbf16>
    %dot_general3A_20 = arith.constant dense<0.000000e+00> : vector<128x128xf32>
    %dot_general3A_21 = tpu.matmul %convert_element_type3A_18, %convert_element_type3A_19, %dot_general3A_20 {dimension_numbers = #tpu.dot_dimension_numbers<[1], [1], [0], [0], [0, 0, 1, 0], [], []>, transpose_lhs_hint = false} : vector<128x128xbf16>, vector<128x128xbf16>, vector<128x128xf32> -> vector<128x128xf32>
    %reshape3A_22 = vector.shape_cast %dot_general3A_17 : vector<5120x128xf32> to vector<128x40x128xf32>
    %get3A_23 = arith.constant 0 : index
    %get3A_24 = arith.constant 0 : index
    %get3A_25 = vector.load %arg4[%get3A_23, %get3A_24] : memref<1x128xf32, #tpu.memory_space<vmem>>, vector<1x128xf32>
    %add3A = vector.broadcast %get3A_25 : vector<1x128xf32> to vector<128x128xf32>
    %add3A_26 = arith.addf %dot_general3A_21, %add3A : vector<128x128xf32>
    %broadcast_in_dim3A_27 = vector.shape_cast %add3A_26 : vector<128x128xf32> to vector<128x1x128xf32>
    %add3A_28 = vector.broadcast %broadcast_in_dim3A_27 : vector<128x1x128xf32> to vector<128x40x128xf32>
    %add3A_29 = arith.addf %reshape3A_22, %add3A_28 : vector<128x40x128xf32>
    %ge3A = arith.constant 0.000000e+00 : f32
    %ge3A_30 = vector.broadcast %ge3A : f32 to vector<128x40x128xf32>
    %ge3A_31 = arith.cmpf oge, %add3A_29, %ge3A_30 : vector<128x40x128xf32>
    %mul3A = arith.constant 2.000000e-01 : f32
    %mul3A_32 = vector.broadcast %mul3A : f32 to vector<128x40x128xf32>
    %mul3A_33 = arith.mulf %mul3A_32, %add3A_29 : vector<128x40x128xf32>
    %select_n3A = arith.select %ge3A_31, %add3A_29, %mul3A_33 : vector<128x40x128xi1>, vector<128x40x128xf32>
    %reduce_max3A = arith.constant dense<0xFF800000> : vector<128x128xf32>
    %reduce_max3A_34 = vector.multi_reduction <maximumf>, %select_n3A, %reduce_max3A [1] : vector<128x40x128xf32> to vector<128x128xf32>
    %swap3A = arith.constant 0 : index
    %swap3A_35 = arith.constant 0 : index
    %swap3A_36 = vector.load %arg5[%swap3A, %swap3A_35] : memref<128x128xf32, #tpu.memory_space<vmem>>, vector<128x128xf32>
    tpu.vector_store %arg5[%swap3A, %swap3A_35], %reduce_max3A_34 {strides = array<i32>} : memref<128x128xf32, #tpu.memory_space<vmem>>, vector<128x128xf32>,
    return
  }
  func.func @transform_0(%arg0: i32) -> (i32, i32) {
    %c0_i32 = arith.constant 0 : i32
    %c0_i32_0 = arith.constant 0 : i32
    return %arg0, %c0_i32 : i32, i32
  }
  func.func @transform_1(%arg0: i32) -> (i32, i32) {
    %c0_i32 = arith.constant 0 : i32
    %c0_i32_0 = arith.constant 0 : i32
    return %arg0, %c0_i32 : i32, i32
  }
  func.func @transform_2(%arg0: i32) -> (i32, i32) {
    %c0_i32 = arith.constant 0 : i32
    %c0_i32_0 = arith.constant 0 : i32
    %c0_i32_1 = arith.constant 0 : i32
    return %c0_i32, %c0_i32_0 : i32, i32
  }
  func.func @transform_3(%arg0: i32) -> (i32, i32) {
    %c0_i32 = arith.constant 0 : i32
    %c0_i32_0 = arith.constant 0 : i32
    %c0_i32_1 = arith.constant 0 : i32
    return %c0_i32, %c0_i32_0 : i32, i32
  }
  func.func @transform_4(%arg0: i32) -> (i32, i32) {
    %c0_i32 = arith.constant 0 : i32
    %c0_i32_0 = arith.constant 0 : i32
    return %arg0, %c0_i32 : i32, i32
  }
}

module attributes {stable_mosaic.version = 14 : i64} {
  func.func @_score_pos_body(%arg0: i32, %arg1: i32, %arg2: memref<1x256x128xf32, #tpu.memory_space<vmem>>, %arg3: memref<1x2048x128xf32, #tpu.memory_space<vmem>>, %arg4: memref<1x256x2048xi32, #tpu.memory_space<vmem>>) attributes {dimension_semantics = [#tpu.dimension_semantics<arbitrary>, #tpu.dimension_semantics<arbitrary>], iteration_bounds = array<i64: 8, 8>, scalar_prefetch = 0 : i64, scratch_operands = 0 : i64, tpu.core_type = #tpu.core_type<tc>, window_params = [{transform_indices = @transform_0, window_bounds = array<i64: 1, 256, 128>}, {transform_indices = @transform_1, window_bounds = array<i64: 1, 2048, 128>}, {transform_indices = @transform_2, window_bounds = array<i64: 1, 256, 2048>}]} {
    %get3A = arith.constant 0 : index
    %get3A_0 = arith.constant 0 : index
    %get3A_1 = arith.constant 0 : index
    %get3A_2 = vector.load %arg2[%get3A, %get3A_0, %get3A_1] : memref<1x256x128xf32, #tpu.memory_space<vmem>>, vector<1x256x128xf32>
    %get3A_3 = vector.shape_cast %get3A_2 : vector<1x256x128xf32> to vector<256x128xf32>
    %get3A_4 = arith.constant 0 : index
    %get3A_5 = arith.constant 0 : index
    %get3A_6 = arith.constant 0 : index
    %get3A_7 = vector.load %arg3[%get3A_4, %get3A_5, %get3A_6] : memref<1x2048x128xf32, #tpu.memory_space<vmem>>, vector<1x2048x128xf32>
    %get3A_8 = vector.shape_cast %get3A_7 : vector<1x2048x128xf32> to vector<2048x128xf32>
    %convert_element_type3A = arith.truncf %get3A_3 : vector<256x128xf32> to vector<256x128xbf16>
    %convert_element_type3A_9 = arith.truncf %get3A_8 : vector<2048x128xf32> to vector<2048x128xbf16>
    %dot_general3A = arith.constant dense<0.000000e+00> : vector<256x2048xf32>
    %dot_general3A_10 = tpu.matmul %convert_element_type3A, %convert_element_type3A_9, %dot_general3A {dimension_numbers = #tpu.dot_dimension_numbers<[1], [1], [0], [0], [0, 0, 1, 0], [], []>, transpose_lhs_hint = false} : vector<256x128xbf16>, vector<2048x128xbf16>, vector<256x2048xf32> -> vector<256x2048xf32>
    %mul3A = arith.mulf %get3A_3, %get3A_3 : vector<256x128xf32>
    %reduce_sum3A = arith.constant dense<0.000000e+00> : vector<256xf32>
    %reduce_sum3A_11 = vector.multi_reduction <add>, %mul3A, %reduce_sum3A [1] : vector<256x128xf32> to vector<256xf32>
    %mul3A_12 = arith.mulf %get3A_8, %get3A_8 : vector<2048x128xf32>
    %reduce_sum3A_13 = arith.constant dense<0.000000e+00> : vector<2048xf32>
    %reduce_sum3A_14 = vector.multi_reduction <add>, %mul3A_12, %reduce_sum3A_13 [1] : vector<2048x128xf32> to vector<2048xf32>
    %mul3A_15 = arith.constant 2.000000e+00 : f32
    %mul3A_16 = vector.broadcast %mul3A_15 : f32 to vector<256x2048xf32>
    %mul3A_17 = arith.mulf %mul3A_16, %dot_general3A_10 : vector<256x2048xf32>
    %broadcast_in_dim3A = vector.shape_cast %reduce_sum3A_11 : vector<256xf32> to vector<256x1xf32>
    %sub3A = vector.broadcast %broadcast_in_dim3A : vector<256x1xf32> to vector<256x2048xf32>
    %sub3A_18 = arith.subf %mul3A_17, %sub3A : vector<256x2048xf32>
    %broadcast_in_dim3A_19 = vector.shape_cast %reduce_sum3A_14 : vector<2048xf32> to vector<1x2048xf32>
    %sub3A_20 = vector.broadcast %broadcast_in_dim3A_19 : vector<1x2048xf32> to vector<256x2048xf32>
    %sub3A_21 = arith.subf %sub3A_18, %sub3A_20 : vector<256x2048xf32>
    %bitcast_convert_type3A = tpu.bitcast %sub3A_21 : vector<256x2048xf32> -> vector<256x2048xi32>
    %shift_right_arithmetic3A = arith.constant 31 : i32
    %shift_right_arithmetic3A_22 = vector.broadcast %shift_right_arithmetic3A : i32 to vector<256x2048xi32>
    %shift_right_arithmetic3A_23 = arith.shrsi %bitcast_convert_type3A, %shift_right_arithmetic3A_22 : vector<256x2048xi32>
    %and3A = arith.constant 2147483647 : i32
    %and3A_24 = vector.broadcast %and3A : i32 to vector<256x2048xi32>
    %and3A_25 = arith.andi %shift_right_arithmetic3A_23, %and3A_24 : vector<256x2048xi32>
    %xor3A = arith.xori %bitcast_convert_type3A, %and3A_25 : vector<256x2048xi32>
    %reduce_min3A = arith.constant dense<2147483647> : vector<256xi32>
    %reduce_min3A_26 = vector.multi_reduction <minsi>, %xor3A, %reduce_min3A [1] : vector<256x2048xi32> to vector<256xi32>
    %broadcast_in_dim3A_27 = vector.shape_cast %reduce_min3A_26 : vector<256xi32> to vector<256x1xi32>
    %sub3A_28 = arith.constant 1 : i32
    %sub3A_29 = vector.broadcast %sub3A_28 : i32 to vector<256x1xi32>
    %sub3A_30 = arith.subi %broadcast_in_dim3A_27, %sub3A_29 : vector<256x1xi32>
    %reduce_max3A = arith.constant dense<-2147483648> : vector<256xi32>
    %reduce_max3A_31 = vector.multi_reduction <maxsi>, %xor3A, %reduce_max3A [1] : vector<256x2048xi32> to vector<256xi32>
    %broadcast_in_dim3A_32 = vector.shape_cast %reduce_max3A_31 : vector<256xi32> to vector<256x1xi32>
    %scan3A = arith.constant 0 : i32
    %scan3A_33 = arith.constant 32 : i32
    %scan3A_34 = arith.addi %scan3A, %scan3A_33 : i32
    %scan3A_35 = arith.constant 1 : i32
    %scan3A_36:2 = scf.for %scan3A_217 = %scan3A to %scan3A_34 step %scan3A_35 iter_args(%scan3A_218 = %sub3A_30, %scan3A_219 = %broadcast_in_dim3A_32) -> (vector<256x1xi32>, vector<256x1xi32>)  : i32 {
      %and3A_220 = arith.andi %scan3A_218, %scan3A_219 : vector<256x1xi32>
      %xor3A_221 = arith.xori %scan3A_218, %scan3A_219 : vector<256x1xi32>
      %shift_right_arithmetic3A_222 = arith.constant 1 : i32
      %shift_right_arithmetic3A_223 = vector.broadcast %shift_right_arithmetic3A_222 : i32 to vector<256x1xi32>
      %shift_right_arithmetic3A_224 = arith.shrsi %xor3A_221, %shift_right_arithmetic3A_223 : vector<256x1xi32>
      %add3A_225 = arith.addi %and3A_220, %shift_right_arithmetic3A_224 : vector<256x1xi32>
      %gt3A_226 = vector.broadcast %add3A_225 : vector<256x1xi32> to vector<256x2048xi32>
      %gt3A_227 = arith.cmpi sgt, %xor3A, %gt3A_226 : vector<256x2048xi32>
      %convert_element_type3A_228 = arith.extui %gt3A_227 : vector<256x2048xi1> to vector<256x2048xi32>
      %reduce_sum3A_229 = arith.constant dense<0> : vector<256xi32>
      %reduce_sum3A_230 = vector.multi_reduction <add>, %convert_element_type3A_228, %reduce_sum3A_229 [1] : vector<256x2048xi32> to vector<256xi32>
      %broadcast_in_dim3A_231 = vector.shape_cast %reduce_sum3A_230 : vector<256xi32> to vector<256x1xi32>
      %gt3A_232 = arith.constant 40 : i32
      %gt3A_233 = vector.broadcast %gt3A_232 : i32 to vector<256x1xi32>
      %gt3A_234 = arith.cmpi sgt, %broadcast_in_dim3A_231, %gt3A_233 : vector<256x1xi32>
      %select_n3A_235 = arith.select %gt3A_234, %add3A_225, %scan3A_218 : vector<256x1xi1>, vector<256x1xi32>
      %select_n3A_236 = arith.select %gt3A_234, %scan3A_219, %add3A_225 : vector<256x1xi1>, vector<256x1xi32>
      scf.yield %select_n3A_235, %select_n3A_236 : vector<256x1xi32>, vector<256x1xi32>
    }
    %gt3A = vector.broadcast %scan3A_36#1 : vector<256x1xi32> to vector<256x2048xi32>
    %gt3A_37 = arith.cmpi sgt, %xor3A, %gt3A : vector<256x2048xi32>
    %eq3A = vector.broadcast %scan3A_36#1 : vector<256x1xi32> to vector<256x2048xi32>
    %eq3A_38 = arith.cmpi eq, %xor3A, %eq3A : vector<256x2048xi32>
    %convert_element_type3A_39 = arith.extui %gt3A_37 : vector<256x2048xi1> to vector<256x2048xi32>
    %convert_element_type3A_40 = arith.extui %eq3A_38 : vector<256x2048xi1> to vector<256x2048xi32>
    %shift_left3A = arith.constant 12 : i32
    %shift_left3A_41 = vector.broadcast %shift_left3A : i32 to vector<256x2048xi32>
    %shift_left3A_42 = arith.shli %convert_element_type3A_40, %shift_left3A_41 : vector<256x2048xi32>
    %add3A = arith.addi %convert_element_type3A_39, %shift_left3A_42 : vector<256x2048xi32>
    %iota3A = tpu.iota {dimensions = array<i32: 1>} : vector<256x2048xi32>
    %jit3A = arith.constant 128 : i32
    %eq3A_43 = arith.constant 0 : i32
    %eq3A_44 = arith.cmpi eq, %jit3A, %eq3A_43 : i32
    %jit3A_45 = arith.constant 1 : i32
    %select_n3A = arith.select %eq3A_44, %jit3A_45, %jit3A : i32
    %rem3A = vector.broadcast %select_n3A : i32 to vector<256x2048xi32>
    %rem3A_46 = arith.remsi %iota3A, %rem3A : vector<256x2048xi32>
    %ne3A = arith.constant 0 : i32
    %ne3A_47 = vector.broadcast %ne3A : i32 to vector<256x2048xi32>
    %ne3A_48 = arith.cmpi ne, %rem3A_46, %ne3A_47 : vector<256x2048xi32>
    %lt3A = arith.constant 0 : i32
    %lt3A_49 = vector.broadcast %lt3A : i32 to vector<256x2048xi32>
    %lt3A_50 = arith.cmpi slt, %rem3A_46, %lt3A_49 : vector<256x2048xi32>
    %lt3A_51 = arith.constant 0 : i32
    %lt3A_52 = arith.cmpi slt, %select_n3A, %lt3A_51 : i32
    %ne3A_53 = vector.broadcast %lt3A_52 : i1 to vector<256x2048xi1>
    %ne3A_54 = vector.broadcast %ne3A_53 : vector<256x2048xi1> to vector<256x2048xi1>
    %ne3A_55 = arith.xori %lt3A_50, %ne3A_54 : vector<256x2048xi1>
    %and3A_56 = arith.andi %ne3A_55, %ne3A_48 : vector<256x2048xi1>
    %add3A_57 = vector.broadcast %select_n3A : i32 to vector<256x2048xi32>
    %add3A_58 = arith.addi %rem3A_46, %add3A_57 : vector<256x2048xi32>
    %select_n3A_59 = arith.select %and3A_56, %add3A_58, %rem3A_46 : vector<256x2048xi1>, vector<256x2048xi32>
    %ge3A = arith.constant 1 : i32
    %ge3A_60 = vector.broadcast %ge3A : i32 to vector<256x2048xi32>
    %ge3A_61 = arith.cmpi sge, %select_n3A_59, %ge3A_60 : vector<256x2048xi32>
    %roll3A = arith.constant 1 : i32
    %roll3A_62 = tpu.dynamic_rotate %add3A by %roll3A dim 1 : vector<256x2048xi32>, i32 -> vector<256x2048xi32>
    %jit3A_63 = arith.constant 0 : i32
    %broadcast_in_dim3A_64 = vector.broadcast %jit3A_63 : i32 to vector<256x2048xi32>
    %select_n3A_65 = arith.select %ge3A_61, %roll3A_62, %broadcast_in_dim3A_64 : vector<256x2048xi1>, vector<256x2048xi32>
    %add3A_66 = arith.addi %add3A, %select_n3A_65 : vector<256x2048xi32>
    %ge3A_67 = arith.constant 2 : i32
    %ge3A_68 = vector.broadcast %ge3A_67 : i32 to vector<256x2048xi32>
    %ge3A_69 = arith.cmpi sge, %select_n3A_59, %ge3A_68 : vector<256x2048xi32>
    %roll3A_70 = arith.constant 2 : i32
    %roll3A_71 = tpu.dynamic_rotate %add3A_66 by %roll3A_70 dim 1 : vector<256x2048xi32>, i32 -> vector<256x2048xi32>
    %jit3A_72 = arith.constant 0 : i32
    %broadcast_in_dim3A_73 = vector.broadcast %jit3A_72 : i32 to vector<256x2048xi32>
    %select_n3A_74 = arith.select %ge3A_69, %roll3A_71, %broadcast_in_dim3A_73 : vector<256x2048xi1>, vector<256x2048xi32>
    %add3A_75 = arith.addi %add3A_66, %select_n3A_74 : vector<256x2048xi32>
    %ge3A_76 = arith.constant 4 : i32
    %ge3A_77 = vector.broadcast %ge3A_76 : i32 to vector<256x2048xi32>
    %ge3A_78 = arith.cmpi sge, %select_n3A_59, %ge3A_77 : vector<256x2048xi32>
    %roll3A_79 = arith.constant 4 : i32
    %roll3A_80 = tpu.dynamic_rotate %add3A_75 by %roll3A_79 dim 1 : vector<256x2048xi32>, i32 -> vector<256x2048xi32>
    %jit3A_81 = arith.constant 0 : i32
    %broadcast_in_dim3A_82 = vector.broadcast %jit3A_81 : i32 to vector<256x2048xi32>
    %select_n3A_83 = arith.select %ge3A_78, %roll3A_80, %broadcast_in_dim3A_82 : vector<256x2048xi1>, vector<256x2048xi32>
    %add3A_84 = arith.addi %add3A_75, %select_n3A_83 : vector<256x2048xi32>
    %ge3A_85 = arith.constant 8 : i32
    %ge3A_86 = vector.broadcast %ge3A_85 : i32 to vector<256x2048xi32>
    %ge3A_87 = arith.cmpi sge, %select_n3A_59, %ge3A_86 : vector<256x2048xi32>
    %roll3A_88 = arith.constant 8 : i32
    %roll3A_89 = tpu.dynamic_rotate %add3A_84 by %roll3A_88 dim 1 : vector<256x2048xi32>, i32 -> vector<256x2048xi32>
    %jit3A_90 = arith.constant 0 : i32
    %broadcast_in_dim3A_91 = vector.broadcast %jit3A_90 : i32 to vector<256x2048xi32>
    %select_n3A_92 = arith.select %ge3A_87, %roll3A_89, %broadcast_in_dim3A_91 : vector<256x2048xi1>, vector<256x2048xi32>
    %add3A_93 = arith.addi %add3A_84, %select_n3A_92 : vector<256x2048xi32>
    %ge3A_94 = arith.constant 16 : i32
    %ge3A_95 = vector.broadcast %ge3A_94 : i32 to vector<256x2048xi32>
    %ge3A_96 = arith.cmpi sge, %select_n3A_59, %ge3A_95 : vector<256x2048xi32>
    %roll3A_97 = arith.constant 16 : i32
    %roll3A_98 = tpu.dynamic_rotate %add3A_93 by %roll3A_97 dim 1 : vector<256x2048xi32>, i32 -> vector<256x2048xi32>
    %jit3A_99 = arith.constant 0 : i32
    %broadcast_in_dim3A_100 = vector.broadcast %jit3A_99 : i32 to vector<256x2048xi32>
    %select_n3A_101 = arith.select %ge3A_96, %roll3A_98, %broadcast_in_dim3A_100 : vector<256x2048xi1>, vector<256x2048xi32>
    %add3A_102 = arith.addi %add3A_93, %select_n3A_101 : vector<256x2048xi32>
    %ge3A_103 = arith.constant 32 : i32
    %ge3A_104 = vector.broadcast %ge3A_103 : i32 to vector<256x2048xi32>
    %ge3A_105 = arith.cmpi sge, %select_n3A_59, %ge3A_104 : vector<256x2048xi32>
    %roll3A_106 = arith.constant 32 : i32
    %roll3A_107 = tpu.dynamic_rotate %add3A_102 by %roll3A_106 dim 1 : vector<256x2048xi32>, i32 -> vector<256x2048xi32>
    %jit3A_108 = arith.constant 0 : i32
    %broadcast_in_dim3A_109 = vector.broadcast %jit3A_108 : i32 to vector<256x2048xi32>
    %select_n3A_110 = arith.select %ge3A_105, %roll3A_107, %broadcast_in_dim3A_109 : vector<256x2048xi1>, vector<256x2048xi32>
    %add3A_111 = arith.addi %add3A_102, %select_n3A_110 : vector<256x2048xi32>
    %ge3A_112 = arith.constant 64 : i32
    %ge3A_113 = vector.broadcast %ge3A_112 : i32 to vector<256x2048xi32>
    %ge3A_114 = arith.cmpi sge, %select_n3A_59, %ge3A_113 : vector<256x2048xi32>
    %roll3A_115 = arith.constant 64 : i32
    %roll3A_116 = tpu.dynamic_rotate %add3A_111 by %roll3A_115 dim 1 : vector<256x2048xi32>, i32 -> vector<256x2048xi32>
    %jit3A_117 = arith.constant 0 : i32
    %broadcast_in_dim3A_118 = vector.broadcast %jit3A_117 : i32 to vector<256x2048xi32>
    %select_n3A_119 = arith.select %ge3A_114, %roll3A_116, %broadcast_in_dim3A_118 : vector<256x2048xi1>, vector<256x2048xi32>
    %add3A_120 = arith.addi %add3A_111, %select_n3A_119 : vector<256x2048xi32>
    %iota3A_121 = tpu.iota {dimensions = array<i32: 0>} : vector<2048x16xi32>
    %jit3A_122 = arith.constant 128 : i32
    %div3A = vector.broadcast %jit3A_122 : i32 to vector<2048x16xi32>
    %div3A_123 = arith.divsi %iota3A_121, %div3A : vector<2048x16xi32>
    %sign3A = arith.constant 0 : i32
    %sign3A_124 = vector.broadcast %sign3A : i32 to vector<2048x16xi32>
    %sign3A_125 = arith.cmpi sgt, %iota3A_121, %sign3A_124 : vector<2048x16xi32>
    %sign3A_126 = arith.extui %sign3A_125 : vector<2048x16xi1> to vector<2048x16xi32>
    %sign3A_127 = arith.constant 0 : i32
    %sign3A_128 = vector.broadcast %sign3A_127 : i32 to vector<2048x16xi32>
    %sign3A_129 = arith.cmpi slt, %iota3A_121, %sign3A_128 : vector<2048x16xi32>
    %sign3A_130 = arith.extui %sign3A_129 : vector<2048x16xi1> to vector<2048x16xi32>
    %sign3A_131 = arith.subi %sign3A_126, %sign3A_130 : vector<2048x16xi32>
    %sign3A_132 = arith.constant 0 : i32
    %sign3A_133 = arith.cmpi sgt, %jit3A_122, %sign3A_132 : i32
    %sign3A_134 = arith.extui %sign3A_133 : i1 to i32
    %sign3A_135 = arith.constant 0 : i32
    %sign3A_136 = arith.cmpi slt, %jit3A_122, %sign3A_135 : i32
    %sign3A_137 = arith.extui %sign3A_136 : i1 to i32
    %sign3A_138 = arith.subi %sign3A_134, %sign3A_137 : i32
    %ne3A_139 = vector.broadcast %sign3A_138 : i32 to vector<2048x16xi32>
    %ne3A_140 = arith.cmpi ne, %sign3A_131, %ne3A_139 : vector<2048x16xi32>
    %rem3A_141 = vector.broadcast %jit3A_122 : i32 to vector<2048x16xi32>
    %rem3A_142 = arith.remsi %iota3A_121, %rem3A_141 : vector<2048x16xi32>
    %ne3A_143 = arith.constant 0 : i32
    %ne3A_144 = vector.broadcast %ne3A_143 : i32 to vector<2048x16xi32>
    %ne3A_145 = arith.cmpi ne, %rem3A_142, %ne3A_144 : vector<2048x16xi32>
    %and3A_146 = arith.andi %ne3A_140, %ne3A_145 : vector<2048x16xi1>
    %sub3A_147 = arith.constant 1 : i32
    %sub3A_148 = vector.broadcast %sub3A_147 : i32 to vector<2048x16xi32>
    %sub3A_149 = arith.subi %div3A_123, %sub3A_148 : vector<2048x16xi32>
    %select_n3A_150 = arith.select %and3A_146, %sub3A_149, %div3A_123 : vector<2048x16xi1>, vector<2048x16xi32>
    %iota3A_151 = tpu.iota {dimensions = array<i32: 1>} : vector<2048x16xi32>
    %eq3A_152 = arith.cmpi eq, %select_n3A_150, %iota3A_151 : vector<2048x16xi32>
    %convert_element_type3A_153 = arith.sitofp %add3A : vector<256x2048xi32> to vector<256x2048xf32>
    %convert_element_type3A_154 = arith.extui %eq3A_152 : vector<2048x16xi1> to vector<2048x16xi32>
    %convert_element_type3A_155 = arith.sitofp %convert_element_type3A_154 : vector<2048x16xi32> to vector<2048x16xf32>
    %dot_general3A_156 = arith.constant dense<0.000000e+00> : vector<256x16xf32>
    %dot_general3A_157 = tpu.matmul %convert_element_type3A_153, %convert_element_type3A_155, %dot_general3A_156 {dimension_numbers = #tpu.dot_dimension_numbers<[1], [0], [0], [1], [0, 0, 1, 1], [], []>, transpose_lhs_hint = false} : vector<256x2048xf32>, vector<2048x16xf32>, vector<256x16xf32> -> vector<256x16xf32>
    %convert_element_type3A_158 = arith.fptosi %dot_general3A_157 : vector<256x16xf32> to vector<256x16xi32>
    %broadcast_in_dim3A_159 = arith.constant 0 : i32
    %broadcast_in_dim3A_160 = vector.broadcast %broadcast_in_dim3A_159 : i32 to vector<256x1xi32>
    %slice3A = vector.extract_strided_slice %convert_element_type3A_158 {offsets = [0, 0], sizes = [256, 15], strides = [1, 1]} : vector<256x16xi32> to vector<256x15xi32>
    %concatenate3A = tpu.concatenate %broadcast_in_dim3A_160, %slice3A in 1 : vector<256x1xi32>, vector<256x15xi32> -> vector<256x16xi32>
    %add3A_161 = arith.addi %convert_element_type3A_158, %concatenate3A : vector<256x16xi32>
    %broadcast_in_dim3A_162 = arith.constant 0 : i32
    %broadcast_in_dim3A_163 = vector.broadcast %broadcast_in_dim3A_162 : i32 to vector<256x2xi32>
    %slice3A_164 = vector.extract_strided_slice %add3A_161 {offsets = [0, 0], sizes = [256, 14], strides = [1, 1]} : vector<256x16xi32> to vector<256x14xi32>
    %concatenate3A_165 = tpu.concatenate %broadcast_in_dim3A_163, %slice3A_164 in 1 : vector<256x2xi32>, vector<256x14xi32> -> vector<256x16xi32>
    %add3A_166 = arith.addi %add3A_161, %concatenate3A_165 : vector<256x16xi32>
    %broadcast_in_dim3A_167 = arith.constant 0 : i32
    %broadcast_in_dim3A_168 = vector.broadcast %broadcast_in_dim3A_167 : i32 to vector<256x4xi32>
    %slice3A_169 = vector.extract_strided_slice %add3A_166 {offsets = [0, 0], sizes = [256, 12], strides = [1, 1]} : vector<256x16xi32> to vector<256x12xi32>
    %concatenate3A_170 = tpu.concatenate %broadcast_in_dim3A_168, %slice3A_169 in 1 : vector<256x4xi32>, vector<256x12xi32> -> vector<256x16xi32>
    %add3A_171 = arith.addi %add3A_166, %concatenate3A_170 : vector<256x16xi32>
    %broadcast_in_dim3A_172 = arith.constant 0 : i32
    %broadcast_in_dim3A_173 = vector.broadcast %broadcast_in_dim3A_172 : i32 to vector<256x8xi32>
    %slice3A_174 = vector.extract_strided_slice %add3A_171 {offsets = [0, 0], sizes = [256, 8], strides = [1, 1]} : vector<256x16xi32> to vector<256x8xi32>
    %concatenate3A_175 = tpu.concatenate %broadcast_in_dim3A_173, %slice3A_174 in 1 : vector<256x8xi32>, vector<256x8xi32> -> vector<256x16xi32>
    %add3A_176 = arith.addi %add3A_171, %concatenate3A_175 : vector<256x16xi32>
    %sub3A_177 = arith.subi %add3A_176, %convert_element_type3A_158 : vector<256x16xi32>
    %broadcast_in_dim3A_178 = vector.shape_cast %sub3A_177 : vector<256x16xi32> to vector<256x16x1xi32>
    %broadcast_in_dim3A_179 = vector.shape_cast %broadcast_in_dim3A_178 : vector<256x16x1xi32> to vector<256x16x1xi32>
    %broadcast_in_dim3A_180 = vector.broadcast %broadcast_in_dim3A_179 : vector<256x16x1xi32> to vector<256x16x128xi32>
    %reshape3A = vector.shape_cast %broadcast_in_dim3A_180 : vector<256x16x128xi32> to vector<256x2048xi32>
    %add3A_181 = arith.addi %add3A_120, %reshape3A : vector<256x2048xi32>
    %and3A_182 = arith.constant 4095 : i32
    %and3A_183 = vector.broadcast %and3A_182 : i32 to vector<256x2048xi32>
    %and3A_184 = arith.andi %add3A_181, %and3A_183 : vector<256x2048xi32>
    %shift_right_arithmetic3A_185 = arith.constant 12 : i32
    %shift_right_arithmetic3A_186 = vector.broadcast %shift_right_arithmetic3A_185 : i32 to vector<256x2048xi32>
    %shift_right_arithmetic3A_187 = arith.shrsi %add3A_181, %shift_right_arithmetic3A_186 : vector<256x2048xi32>
    %convert_element_type3A_188 = arith.extui %gt3A_37 : vector<256x2048xi1> to vector<256x2048xi32>
    %reduce_sum3A_189 = arith.constant dense<0> : vector<256xi32>
    %reduce_sum3A_190 = vector.multi_reduction <add>, %convert_element_type3A_188, %reduce_sum3A_189 [1] : vector<256x2048xi32> to vector<256xi32>
    %broadcast_in_dim3A_191 = vector.shape_cast %reduce_sum3A_190 : vector<256xi32> to vector<256x1xi32>
    %sub3A_192 = arith.constant 40 : i32
    %sub3A_193 = vector.broadcast %sub3A_192 : i32 to vector<256x1xi32>
    %sub3A_194 = arith.subi %sub3A_193, %broadcast_in_dim3A_191 : vector<256x1xi32>
    %le3A = vector.broadcast %sub3A_194 : vector<256x1xi32> to vector<256x2048xi32>
    %le3A_195 = arith.cmpi sle, %shift_right_arithmetic3A_187, %le3A : vector<256x2048xi32>
    %and3A_196 = arith.andi %eq3A_38, %le3A_195 : vector<256x2048xi1>
    %sub3A_197 = arith.constant 1 : i32
    %sub3A_198 = vector.broadcast %sub3A_197 : i32 to vector<256x2048xi32>
    %sub3A_199 = arith.subi %and3A_184, %sub3A_198 : vector<256x2048xi32>
    %add3A_200 = vector.broadcast %broadcast_in_dim3A_191 : vector<256x1xi32> to vector<256x2048xi32>
    %add3A_201 = arith.addi %add3A_200, %shift_right_arithmetic3A_187 : vector<256x2048xi32>
    %sub3A_202 = arith.constant 1 : i32
    %sub3A_203 = vector.broadcast %sub3A_202 : i32 to vector<256x2048xi32>
    %sub3A_204 = arith.subi %add3A_201, %sub3A_203 : vector<256x2048xi32>
    %select_n3A_205 = arith.select %gt3A_37, %sub3A_199, %sub3A_204 : vector<256x2048xi1>, vector<256x2048xi32>
    %or3A = arith.ori %gt3A_37, %and3A_196 : vector<256x2048xi1>
    %add3A_206 = arith.constant 1 : i32
    %add3A_207 = vector.broadcast %add3A_206 : i32 to vector<256x2048xi32>
    %add3A_208 = arith.addi %select_n3A_205, %add3A_207 : vector<256x2048xi32>
    %jit3A_209 = arith.constant 0 : i32
    %broadcast_in_dim3A_210 = vector.broadcast %jit3A_209 : i32 to vector<256x2048xi32>
    %select_n3A_211 = arith.select %or3A, %add3A_208, %broadcast_in_dim3A_210 : vector<256x2048xi1>, vector<256x2048xi32>
    %swap3A = arith.constant 0 : index
    %swap3A_212 = arith.constant 0 : index
    %swap3A_213 = arith.constant 0 : index
    %swap3A_214 = vector.load %arg4[%swap3A, %swap3A_212, %swap3A_213] : memref<1x256x2048xi32, #tpu.memory_space<vmem>>, vector<1x256x2048xi32>
    %swap3A_215 = vector.shape_cast %swap3A_214 : vector<1x256x2048xi32> to vector<256x2048xi32>
    %swap3A_216 = vector.shape_cast %select_n3A_211 : vector<256x2048xi32> to vector<1x256x2048xi32>
    tpu.vector_store %arg4[%swap3A, %swap3A_212, %swap3A_213], %swap3A_216 {strides = array<i32>} : memref<1x256x2048xi32, #tpu.memory_space<vmem>>, vector<1x256x2048xi32>,
    return
  }
  func.func @transform_0(%arg0: i32, %arg1: i32) -> (i32, i32, i32) {
    %c0_i32 = arith.constant 0 : i32
    %c0_i32_0 = arith.constant 0 : i32
    return %arg0, %arg1, %c0_i32 : i32, i32, i32
  }
  func.func @transform_1(%arg0: i32, %arg1: i32) -> (i32, i32, i32) {
    %c0_i32 = arith.constant 0 : i32
    %c0_i32_0 = arith.constant 0 : i32
    %c0_i32_1 = arith.constant 0 : i32
    return %arg0, %c0_i32, %c0_i32_0 : i32, i32, i32
  }
  func.func @transform_2(%arg0: i32, %arg1: i32) -> (i32, i32, i32) {
    %c0_i32 = arith.constant 0 : i32
    %c0_i32_0 = arith.constant 0 : i32
    return %arg0, %arg1, %c0_i32 : i32, i32, i32
  }
}

module attributes {stable_mosaic.version = 14 : i64} {
  func.func @_edgeconv_body(%arg0: i32, %arg1: memref<5120x128xf32, #tpu.memory_space<vmem>>, %arg2: memref<128x128xf32, #tpu.memory_space<vmem>>, %arg3: memref<256x256xf32, #tpu.memory_space<vmem>>, %arg4: memref<1x256xf32, #tpu.memory_space<vmem>>, %arg5: memref<128x256xf32, #tpu.memory_space<vmem>>) attributes {dimension_semantics = [#tpu.dimension_semantics<arbitrary>], iteration_bounds = array<i64: 128>, scalar_prefetch = 0 : i64, scratch_operands = 0 : i64, tpu.core_type = #tpu.core_type<tc>, window_params = [{transform_indices = @transform_0, window_bounds = array<i64: 5120, 128>}, {transform_indices = @transform_1, window_bounds = array<i64: 128, 128>}, {pipeline_mode = #tpu.pipeline_mode<synchronous>, transform_indices = @transform_2, window_bounds = array<i64: 256, 256>}, {pipeline_mode = #tpu.pipeline_mode<synchronous>, transform_indices = @transform_3, window_bounds = array<i64: 1, 256>}, {transform_indices = @transform_4, window_bounds = array<i64: 128, 256>}]} {
    %get3A = arith.constant 0 : index
    %get3A_0 = arith.constant 0 : index
    %get3A_1 = vector.load %arg3[%get3A, %get3A_0] : memref<256x256xf32, #tpu.memory_space<vmem>>, vector<256x128xf32>
    %get3A_2 = arith.constant 0 : index
    %get3A_3 = arith.constant 128 : index
    %get3A_4 = vector.load %arg3[%get3A_2, %get3A_3] : memref<256x256xf32, #tpu.memory_space<vmem>>, vector<256x128xf32>
    %get3A_5 = arith.constant 0 : index
    %get3A_6 = arith.constant 0 : index
    %get3A_7 = vector.load %arg2[%get3A_5, %get3A_6] : memref<128x128xf32, #tpu.memory_space<vmem>>, vector<128x128xf32>
    %get3A_8 = arith.constant 0 : index
    %get3A_9 = arith.constant 0 : index
    %get3A_10 = vector.load %arg1[%get3A_8, %get3A_9] : memref<5120x128xf32, #tpu.memory_space<vmem>>, vector<5120x128xf32>
    %reshape3A = vector.shape_cast %get3A_10 : vector<5120x128xf32> to vector<128x40x128xf32>
    %broadcast_in_dim3A = vector.shape_cast %get3A_7 : vector<128x128xf32> to vector<128x1x128xf32>
    %sub3A = vector.broadcast %broadcast_in_dim3A : vector<128x1x128xf32> to vector<128x40x128xf32>
    %sub3A_11 = arith.subf %reshape3A, %sub3A : vector<128x40x128xf32>
    %convert_element_type3A = arith.truncf %sub3A_11 : vector<128x40x128xf32> to vector<128x40x128xbf16>
    %reshape3A_12 = vector.shape_cast %convert_element_type3A : vector<128x40x128xbf16> to vector<5120x128xbf16>
    %convert_element_type3A_13 = arith.truncf %get3A_1 : vector<256x128xf32> to vector<256x128xbf16>
    %dot_general3A = arith.constant dense<0.000000e+00> : vector<5120x256xf32>
    %dot_general3A_14 = tpu.matmul %reshape3A_12, %convert_element_type3A_13, %dot_general3A {dimension_numbers = #tpu.dot_dimension_numbers<[1], [1], [0], [0], [0, 0, 1, 0], [], []>, transpose_lhs_hint = false} : vector<5120x128xbf16>, vector<256x128xbf16>, vector<5120x256xf32> -> vector<5120x256xf32>
    %convert_element_type3A_15 = arith.truncf %get3A_7 : vector<128x128xf32> to vector<128x128xbf16>
    %convert_element_type3A_16 = arith.truncf %get3A_4 : vector<256x128xf32> to vector<256x128xbf16>
    %dot_general3A_17 = arith.constant dense<0.000000e+00> : vector<128x256xf32>
    %dot_general3A_18 = tpu.matmul %convert_element_type3A_15, %convert_element_type3A_16, %dot_general3A_17 {dimension_numbers = #tpu.dot_dimension_numbers<[1], [1], [0], [0], [0, 0, 1, 0], [], []>, transpose_lhs_hint = false} : vector<128x128xbf16>, vector<256x128xbf16>, vector<128x256xf32> -> vector<128x256xf32>
    %reshape3A_19 = vector.shape_cast %dot_general3A_14 : vector<5120x256xf32> to vector<128x40x256xf32>
    %get3A_20 = arith.constant 0 : index
    %get3A_21 = arith.constant 0 : index
    %get3A_22 = vector.load %arg4[%get3A_20, %get3A_21] : memref<1x256xf32, #tpu.memory_space<vmem>>, vector<1x256xf32>
    %add3A = vector.broadcast %get3A_22 : vector<1x256xf32> to vector<128x256xf32>
    %add3A_23 = arith.addf %dot_general3A_18, %add3A : vector<128x256xf32>
    %broadcast_in_dim3A_24 = vector.shape_cast %add3A_23 : vector<128x256xf32> to vector<128x1x256xf32>
    %add3A_25 = vector.broadcast %broadcast_in_dim3A_24 : vector<128x1x256xf32> to vector<128x40x256xf32>
    %add3A_26 = arith.addf %reshape3A_19, %add3A_25 : vector<128x40x256xf32>
    %ge3A = arith.constant 0.000000e+00 : f32
    %ge3A_27 = vector.broadcast %ge3A : f32 to vector<128x40x256xf32>
    %ge3A_28 = arith.cmpf oge, %add3A_26, %ge3A_27 : vector<128x40x256xf32>
    %mul3A = arith.constant 2.000000e-01 : f32
    %mul3A_29 = vector.broadcast %mul3A : f32 to vector<128x40x256xf32>
    %mul3A_30 = arith.mulf %mul3A_29, %add3A_26 : vector<128x40x256xf32>
    %select_n3A = arith.select %ge3A_28, %add3A_26, %mul3A_30 : vector<128x40x256xi1>, vector<128x40x256xf32>
    %reduce_max3A = arith.constant dense<0xFF800000> : vector<128x256xf32>
    %reduce_max3A_31 = vector.multi_reduction <maximumf>, %select_n3A, %reduce_max3A [1] : vector<128x40x256xf32> to vector<128x256xf32>
    %swap3A = arith.constant 0 : index
    %swap3A_32 = arith.constant 0 : index
    %swap3A_33 = vector.load %arg5[%swap3A, %swap3A_32] : memref<128x256xf32, #tpu.memory_space<vmem>>, vector<128x256xf32>
    tpu.vector_store %arg5[%swap3A, %swap3A_32], %reduce_max3A_31 {strides = array<i32>} : memref<128x256xf32, #tpu.memory_space<vmem>>, vector<128x256xf32>,
    return
  }
  func.func @transform_0(%arg0: i32) -> (i32, i32) {
    %c0_i32 = arith.constant 0 : i32
    %c0_i32_0 = arith.constant 0 : i32
    return %arg0, %c0_i32 : i32, i32
  }
  func.func @transform_1(%arg0: i32) -> (i32, i32) {
    %c0_i32 = arith.constant 0 : i32
    %c0_i32_0 = arith.constant 0 : i32
    return %arg0, %c0_i32 : i32, i32
  }
  func.func @transform_2(%arg0: i32) -> (i32, i32) {
    %c0_i32 = arith.constant 0 : i32
    %c0_i32_0 = arith.constant 0 : i32
    %c0_i32_1 = arith.constant 0 : i32
    return %c0_i32, %c0_i32_0 : i32, i32
  }
  func.func @transform_3(%arg0: i32) -> (i32, i32) {
    %c0_i32 = arith.constant 0 : i32
    %c0_i32_0 = arith.constant 0 : i32
    %c0_i32_1 = arith.constant 0 : i32
    return %c0_i32, %c0_i32_0 : i32, i32
  }
  func.func @transform_4(%arg0: i32) -> (i32, i32) {
    %c0_i32 = arith.constant 0 : i32
    %c0_i32_0 = arith.constant 0 : i32
    return %arg0, %c0_i32 : i32, i32
  }
}

module attributes {stable_mosaic.version = 14 : i64} {
  func.func @_final_body(%arg0: i32, %arg1: i32, %arg2: memref<1x512x64xf32, #tpu.memory_space<vmem>>, %arg3: memref<1x512x64xf32, #tpu.memory_space<vmem>>, %arg4: memref<1x512x128xf32, #tpu.memory_space<vmem>>, %arg5: memref<1x512x256xf32, #tpu.memory_space<vmem>>, %arg6: memref<256x512xf32, #tpu.memory_space<vmem>>, %arg7: memref<1x256xf32, #tpu.memory_space<vmem>>, %arg8: memref<1x1x256xf32, #tpu.memory_space<vmem>>) attributes {dimension_semantics = [#tpu.dimension_semantics<arbitrary>, #tpu.dimension_semantics<arbitrary>], iteration_bounds = array<i64: 8, 4>, scalar_prefetch = 0 : i64, scratch_operands = 0 : i64, tpu.core_type = #tpu.core_type<tc>, window_params = [{transform_indices = @transform_0, window_bounds = array<i64: 1, 512, 64>}, {transform_indices = @transform_1, window_bounds = array<i64: 1, 512, 64>}, {transform_indices = @transform_2, window_bounds = array<i64: 1, 512, 128>}, {transform_indices = @transform_3, window_bounds = array<i64: 1, 512, 256>}, {pipeline_mode = #tpu.pipeline_mode<synchronous>, transform_indices = @transform_4, window_bounds = array<i64: 256, 512>}, {pipeline_mode = #tpu.pipeline_mode<synchronous>, transform_indices = @transform_5, window_bounds = array<i64: 1, 256>}, {transform_indices = @transform_6, window_bounds = array<i64: 1, 1, 256>}]} {
    %get3A = arith.constant 0 : index
    %get3A_0 = arith.constant 0 : index
    %get3A_1 = vector.load %arg6[%get3A, %get3A_0] : memref<256x512xf32, #tpu.memory_space<vmem>>, vector<256x512xf32>
    %convert_element_type3A = arith.truncf %get3A_1 : vector<256x512xf32> to vector<256x512xbf16>
    %get3A_2 = arith.constant 0 : index
    %get3A_3 = arith.constant 0 : index
    %get3A_4 = arith.constant 0 : index
    %get3A_5 = vector.load %arg2[%get3A_2, %get3A_3, %get3A_4] : memref<1x512x64xf32, #tpu.memory_space<vmem>>, vector<1x512x64xf32>
    %get3A_6 = vector.shape_cast %get3A_5 : vector<1x512x64xf32> to vector<512x64xf32>
    %convert_element_type3A_7 = arith.truncf %get3A_6 : vector<512x64xf32> to vector<512x64xbf16>
    %slice3A = vector.extract_strided_slice %convert_element_type3A {offsets = [0, 0], sizes = [256, 64], strides = [1, 1]} : vector<256x512xbf16> to vector<256x64xbf16>
    %dot_general3A = arith.constant dense<0.000000e+00> : vector<512x256xf32>
    %dot_general3A_8 = tpu.matmul %convert_element_type3A_7, %slice3A, %dot_general3A {dimension_numbers = #tpu.dot_dimension_numbers<[1], [1], [0], [0], [0, 0, 1, 0], [], []>, transpose_lhs_hint = false} : vector<512x64xbf16>, vector<256x64xbf16>, vector<512x256xf32> -> vector<512x256xf32>
    %get3A_9 = arith.constant 0 : index
    %get3A_10 = arith.constant 0 : index
    %get3A_11 = arith.constant 0 : index
    %get3A_12 = vector.load %arg3[%get3A_9, %get3A_10, %get3A_11] : memref<1x512x64xf32, #tpu.memory_space<vmem>>, vector<1x512x64xf32>
    %get3A_13 = vector.shape_cast %get3A_12 : vector<1x512x64xf32> to vector<512x64xf32>
    %convert_element_type3A_14 = arith.truncf %get3A_13 : vector<512x64xf32> to vector<512x64xbf16>
    %slice3A_15 = vector.extract_strided_slice %convert_element_type3A {offsets = [0, 64], sizes = [256, 64], strides = [1, 1]} : vector<256x512xbf16> to vector<256x64xbf16>
    %dot_general3A_16 = arith.constant dense<0.000000e+00> : vector<512x256xf32>
    %dot_general3A_17 = tpu.matmul %convert_element_type3A_14, %slice3A_15, %dot_general3A_16 {dimension_numbers = #tpu.dot_dimension_numbers<[1], [1], [0], [0], [0, 0, 1, 0], [], []>, transpose_lhs_hint = false} : vector<512x64xbf16>, vector<256x64xbf16>, vector<512x256xf32> -> vector<512x256xf32>
    %add3A = arith.addf %dot_general3A_8, %dot_general3A_17 : vector<512x256xf32>
    %get3A_18 = arith.constant 0 : index
    %get3A_19 = arith.constant 0 : index
    %get3A_20 = arith.constant 0 : index
    %get3A_21 = vector.load %arg4[%get3A_18, %get3A_19, %get3A_20] : memref<1x512x128xf32, #tpu.memory_space<vmem>>, vector<1x512x128xf32>
    %get3A_22 = vector.shape_cast %get3A_21 : vector<1x512x128xf32> to vector<512x128xf32>
    %convert_element_type3A_23 = arith.truncf %get3A_22 : vector<512x128xf32> to vector<512x128xbf16>
    %slice3A_24 = vector.extract_strided_slice %convert_element_type3A {offsets = [0, 128], sizes = [256, 128], strides = [1, 1]} : vector<256x512xbf16> to vector<256x128xbf16>
    %dot_general3A_25 = arith.constant dense<0.000000e+00> : vector<512x256xf32>
    %dot_general3A_26 = tpu.matmul %convert_element_type3A_23, %slice3A_24, %dot_general3A_25 {dimension_numbers = #tpu.dot_dimension_numbers<[1], [1], [0], [0], [0, 0, 1, 0], [], []>, transpose_lhs_hint = false} : vector<512x128xbf16>, vector<256x128xbf16>, vector<512x256xf32> -> vector<512x256xf32>
    %add3A_27 = arith.addf %add3A, %dot_general3A_26 : vector<512x256xf32>
    %get3A_28 = arith.constant 0 : index
    %get3A_29 = arith.constant 0 : index
    %get3A_30 = arith.constant 0 : index
    %get3A_31 = vector.load %arg5[%get3A_28, %get3A_29, %get3A_30] : memref<1x512x256xf32, #tpu.memory_space<vmem>>, vector<1x512x256xf32>
    %get3A_32 = vector.shape_cast %get3A_31 : vector<1x512x256xf32> to vector<512x256xf32>
    %convert_element_type3A_33 = arith.truncf %get3A_32 : vector<512x256xf32> to vector<512x256xbf16>
    %slice3A_34 = vector.extract_strided_slice %convert_element_type3A {offsets = [0, 256], sizes = [256, 256], strides = [1, 1]} : vector<256x512xbf16> to vector<256x256xbf16>
    %dot_general3A_35 = arith.constant dense<0.000000e+00> : vector<512x256xf32>
    %dot_general3A_36 = tpu.matmul %convert_element_type3A_33, %slice3A_34, %dot_general3A_35 {dimension_numbers = #tpu.dot_dimension_numbers<[1], [1], [0], [0], [0, 0, 1, 0], [], []>, transpose_lhs_hint = false} : vector<512x256xbf16>, vector<256x256xbf16>, vector<512x256xf32> -> vector<512x256xf32>
    %add3A_37 = arith.addf %add3A_27, %dot_general3A_36 : vector<512x256xf32>
    %get3A_38 = arith.constant 0 : index
    %get3A_39 = arith.constant 0 : index
    %get3A_40 = vector.load %arg7[%get3A_38, %get3A_39] : memref<1x256xf32, #tpu.memory_space<vmem>>, vector<1x256xf32>
    %add3A_41 = vector.broadcast %get3A_40 : vector<1x256xf32> to vector<512x256xf32>
    %add3A_42 = arith.addf %add3A_37, %add3A_41 : vector<512x256xf32>
    %ge3A = arith.constant 0.000000e+00 : f32
    %ge3A_43 = vector.broadcast %ge3A : f32 to vector<512x256xf32>
    %ge3A_44 = arith.cmpf oge, %add3A_42, %ge3A_43 : vector<512x256xf32>
    %mul3A = arith.constant 2.000000e-01 : f32
    %mul3A_45 = vector.broadcast %mul3A : f32 to vector<512x256xf32>
    %mul3A_46 = arith.mulf %mul3A_45, %add3A_42 : vector<512x256xf32>
    %select_n3A = arith.select %ge3A_44, %add3A_42, %mul3A_46 : vector<512x256xi1>, vector<512x256xf32>
    %reduce_max3A = arith.constant dense<0xFF800000> : vector<256xf32>
    %reduce_max3A_47 = vector.multi_reduction <maximumf>, %select_n3A, %reduce_max3A [0] : vector<512x256xf32> to vector<256xf32>
    %eq3A = arith.constant 0 : i32
    %eq3A_48 = arith.cmpi eq, %arg1, %eq3A : i32
    %convert_element_type3A_49 = arith.extui %eq3A_48 : i1 to i32
    %cond3A = arith.constant 0 : i32
    %cond3A_50 = arith.cmpi ne, %convert_element_type3A_49, %cond3A : i32
    scf.if %cond3A_50 {
      %broadcast_in_dim3A_61 = arith.constant 0xFF800000 : f32
      %broadcast_in_dim3A_62 = vector.broadcast %broadcast_in_dim3A_61 : f32 to vector<1x1x256xf32>
      %swap3A_63 = arith.constant 0 : index
      %swap3A_64 = arith.constant 0 : index
      %swap3A_65 = arith.constant 0 : index
      %swap3A_66 = vector.load %arg8[%swap3A_63, %swap3A_64, %swap3A_65] : memref<1x1x256xf32, #tpu.memory_space<vmem>>, vector<1x1x256xf32>
      tpu.vector_store %arg8[%swap3A_63, %swap3A_64, %swap3A_65], %broadcast_in_dim3A_62 {strides = array<i32>} : memref<1x1x256xf32, #tpu.memory_space<vmem>>, vector<1x1x256xf32>,
    } else {
    }
    %get3A_51 = arith.constant 0 : index
    %get3A_52 = arith.constant 0 : index
    %get3A_53 = arith.constant 0 : index
    %get3A_54 = vector.load %arg8[%get3A_51, %get3A_52, %get3A_53] : memref<1x1x256xf32, #tpu.memory_space<vmem>>, vector<1x1x256xf32>
    %get3A_55 = vector.shape_cast %get3A_54 : vector<1x1x256xf32> to vector<1x256xf32>
    %broadcast_in_dim3A = vector.shape_cast %reduce_max3A_47 : vector<256xf32> to vector<1x256xf32>
    %max3A = arith.maximumf %get3A_55, %broadcast_in_dim3A : vector<1x256xf32>
    %swap3A = arith.constant 0 : index
    %swap3A_56 = arith.constant 0 : index
    %swap3A_57 = arith.constant 0 : index
    %swap3A_58 = vector.load %arg8[%swap3A, %swap3A_56, %swap3A_57] : memref<1x1x256xf32, #tpu.memory_space<vmem>>, vector<1x1x256xf32>
    %swap3A_59 = vector.shape_cast %swap3A_58 : vector<1x1x256xf32> to vector<1x256xf32>
    %swap3A_60 = vector.shape_cast %max3A : vector<1x256xf32> to vector<1x1x256xf32>
    tpu.vector_store %arg8[%swap3A, %swap3A_56, %swap3A_57], %swap3A_60 {strides = array<i32>} : memref<1x1x256xf32, #tpu.memory_space<vmem>>, vector<1x1x256xf32>,
    return
  }
  func.func @transform_0(%arg0: i32, %arg1: i32) -> (i32, i32, i32) {
    %c0_i32 = arith.constant 0 : i32
    %c0_i32_0 = arith.constant 0 : i32
    return %arg0, %arg1, %c0_i32 : i32, i32, i32
  }
  func.func @transform_1(%arg0: i32, %arg1: i32) -> (i32, i32, i32) {
    %c0_i32 = arith.constant 0 : i32
    %c0_i32_0 = arith.constant 0 : i32
    return %arg0, %arg1, %c0_i32 : i32, i32, i32
  }
  func.func @transform_2(%arg0: i32, %arg1: i32) -> (i32, i32, i32) {
    %c0_i32 = arith.constant 0 : i32
    %c0_i32_0 = arith.constant 0 : i32
    return %arg0, %arg1, %c0_i32 : i32, i32, i32
  }
  func.func @transform_3(%arg0: i32, %arg1: i32) -> (i32, i32, i32) {
    %c0_i32 = arith.constant 0 : i32
    %c0_i32_0 = arith.constant 0 : i32
    return %arg0, %arg1, %c0_i32 : i32, i32, i32
  }
  func.func @transform_4(%arg0: i32, %arg1: i32) -> (i32, i32) {
    %c0_i32 = arith.constant 0 : i32
    %c0_i32_0 = arith.constant 0 : i32
    %c0_i32_1 = arith.constant 0 : i32
    return %c0_i32, %c0_i32_0 : i32, i32
  }
  func.func @transform_5(%arg0: i32, %arg1: i32) -> (i32, i32) {
    %c0_i32 = arith.constant 0 : i32
    %c0_i32_0 = arith.constant 0 : i32
    %c0_i32_1 = arith.constant 0 : i32
    return %c0_i32, %c0_i32_0 : i32, i32
  }
  func.func @transform_6(%arg0: i32, %arg1: i32) -> (i32, i32, i32) {
    %c0_i32 = arith.constant 0 : i32
    %c0_i32_0 = arith.constant 0 : i32
    %c0_i32_1 = arith.constant 0 : i32
    return %arg0, %c0_i32, %c0_i32_0 : i32, i32, i32
  }
}

</mosaic_0001>

<sc_bundles>
// kernel: kernel.14.cloned.1.call-start
scs
__scs_entry_jumppad:
0x0: {  	(pc) =	sbr.rel $0x88, $3  }
0x1: {  	(tag) =	ssettag $0x0;
	lr =	simm.s32 $0x1  }
0x2: {  	[smem:$0x3F95] =	sst lr;
	_ =	strace $0xD0000000  }
0x3: {  	_ = 	snop  }
0x4: {  	_ = 	snop  }
0x5: {  	_ = 	snop  }
0x6: {  	_ = 	snop  }
0x7: {  	_ = 	snop  }
__scs_overlays_trampoline_lowered:
0x8: {  	[smem:$0x3FA4] =	sst s0  }
0x9: {  	[smem:$0x3FA5] =	sst s1  }
0xa: {  	[smem:$0x3FA6] =	sst s2  }
0xb: {  	[smem:$0x3FA7] =	sst s3  }
0xc: {  	[smem:$0x3FA8] =	sst s4  }
0xd: {  	[smem:$0x3FA9] =	sst s5  }
0xe: {  	[smem:$0x3FAA] =	sst s6  }
0xf: {  	[smem:$0x3FAB] =	sst s7  }
0x10: {  	[smem:$0x3FAC] =	sst s8  }
0x11: {  	[smem:$0x3FAD] =	sst s9;
	s0 =	simm.s32 @!p0 $0x0  }
0x12: {  	s1 =	sld [smem:$0x3F93];
	s0 =	simm.s32 @p0 $0x1  }
0x13: {  	[smem:$0x3FAE] =	sst s0;
	s0 =	simm.s32 @!p1 $0x0  }
0x14: {  	s2 =	sld [smem:$0x3F92];
	s0 =	simm.s32 @p1 $0x1  }
0x15: {  	[smem:$0x3FAF] =	sst s0;
	s0 =	simm.s32 @!p2 $0x0  }
0x16: {  	s3 =	sld [smem:$0x3FDB];
	s0 =	simm.s32 @p2 $0x1  }
0x17: {  	s4 =	simm.s32 $0x1BF5;
	[smem:$0x3FB1] =	sst s0  }
0x18: {  	s0 =	sld [smem:$0x3F94];
	_ =	swait.ge [sflag:s4], $0x0  }
0x19: {  	s7 =	sld [smem:$0x3F95]  }
0x1a: {  	s8 =	sadd.s32 $0xFFFFE003, lr  }
0x1b: {  	s9 =	sadd.s32 $0xFFFFFEF7, lr;
	s5 =	simm.s32 $0xFFFFFFFF;
	p2 =	slt.u32 s8, $0xFFFFF086  }
0x1c: {  	p1 =	slt.u32 s9, $0xF7A;
	s5 =	simm.s32 @!p2 $0x0  }
0x1d: {  	s5 =	simm.s32 @p1 $0x1;
	p0 =	seq.s32 s7, s2  }
0x1e: {  	s7 =	smul.u32 @!p0 $0xF7A, s2;
	p2 =	seq.s32 @!p0 s5, $0x0  }
0x1f: {  	s9 =	smul.u32 $0xF7A, s1;
	s8 =	simm.s32 @!p0 $0x1BF5;
	p2 =	por !p2, p0  }
0x20: {  	[sflag:s8] =	ssyncset.s32 @!p0 $0xFFFFF086;
	s6 =	sadd.s32 @!p0 s3, s7;
	s7 =	simm.s32 @!p0 $0x108  }
0x21: {  	s3 =	sadd.s32 s3, s9;
	s6 =	sadd.s32 @!p0 $0x88, s6;
	s7 =	simm.s32 @p2 $0x1082  }
0x22: {  	[simem:s7], [sflag:s8] =	dma.local @!p0 [hbm:s6], $0xF7A  }
0x23: {  	s9 =	sor.u32 $0xD0000000, s2;
	s6 =	simm.s32 $0x108;
	_ =	swait.ge @!p0 [sflag:s8], $0x0  }
0x24: {  	s3 =	sadd.s32 $0x88, s3;
	s6 =	simm.s32 @!p1 $0x1082;
	[sflag:s4] =	ssyncset.s32 $0xFFFFF086  }
0x25: {  	[simem:s6], [sflag:s4] =	dma.local [hbm:s3], $0xF7A  }
0x26: {  	[smem:$0x3F95] =	sst s1;
	(tag) =	ssettag s2;
	_ =	strace s9  }
0x27: {  	s1 =	sld [smem:$0x3FA5]  }
0x28: {  	s2 =	sld [smem:$0x3FA6]  }
0x29: {  	s4 =	sld [smem:$0x3FA8]  }
0x2a: {  	p0 =	seq.s32 s5, $0x0;
	s5 =	sld [smem:$0x3FA9]  }
0x2b: {  	s6 =	sld [smem:$0x3FAA]  }
0x2c: {  	s7 =	sld [smem:$0x3FAB]  }
0x2d: {  	s3 =	simm.s32 $0x108;
	s8 =	sld [smem:$0x3FAC]  }
0x2e: {  	s3 =	simm.s32 @!p0 $0x1082;
	s9 =	sld [smem:$0x3FAD]  }
0x2f: {  	lr =	sadd.s32 s0, s3;
	s0 =	sld [smem:$0x3FA4]  }
0x30: {  	s3 =	sld [smem:$0x3FA7]  }
0x31: {  	[smem:$0x3FB0] =	sst s10  }
0x32: {  	s10 =	sld [smem:$0x3FAE];
	_ =	sdelay $0x3  }
0x33: {  	p0 =	seq.s32 s10, $0x1;
	s10 =	sld [smem:$0x3FB0];
	_ =	sdelay $0x3  }
0x34: {  	[smem:$0x3FB0] =	sst s10  }
0x35: {  	s10 =	sld [smem:$0x3FAF];
	_ =	sdelay $0x3  }
0x36: {  	p1 =	seq.s32 s10, $0x1;
	s10 =	sld [smem:$0x3FB0];
	_ =	sdelay $0x3  }
0x37: {  	[smem:$0x3FB0] =	sst s10  }
0x38: {  	s10 =	sld [smem:$0x3FB1]  }
0x39: {  	_ = 	snop;
	(pc) =	sbr.ind lr, $3  }
0x3a: {  	_ = 	snop  }
0x3b: {  	_ = 	snop  }
0x3c: {  	p2 =	seq.s32 s10, $0x1;
	s10 =	sld [smem:$0x3FB0]  }
0x3d: {  	_ =	shalt  }
0x3e: {  	_ =	shalt  }
0x3f: {  	_ =	shalt  }
0x40: {  	_ =	shalt  }
0x41: {  	_ =	shalt  }
0x42: {  	_ =	shalt  }
0x43: {  	_ =	shalt  }
0x44: {  	_ =	shalt  }
0x45: {  	_ =	shalt  }
0x46: {  	_ =	shalt  }
0x47: {  	_ =	shalt  }
0x48: {  	_ =	shalt  }
0x49: {  	_ =	shalt  }
0x4a: {  	_ =	shalt  }
0x4b: {  	_ =	shalt  }
0x4c: {  	_ =	shalt  }
0x4d: {  	_ =	shalt  }
0x4e: {  	_ =	shalt  }
0x4f: {  	_ =	shalt  }
0x50: {  	_ =	shalt  }
0x51: {  	_ =	shalt  }
0x52: {  	_ =	shalt  }
0x53: {  	_ =	shalt  }
0x54: {  	_ =	shalt  }
0x55: {  	_ =	shalt  }
0x56: {  	_ =	shalt  }
0x57: {  	_ =	shalt  }
0x58: {  	_ =	shalt  }
0x59: {  	_ =	shalt  }
0x5a: {  	_ =	shalt  }
0x5b: {  	_ =	shalt  }
0x5c: {  	_ =	shalt  }
0x5d: {  	_ =	shalt  }
0x5e: {  	_ =	shalt  }
0x5f: {  	_ =	shalt  }
0x60: {  	_ =	shalt  }
0x61: {  	_ =	shalt  }
0x62: {  	_ =	shalt  }
0x63: {  	_ =	shalt  }
0x64: {  	_ =	shalt  }
0x65: {  	_ =	shalt  }
0x66: {  	_ =	shalt  }
0x67: {  	_ =	shalt  }
0x68: {  	_ =	shalt  }
0x69: {  	_ =	shalt  }
0x6a: {  	_ =	shalt  }
0x6b: {  	_ =	shalt  }
0x6c: {  	_ =	shalt  }
0x6d: {  	_ =	shalt  }
0x6e: {  	_ =	shalt  }
0x6f: {  	_ =	shalt  }
0x70: {  	_ =	shalt  }
0x71: {  	_ =	shalt  }
0x72: {  	_ =	shalt  }
0x73: {  	_ =	shalt  }
0x74: {  	_ =	shalt  }
0x75: {  	_ =	shalt  }
0x76: {  	_ =	shalt  }
0x77: {  	_ =	shalt  }
0x78: {  	_ =	shalt  }
0x79: {  	_ =	shalt  }
0x7a: {  	_ =	shalt  }
0x7b: {  	_ =	shalt  }
0x7c: {  	_ =	shalt  }
0x7d: {  	_ =	shalt  }
0x7e: {  	_ =	shalt  }
0x7f: {  	_ =	shalt  }
0x80: {  	_ =	shalt  }
0x81: {  	_ =	shalt  }
0x82: {  	_ =	shalt  }
0x83: {  	_ =	shalt  }
0x84: {  	_ =	shalt  }
0x85: {  	_ =	shalt  }
0x86: {  	_ =	shalt  }
0x87: {  	_ =	shalt  }
.Lfunc_end0:
.L_simem_size_0:
called_computation_lowered:
.L_overlay_start_0:
0x88: {  	s2 =	sld [smem:$0x3FD9]  }
0x89: {  	s3 =	sld [smem:$0x3FFE];
	_ =	sdelay $0x1  }
0x8a: {  	s1 =	srdreg.scid  }
0x8b: {  	s0 =	sand.u32 $0x1, s1  }
0x8c: {  	s16 =	sshll.u32 s0, $0xA;
	s2 =	sadd.s32 s3, s2  }
0x8d: {  	s2 =	sadd.s32 s2, s16  }
0x8e: {  	[smem:$0x3FBC] =	sst s2  }
0x8f: {  	_ = 	snop  }
0x90: {  	(tm) =	ssettm $0x1  }
0x91: {  	s17 =	sld [smem:$0x3FFB];
	_ =	sdelay $0x3  }
0x92: {  	_ =	strace s17  }
0x93: {  	s2 =	sld [smem:$0x3FFC];
	_ =	sdelay $0x3  }
0x94: {  	_ =	strace s2  }
0x95: {  	s2 =	sld [smem:$0x3FFD];
	_ =	sdelay $0x3  }
0x96: {  	_ =	strace s2  }
0x97: {  	_ =	strace $0x8FFFFFFF  }
0x98: {  	s18 =	sld [smem:$0x3FDB];
	_ =	sdelay $0x1  }
0x99: {  	s19 =	simm.s32 $_scs_section_size  }
0x9a: {  	s4 =	simm.s32 $_size__tile_overlayer_lowered;
	s5 =	simm.s32 $_tile_overlayer_lowered  }
0x9b: {  	s22 =	simm.s32 $0x1BFF;
	s21 =	sshll.u32 s5, $0x1;
	s2 =	sadd.s32 s19, s18  }
0x9c: {  	s6 =	simm.s32 $0x0;
	s20 =	sshll.u32 s4, $0x1;
	s4 =	sadd.s32 s21, s2  }
0x9d: {  	[timem:s6], [sflag:s22] =	dma.local [hbm:s4], s20  }
0x9e: {  	_ =	swait.ge [sflag:s22], s20  }
0x9f: {  	s3 =	ssub.s32 $0x0, s20;
	[sflag:s22] =	ssyncset.done $0x0  }
0xa0: {  	[sflag:s22] =	ssyncadd.s32 s3;
	_ =	sdelay $0x1  }
0xa1: {  	s23 =	simm.s32 $0x1B8B  }
0xa2: {  	_ =	swait.ge [sflag:s23], $0x1  }
0xa3: {  	[sflag:s23] =	ssyncset.done $0x0  }
0xa4: {  	s25 =	simm.s32 $0x1B8E;
	s24 =	sld [smem:$0x3FFE];
	[sflag:s23] =	ssyncadd.s32 $0xFFFFFFFF  }
0xa5: {  	s26 =	simm.s32 $execute0_lowered;
	[smem:$0x3FD2] =	sst s25  }
0xa6: {  	s4 =	sshll.u32 s26, $0x1;
	_ =	strace $0x80000046;
	[dreg:$0x1] =	wrdreg $0xFFFFFFFF  }
0xa7: {  	s28 =	simm.s32 $_size_execute0_lowered;
	s2 =	sadd.s32 s2, s4;
	[dreg:$0x0] =	wrdreg $0x0  }
0xa8: {  	s4 =	sshll.u32 s28, $0x1;
	[dreg:$0x2] =	wrdreg s2  }
0xa9: {  	[dreg:$0x3] =	wrdreg s4  }
0xaa: {  	[dreg:$0x4] =	wrdreg $0xC0  }
0xab: {  	_ =	task [dreg:s6], $0x5FFFF  }
0xac: {  	[dreg:$0x1] =	wrdreg $0xFFFFFFFF  }
0xad: {  	[dreg:$0x0] =	wrdreg $0x60  }
0xae: {  	[dreg:$0x2] =	wrdreg s24  }
0xaf: {  	[dreg:$0x3] =	wrdreg $0x9  }
0xb0: {  	_ =	task.clear_ibuf [dreg:s6], $0x4FFFF;
	_ =	strace $0x90000046  }
0xb1: {  	s29 =	simm.s32 $0x9;
	_ =	strace $0x80000048  }
0xb2: {  	_ =	swait.ge [sflag:s29], $0x1  }
0xb3: {  	[sflag:s29] =	ssyncadd.s32 $0xFFFFFFFF  }
0xb4: {  	_ =	strace $0x90000048  }
0xb5: {  	_ =	sfence  }
0xb6: {  	s30 =	sld [smem:$0x0];
	_ =	sdelay $0x2  }
0xb7: {  	s31 =	sshll.u32 s1, $0xD;
	s1 =	sshrl.u32 s1, $0x2  }
0xb8: {  	s3 =	sand.u32 $0x4000, s31;
	s1 =	sadd.s32 s1, s30  }
0xb9: {  	s0 =	sor.u32 s3, s0;
	s1 =	sshll.u32 s1, $0x11  }
0xba: {  	s0 =	sor.u32 s1, s0  }
0xbb: {  	s0 =	sadd.s32 $0x8F2B, s0  }
0xbc: {  	[sflag:s0] =	ssyncadd.remote.s32 $0x1  }
0xbd: {  	_ =	sfence.sel $0xFFFF  }
0xbe: {  	[dreg:$0x0] =	wrdreg $0xFFFFFFFF;
	(pc) =	sbr.abs _section_cstart, $3  }
0xbf: {  	[dreg:$0x1] =	wrdreg $0xFFFFFFFF  }
0xc0: {  	_ =	task.clear_ibuf [dreg:s6], $0x2FFFF;
	_ =	strace $0x9FFFFFFF  }
0xc1: {  	(tm) =	ssettm $0x7FFFFFFF  }
tec
execute0_lowered:
.L_overlay_start_1:
0x0: {  	(tag) =	ssettag $0x1  }
0x1: {  	s7 =	rddreg [dreg:$0x0]  }
0x2: {  	s0 =	rddreg [dreg:$0x1]  }
0x3: {  	s3 =	srdreg.scid;
	s1 =	stileid.u32  }
0x4: {  	s2 =	simm.s32 $0x0;
	s6 =	sand.u32 $0x1, s3;
	s28 =	sshll.u32 s1, $0x1  }
0x5: {  	s12 =	simm.s32 $0x3;
	s13 =	simm.s32 $0x80;
	s8 =	sor.u32 s6, s28  }
0x6: {  	s14 =	simm.s32 $0x2;
	s15 =	simm.s32 $0x4100;
	s4 =	smul.u32 $0x280000, s8  }
0x7: {  	s16 =	simm.s32 $0x0;
	s9 =	ssub.s32 $0x2, s6;
	s6 =	smul.u32 $0x5000, s8  }
.Ltmp0:
0x8: {  	[smem:$0x7FF] =	sst s2;
	s3 =	sadd.s32 $0x17800, s7;
	(pc) =	sbr.rel .LBB2_1-.Ltmp0, $4  }
0x9: {  	s5 =	sadd.s32 $0x3800, s7;
	s7 =	sadd.s32 $0x57800, s7;
	_ =	strace $0x80000047  }
0xa: {  	s29 =	sshrl.u32 s9, $0x1;
	s10 =	sshrl.u32 s4, $0x3;
	s30 =	sshrl.u32 s6, $0x3  }
0xb: {  	s11 =	ssub.s32 s9, s29;
	s31 =	sadd.s32 s7, s10;
	s8 =	sadd.s32 s5, s30  }
0xc: {  	s10 =	smax.u32 s11, $0x1;
	s11 =	simm.s32 $0x1;
	s9 =	sadd.s32 $0x4F800, s31  }
.LBB2_6:
0xd: {  	_ =	swait.ge [sflag:s14], $0x4000  }
0xe: {  	[sflag:s14] =	ssyncset.done $0x0  }
0xf: {  	s16 =	sadd.s32 $0x1, s16;
	[sflag:s14] =	ssyncadd.s32 $0xFFFFC000  }
0x10: {  	[hbm4b:s9+s2] =	stream.linear.scatter [tilespmem:s15], [sflag:$0x3], $0x4000, $0x38;
	[tilespmem:$0x8100] =	vst v63  }
0x11: {  	p0 =	sne.s32 s16, s10;
	_ =	swait.ge [sflag:s12], $0x4000  }
.Ltmp1:
0x12: {  	[sflag:s12] =	ssyncset.done $0x0;
	(pc) =	sbr.rel @!p0 .LBB2_7-.Ltmp1, $4  }
0x13: {  	[sflag:s12] =	ssyncadd.s32 $0xFFFFC000  }
0x14: {  	_ =	swait.ge [sflag:s12], $0x4000  }
0x15: {  	[sflag:s12] =	ssyncset.done $0x0  }
0x16: {  	[sflag:s12] =	ssyncadd.s32 $0xFFFFC000  }
.LBB2_1:
.Ltmp2:
0x17: {  	(pc) =	sbr.rel .LBB2_2-.Ltmp2, $3  }
0x18: {  	_ =	sdelay $0x1  }
0x19: {  	[tilespmem:s2], [sflag:$0x1] =	stream.linear.gather [hbm4b:s8+s2], $0x80, $0x38;
	[tilespmem:$0x8100] =	vst v63  }
0x1a: {  	s17 =	simm.s32 $0x0  }
.LBB2_4:
0x1b: {  	_ =	swait.ge [sflag:s12], $0x4000  }
0x1c: {  	[sflag:s12] =	ssyncset.done $0x0  }
0x1d: {  	[sflag:s12] =	ssyncadd.s32 $0xFFFFC000  }
.LBB2_5:
0x1e: {  	p0 =	slt.u32 s18, $0xA0  }
.Ltmp3:
0x1f: {  	s17 =	sand.u32 $0x1, s17;
	(pc) =	sbr.rel @!p0 .LBB2_6-.Ltmp3, $4  }
0x20: {  	s19 =	sshll.u32 s17, $0xE  }
0x21: {  	s17 =	sshll.u32 s17, $0x7;
	s19 =	sor.u32 $0x100, s19  }
0x22: {  	[tilespmem:s19], [sflag:$0x2] =	stream.indirect.gather [hbm4b:s3+s13], $0x80, s17, s13, $0xb8;
	[tilespmem:$0x8100] =	vst v63  }
0x23: {  	s17 =	smov.u32 s18  }
.LBB2_2:
0x24: {  	_ =	swait.ge [sflag:s11], $0x80;
	p0 =	seq.s32 s17, $0x0  }
0x25: {  	[sflag:s11] =	ssyncset.done $0x0;
	s18 =	simm.s32 @!p0 $0x2  }
0x26: {  	s19 =	sshll.u32 @!p0 s17, $0xE;
	p1 =	seq.s32 @!p0 s17, $0x9F;
	[sflag:s11] =	ssyncadd.s32 $0xFFFFFF80  }
0x27: {  	s19 =	sadd.s32 @!p0 $0xFFFFC000, s19;
	p1 =	por p0, !p1;
	_ =	swait.ge @!p0 [sflag:s18], $0x4000  }
.Ltmp4:
0x28: {  	s20 =	sadd.s32 @!p0 s4, s19;
	[sflag:s18] =	ssyncset.done @!p0 $0x0;
	(pc) =	sbr.rel @!p1 .LBB2_4-.Ltmp4, $4  }
0x29: {  	[sflag:s18] =	ssyncadd.s32 @!p0 $0xFFFFC000;
	s18 =	sand.u32 @!p0 $0x4000, s19;
	s19 =	sshrl.u32 @!p0 s20, $0x3  }
0x2a: {  	s20 =	simm.s32 @!p0 $0x0;
	s18 =	sor.u32 @!p0 $0x100, s18;
	s19 =	sadd.s32 @!p0 s7, s19  }
0x2b: {  	[hbm4b:s19+s20] =	stream.linear.scatter @!p0 [tilespmem:s18], [sflag:$0x3], $0x4000, $0x38;
	[tilespmem:$0x8100] =	vst v63  }
0x2c: {  	s18 =	simm.s32 @!p0 $0xA0  }
0x2d: {  	s18 =	sadd.s32 @!p0 $0x1, s17  }
0x2e: {  	s18 =	simm.s32 @p0 $0x1;
	p0 =	slt.u32 s17, $0x2  }
.Ltmp5:
0x2f: {  	s19 =	sshll.u32 s18, $0x7;
	(pc) =	sbr.rel @p0 .LBB2_5-.Ltmp5, $4  }
.Ltmp6:
0x30: {  	s20 =	sadd.s32 s6, s19;
	(pc) =	sbr.rel @!p0 .LBB2_4-.Ltmp6, $4  }
0x31: {  	s20 =	sshrl.u32 s20, $0x3  }
0x32: {  	s19 =	sand.u32 $0x80, s19;
	s20 =	sadd.s32 s5, s20  }
0x33: {  	[tilespmem:s19], [sflag:$0x1] =	stream.linear.gather [hbm4b:s20+s2], $0x80, $0x38;
	[tilespmem:$0x8100] =	vst v63  }
0x34: {  	_ = 	snop  }
.LBB2_7:
0x35: {  	_ =	sfence.sel $0x180000  }
0x36: {  	[bflag:$0x0] =	sbarrier.arrive $0xFFFF  }
0x37: {  	p0 =	sne.s32 s1, $0x0;
	_ =	strace $0x90000047  }
0x38: {  	s0 =	sadd.s32 @!p0 $0x100000, s0;
	[bflag:$0x2] =	sbarrier.arrive $0xFFFF  }
0x39: {  	[sflag:s0] =	ssyncadd.tile.s32 @!p0 $0x1;
	_ =	shalt  }
.Lfunc_end2:
_tile_overlayer_lowered:
.L_overlay_start_2:
0x3a: {  	(tag) =	ssettag $0x2  }
0x3b: {  	s0 =	rddreg [dreg:$0x0];
	s2 =	stileid.u32  }
0x3c: {  	s1 =	rddreg [dreg:$0x1];
	p0 =	sne.s32 s2, $0x0  }
0x3d: {  	s3 =	rddreg [dreg:$0x2];
	[bflag:$0x3] =	sbarrier.arrive $0xFFFF;
	s2 =	simm.s32 @!p0 $0x1C04  }
0x3e: {  	[timem:s3], [sflag:s2] =	dma.local @!p0 [hbm:s0], s1  }
0x3f: {  	s0 =	simm.s32 @!p0 $0x4  }
0x40: {  	_ =	swait.ge @!p0 [sflag:s0], s1  }
0x41: {  	s1 =	ssub.s32 @!p0 $0x0, s1;
	[sflag:s0] =	ssyncset.done @!p0 $0x0  }
0x42: {  	[sflag:s0] =	ssyncadd.s32 @!p0 s1  }
0x43: {  	[bflag:$0x3] =	sbarrier.arrive $0xFFFF  }
0x44: {  	_ =	shalt  }

// kernel: kernel.17.cloned.1.call-start
scs
__scs_entry_jumppad:
0x0: {  	(pc) =	sbr.rel $0x88, $3  }
0x1: {  	(tag) =	ssettag $0x0;
	lr =	simm.s32 $0x1  }
0x2: {  	[smem:$0x3F95] =	sst lr;
	_ =	strace $0xD0000000  }
0x3: {  	_ = 	snop  }
0x4: {  	_ = 	snop  }
0x5: {  	_ = 	snop  }
0x6: {  	_ = 	snop  }
0x7: {  	_ = 	snop  }
__scs_overlays_trampoline_lowered:
0x8: {  	[smem:$0x3FA4] =	sst s0  }
0x9: {  	[smem:$0x3FA5] =	sst s1  }
0xa: {  	[smem:$0x3FA6] =	sst s2  }
0xb: {  	[smem:$0x3FA7] =	sst s3  }
0xc: {  	[smem:$0x3FA8] =	sst s4  }
0xd: {  	[smem:$0x3FA9] =	sst s5  }
0xe: {  	[smem:$0x3FAA] =	sst s6  }
0xf: {  	[smem:$0x3FAB] =	sst s7  }
0x10: {  	[smem:$0x3FAC] =	sst s8  }
0x11: {  	[smem:$0x3FAD] =	sst s9;
	s0 =	simm.s32 @!p0 $0x0  }
0x12: {  	s1 =	sld [smem:$0x3F93];
	s0 =	simm.s32 @p0 $0x1  }
0x13: {  	[smem:$0x3FAE] =	sst s0;
	s0 =	simm.s32 @!p1 $0x0  }
0x14: {  	s2 =	sld [smem:$0x3F92];
	s0 =	simm.s32 @p1 $0x1  }
0x15: {  	[smem:$0x3FAF] =	sst s0;
	s0 =	simm.s32 @!p2 $0x0  }
0x16: {  	s3 =	sld [smem:$0x3FDB];
	s0 =	simm.s32 @p2 $0x1  }
0x17: {  	s4 =	simm.s32 $0x1BF5;
	[smem:$0x3FB1] =	sst s0  }
0x18: {  	s0 =	sld [smem:$0x3F94];
	_ =	swait.ge [sflag:s4], $0x0  }
0x19: {  	s7 =	sld [smem:$0x3F95]  }
0x1a: {  	s8 =	sadd.s32 $0xFFFFE003, lr  }
0x1b: {  	s9 =	sadd.s32 $0xFFFFFEF7, lr;
	s5 =	simm.s32 $0xFFFFFFFF;
	p2 =	slt.u32 s8, $0xFFFFF086  }
0x1c: {  	p1 =	slt.u32 s9, $0xF7A;
	s5 =	simm.s32 @!p2 $0x0  }
0x1d: {  	s5 =	simm.s32 @p1 $0x1;
	p0 =	seq.s32 s7, s2  }
0x1e: {  	s7 =	smul.u32 @!p0 $0xF7A, s2;
	p2 =	seq.s32 @!p0 s5, $0x0  }
0x1f: {  	s9 =	smul.u32 $0xF7A, s1;
	s8 =	simm.s32 @!p0 $0x1BF5;
	p2 =	por !p2, p0  }
0x20: {  	[sflag:s8] =	ssyncset.s32 @!p0 $0xFFFFF086;
	s6 =	sadd.s32 @!p0 s3, s7;
	s7 =	simm.s32 @!p0 $0x108  }
0x21: {  	s3 =	sadd.s32 s3, s9;
	s6 =	sadd.s32 @!p0 $0x88, s6;
	s7 =	simm.s32 @p2 $0x1082  }
0x22: {  	[simem:s7], [sflag:s8] =	dma.local @!p0 [hbm:s6], $0xF7A  }
0x23: {  	s9 =	sor.u32 $0xD0000000, s2;
	s6 =	simm.s32 $0x108;
	_ =	swait.ge @!p0 [sflag:s8], $0x0  }
0x24: {  	s3 =	sadd.s32 $0x88, s3;
	s6 =	simm.s32 @!p1 $0x1082;
	[sflag:s4] =	ssyncset.s32 $0xFFFFF086  }
0x25: {  	[simem:s6], [sflag:s4] =	dma.local [hbm:s3], $0xF7A  }
0x26: {  	[smem:$0x3F95] =	sst s1;
	(tag) =	ssettag s2;
	_ =	strace s9  }
0x27: {  	s1 =	sld [smem:$0x3FA5]  }
0x28: {  	s2 =	sld [smem:$0x3FA6]  }
0x29: {  	s4 =	sld [smem:$0x3FA8]  }
0x2a: {  	p0 =	seq.s32 s5, $0x0;
	s5 =	sld [smem:$0x3FA9]  }
0x2b: {  	s6 =	sld [smem:$0x3FAA]  }
0x2c: {  	s7 =	sld [smem:$0x3FAB]  }
0x2d: {  	s3 =	simm.s32 $0x108;
	s8 =	sld [smem:$0x3FAC]  }
0x2e: {  	s3 =	simm.s32 @!p0 $0x1082;
	s9 =	sld [smem:$0x3FAD]  }
0x2f: {  	lr =	sadd.s32 s0, s3;
	s0 =	sld [smem:$0x3FA4]  }
0x30: {  	s3 =	sld [smem:$0x3FA7]  }
0x31: {  	[smem:$0x3FB0] =	sst s10  }
0x32: {  	s10 =	sld [smem:$0x3FAE];
	_ =	sdelay $0x3  }
0x33: {  	p0 =	seq.s32 s10, $0x1;
	s10 =	sld [smem:$0x3FB0];
	_ =	sdelay $0x3  }
0x34: {  	[smem:$0x3FB0] =	sst s10  }
0x35: {  	s10 =	sld [smem:$0x3FAF];
	_ =	sdelay $0x3  }
0x36: {  	p1 =	seq.s32 s10, $0x1;
	s10 =	sld [smem:$0x3FB0];
	_ =	sdelay $0x3  }
0x37: {  	[smem:$0x3FB0] =	sst s10  }
0x38: {  	s10 =	sld [smem:$0x3FB1]  }
0x39: {  	_ = 	snop;
	(pc) =	sbr.ind lr, $3  }
0x3a: {  	_ = 	snop  }
0x3b: {  	_ = 	snop  }
0x3c: {  	p2 =	seq.s32 s10, $0x1;
	s10 =	sld [smem:$0x3FB0]  }
0x3d: {  	_ =	shalt  }
0x3e: {  	_ =	shalt  }
0x3f: {  	_ =	shalt  }
0x40: {  	_ =	shalt  }
0x41: {  	_ =	shalt  }
0x42: {  	_ =	shalt  }
0x43: {  	_ =	shalt  }
0x44: {  	_ =	shalt  }
0x45: {  	_ =	shalt  }
0x46: {  	_ =	shalt  }
0x47: {  	_ =	shalt  }
0x48: {  	_ =	shalt  }
0x49: {  	_ =	shalt  }
0x4a: {  	_ =	shalt  }
0x4b: {  	_ =	shalt  }
0x4c: {  	_ =	shalt  }
0x4d: {  	_ =	shalt  }
0x4e: {  	_ =	shalt  }
0x4f: {  	_ =	shalt  }
0x50: {  	_ =	shalt  }
0x51: {  	_ =	shalt  }
0x52: {  	_ =	shalt  }
0x53: {  	_ =	shalt  }
0x54: {  	_ =	shalt  }
0x55: {  	_ =	shalt  }
0x56: {  	_ =	shalt  }
0x57: {  	_ =	shalt  }
0x58: {  	_ =	shalt  }
0x59: {  	_ =	shalt  }
0x5a: {  	_ =	shalt  }
0x5b: {  	_ =	shalt  }
0x5c: {  	_ =	shalt  }
0x5d: {  	_ =	shalt  }
0x5e: {  	_ =	shalt  }
0x5f: {  	_ =	shalt  }
0x60: {  	_ =	shalt  }
0x61: {  	_ =	shalt  }
0x62: {  	_ =	shalt  }
0x63: {  	_ =	shalt  }
0x64: {  	_ =	shalt  }
0x65: {  	_ =	shalt  }
0x66: {  	_ =	shalt  }
0x67: {  	_ =	shalt  }
0x68: {  	_ =	shalt  }
0x69: {  	_ =	shalt  }
0x6a: {  	_ =	shalt  }
0x6b: {  	_ =	shalt  }
0x6c: {  	_ =	shalt  }
0x6d: {  	_ =	shalt  }
0x6e: {  	_ =	shalt  }
0x6f: {  	_ =	shalt  }
0x70: {  	_ =	shalt  }
0x71: {  	_ =	shalt  }
0x72: {  	_ =	shalt  }
0x73: {  	_ =	shalt  }
0x74: {  	_ =	shalt  }
0x75: {  	_ =	shalt  }
0x76: {  	_ =	shalt  }
0x77: {  	_ =	shalt  }
0x78: {  	_ =	shalt  }
0x79: {  	_ =	shalt  }
0x7a: {  	_ =	shalt  }
0x7b: {  	_ =	shalt  }
0x7c: {  	_ =	shalt  }
0x7d: {  	_ =	shalt  }
0x7e: {  	_ =	shalt  }
0x7f: {  	_ =	shalt  }
0x80: {  	_ =	shalt  }
0x81: {  	_ =	shalt  }
0x82: {  	_ =	shalt  }
0x83: {  	_ =	shalt  }
0x84: {  	_ =	shalt  }
0x85: {  	_ =	shalt  }
0x86: {  	_ =	shalt  }
0x87: {  	_ =	shalt  }
.Lfunc_end0:
.L_simem_size_0:
called_computation.1_lowered:
.L_overlay_start_0:
0x88: {  	s2 =	sld [smem:$0x3FD9]  }
0x89: {  	s3 =	sld [smem:$0x3FFE];
	_ =	sdelay $0x1  }
0x8a: {  	s1 =	srdreg.scid  }
0x8b: {  	s0 =	sand.u32 $0x1, s1  }
0x8c: {  	s16 =	sshll.u32 s0, $0xA;
	s2 =	sadd.s32 s3, s2  }
0x8d: {  	s2 =	sadd.s32 s2, s16  }
0x8e: {  	[smem:$0x3FBC] =	sst s2  }
0x8f: {  	_ = 	snop  }
0x90: {  	(tm) =	ssettm $0x1  }
0x91: {  	s17 =	sld [smem:$0x3FFB];
	_ =	sdelay $0x3  }
0x92: {  	_ =	strace s17  }
0x93: {  	s2 =	sld [smem:$0x3FFC];
	_ =	sdelay $0x3  }
0x94: {  	_ =	strace s2  }
0x95: {  	s2 =	sld [smem:$0x3FFD];
	_ =	sdelay $0x3  }
0x96: {  	_ =	strace s2  }
0x97: {  	_ =	strace $0x8FFFFFFF  }
0x98: {  	s18 =	sld [smem:$0x3FDB];
	_ =	sdelay $0x1  }
0x99: {  	s19 =	simm.s32 $_scs_section_size  }
0x9a: {  	s4 =	simm.s32 $_size__tile_overlayer_lowered;
	s5 =	simm.s32 $_tile_overlayer_lowered  }
0x9b: {  	s22 =	simm.s32 $0x1BFF;
	s21 =	sshll.u32 s5, $0x1;
	s2 =	sadd.s32 s19, s18  }
0x9c: {  	s6 =	simm.s32 $0x0;
	s20 =	sshll.u32 s4, $0x1;
	s4 =	sadd.s32 s21, s2  }
0x9d: {  	[timem:s6], [sflag:s22] =	dma.local [hbm:s4], s20  }
0x9e: {  	_ =	swait.ge [sflag:s22], s20  }
0x9f: {  	s3 =	ssub.s32 $0x0, s20;
	[sflag:s22] =	ssyncset.done $0x0  }
0xa0: {  	[sflag:s22] =	ssyncadd.s32 s3;
	_ =	sdelay $0x1  }
0xa1: {  	s23 =	simm.s32 $0x1B8B  }
0xa2: {  	_ =	swait.ge [sflag:s23], $0x1  }
0xa3: {  	[sflag:s23] =	ssyncset.done $0x0  }
0xa4: {  	s25 =	simm.s32 $0x1B8E;
	s24 =	sld [smem:$0x3FFE];
	[sflag:s23] =	ssyncadd.s32 $0xFFFFFFFF  }
0xa5: {  	s26 =	simm.s32 $execute0_lowered;
	[smem:$0x3FD2] =	sst s25  }
0xa6: {  	s4 =	sshll.u32 s26, $0x1;
	_ =	strace $0x80000049;
	[dreg:$0x1] =	wrdreg $0xFFFFFFFF  }
0xa7: {  	s28 =	simm.s32 $_size_execute0_lowered;
	s2 =	sadd.s32 s2, s4;
	[dreg:$0x0] =	wrdreg $0x0  }
0xa8: {  	s4 =	sshll.u32 s28, $0x1;
	[dreg:$0x2] =	wrdreg s2  }
0xa9: {  	[dreg:$0x3] =	wrdreg s4  }
0xaa: {  	[dreg:$0x4] =	wrdreg $0xC0  }
0xab: {  	_ =	task [dreg:s6], $0x5FFFF  }
0xac: {  	[dreg:$0x1] =	wrdreg $0xFFFFFFFF  }
0xad: {  	[dreg:$0x0] =	wrdreg $0x60  }
0xae: {  	[dreg:$0x2] =	wrdreg s24  }
0xaf: {  	[dreg:$0x3] =	wrdreg $0x9  }
0xb0: {  	_ =	task.clear_ibuf [dreg:s6], $0x4FFFF;
	_ =	strace $0x90000049  }
0xb1: {  	s29 =	simm.s32 $0x9;
	_ =	strace $0x8000004B  }
0xb2: {  	_ =	swait.ge [sflag:s29], $0x1  }
0xb3: {  	[sflag:s29] =	ssyncadd.s32 $0xFFFFFFFF  }
0xb4: {  	_ =	strace $0x9000004B  }
0xb5: {  	_ =	sfence  }
0xb6: {  	s30 =	sld [smem:$0x0];
	_ =	sdelay $0x2  }
0xb7: {  	s31 =	sshll.u32 s1, $0xD;
	s1 =	sshrl.u32 s1, $0x2  }
0xb8: {  	s3 =	sand.u32 $0x4000, s31;
	s1 =	sadd.s32 s1, s30  }
0xb9: {  	s0 =	sor.u32 s3, s0;
	s1 =	sshll.u32 s1, $0x11  }
0xba: {  	s0 =	sor.u32 s1, s0  }
0xbb: {  	s0 =	sadd.s32 $0x8F2B, s0  }
0xbc: {  	[sflag:s0] =	ssyncadd.remote.s32 $0x1  }
0xbd: {  	_ =	sfence.sel $0xFFFF  }
0xbe: {  	[dreg:$0x0] =	wrdreg $0xFFFFFFFF;
	(pc) =	sbr.abs _section_cstart, $3  }
0xbf: {  	[dreg:$0x1] =	wrdreg $0xFFFFFFFF  }
0xc0: {  	_ =	task.clear_ibuf [dreg:s6], $0x2FFFF;
	_ =	strace $0x9FFFFFFF  }
0xc1: {  	(tm) =	ssettm $0x7FFFFFFF  }
tec
execute0_lowered:
.L_overlay_start_1:
0x0: {  	(tag) =	ssettag $0x1  }
0x1: {  	s6 =	rddreg [dreg:$0x0];
	s2 =	srdreg.scid  }
0x2: {  	s0 =	rddreg [dreg:$0x1];
	s1 =	stileid.u32  }
0x3: {  	s12 =	simm.s32 $0x100;
	s13 =	simm.s32 $0x400;
	s14 =	simm.s32 $0x1  }
0x4: {  	s15 =	simm.s32 $0x3;
	s16 =	simm.s32 $0x50;
	s7 =	sand.u32 $0x1, s2  }
0x5: {  	s17 =	simm.s32 $0x2;
	s9 =	sshll.u32 s1, $0xA;
	s3 =	sshll.u32 s7, $0x9  }
0x6: {  	s18 =	simm.s32 $0x4900;
	s19 =	simm.s32 $0x0;
	s3 =	sor.u32 s3, s9  }
0x7: {  	s2 =	simm.s32 $0x0;
	s4 =	sadd.s32 $0x83800, s6;
	s8 =	smul.u32 $0x1400, s3  }
.Ltmp0:
0x8: {  	s5 =	sadd.s32 $0x43800, s6;
	[smem:$0x7FF] =	sst s2;
	(pc) =	sbr.rel .LBB2_1-.Ltmp0, $4  }
0x9: {  	s6 =	sadd.s32 $0x483800, s6;
	s7 =	ssub.s32 $0x2, s7;
	_ =	strace $0x8000004A  }
0xa: {  	s10 =	sshrl.u32 s7, $0x1;
	s9 =	sand.u32 $0x3800, s9;
	s8 =	sshrl.u32 s8, $0x3  }
0xb: {  	s11 =	ssub.s32 s7, s10;
	s7 =	sshll.u32 s3, $0x8;
	s31 =	sadd.s32 s6, s8  }
0xc: {  	v0 =	vlaneseq.u32;
	s11 =	smax.u32 s11, $0x1;
	s8 =	sadd.s32 s4, s7;
	s10 =	sadd.s32 $0x4FB00, s31  }
.LBB2_11:
0xd: {  	_ =	swait.ge [sflag:s17], $0x2800  }
0xe: {  	[sflag:s17] =	ssyncset.done $0x0  }
0xf: {  	s19 =	sadd.s32 $0x1, s19;
	[sflag:s17] =	ssyncadd.s32 $0xFFFFD800  }
0x10: {  	[hbm4b:s10+s2] =	stream.linear.scatter [tilespmem:s18], [sflag:$0x3], $0x2800, $0x38;
	[tilespmem:$0x7100] =	vst v63  }
0x11: {  	p0 =	sne.s32 s19, s11;
	_ =	swait.ge [sflag:s15], $0x2800  }
.Ltmp1:
0x12: {  	[sflag:s15] =	ssyncset.done $0x0;
	(pc) =	sbr.rel @!p0 .LBB2_12-.Ltmp1, $4  }
0x13: {  	[sflag:s15] =	ssyncadd.s32 $0xFFFFD800  }
0x14: {  	_ =	swait.ge [sflag:s15], $0x2800  }
0x15: {  	[sflag:s15] =	ssyncset.done $0x0  }
0x16: {  	[sflag:s15] =	ssyncadd.s32 $0xFFFFD800  }
.LBB2_1:
.Ltmp2:
0x17: {  	(pc) =	sbr.rel .LBB2_2-.Ltmp2, $3  }
0x18: {  	_ =	sdelay $0x1  }
0x19: {  	[tilespmem:s2], [sflag:$0x1] =	stream.strided.gather [hbm4b:s8+s12], $0x1000, s13, s12, $0x38;
	[tilespmem:$0x7100] =	vst v63  }
0x1a: {  	s20 =	simm.s32 $0x0  }
.LBB2_7:
0x1b: {  	_ =	swait.ge [sflag:s15], $0x2800  }
0x1c: {  	[sflag:s15] =	ssyncset.done $0x0  }
0x1d: {  	s22 =	sadd.s32 $0x2100, s22;
	[sflag:s15] =	ssyncadd.s32 $0xFFFFD800  }
0x1e: {  	[tilespmem:s22], [sflag:$0x2] =	stream.indirect.gather [hbm4b:s5+s16], $0x80, s23, s16, $0xb8;
	[tilespmem:$0x7100] =	vst v63  }
.LBB2_9:
0x1f: {  	s21 =	sadd.s32 $0xFFFFFFFF, s21  }
0x20: {  	s22 =	sshll.u32 s21, $0x1  }
0x21: {  	s22 =	sadd.s32 s3, s22  }
0x22: {  	_ =	swait.ge [sflag:s17], $0x2800;
	s21 =	sand.u32 $0x1, s21;
	s22 =	smul.u32 $0x280, s22  }
0x23: {  	[sflag:s17] =	ssyncset.done $0x0;
	p0 =	seq.s32 s21, $0x1;
	s21 =	simm.s32 $0x4900  }
0x24: {  	[sflag:s17] =	ssyncadd.s32 $0xFFFFD800;
	s21 =	simm.s32 @!p0 $0x2100;
	s22 =	sadd.s32 s6, s22  }
0x25: {  	[hbm4b:s22+s2] =	stream.linear.scatter [tilespmem:s21], [sflag:$0x3], $0x2800, $0x38;
	[tilespmem:$0x7100] =	vst v63  }
.LBB2_10:
0x26: {  	p0 =	sne.s32 s20, $0x100  }
.Ltmp3:
0x27: {  	_ = 	snop;
	(pc) =	sbr.rel @!p0 .LBB2_11-.Ltmp3, $1  }
0x28: {  	_ =	sdelay $0x3  }
.LBB2_2:
0x29: {  	s21 =	smov.u32 s20;
	s22 =	sand.u32 $0x1, s20;
	_ =	swait.ge [sflag:s14], $0x1000  }
0x2a: {  	s20 =	sadd.s32 $0x1, s20;
	[sflag:s14] =	ssyncset.done $0x0;
	p0 =	seq.s32 s21, $0xFF  }
0x2b: {  	[sflag:s14] =	ssyncadd.s32 $0xFFFFF000;
	s23 =	sshll.u32 @!p0 s20, $0x9;
	s24 =	sshll.u32 @!p0 s20, $0x5  }
0x2c: {  	s25 =	sshll.u32 @!p0 s20, $0xC;
	s23 =	sadd.s32 @!p0 s7, s23;
	s24 =	sand.u32 @!p0 $0x60, s24  }
0x2d: {  	s26 =	simm.s32 @!p0 $0x400;
	s23 =	sand.u32 @!p0 $0x7FF800, s23;
	s24 =	sadd.s32 @!p0 s4, s24  }
0x2e: {  	s25 =	sand.u32 @!p0 $0x1000, s25;
	s23 =	sadd.s32 @!p0 s23, s24;
	s24 =	simm.s32 @!p0 $0x100  }
0x2f: {  	[tilespmem:s25], [sflag:$0x1] =	stream.strided.gather @!p0 [hbm4b:s23+s24], $0x1000, s26, s24, $0x38;
	[tilespmem:$0x7100] =	vst v63  }
0x30: {  	s28 =	simm.s32 $0x0;
	s31 =	sshll.u32 s22, $0x7;
	s24 =	sshll.u32 s22, $0xC  }
0x31: {  	s23 =	sor.u32 $0x2000, s31;
	s25 =	simm.s32 $0x0;
	s26 =	simm.s32 $0x0  }
.LBB2_3:
0x32: {  	s29 =	sand.u32 $0xF00, s26  }
0x33: {  	s30 =	sand.u32 $0x60, s28;
	s29 =	sadd.s32 s29, s24  }
0x34: {  	s30 =	sadd.s32 s30, s29  }
0x35: {  	v1 =	vld [tilespmem:s30+$0x0];
	_ =	sdelay $0x4  }
0x36: {  	vm0 =	vgt.s32 v1, $0x0  }
0x37: {  	v1 =	vadd.s32 $0xFFFFFFFF, v1;
	_ =	sdelay $0x2  }
0x38: {  	s31 =	sadd.s32 s28, s9;
	s30 =	sadd.s32 $0x10, s28  }
0x39: {  	v2 =	vor.u32 s31, v0;
	s30 =	sand.u32 $0x70, s30  }
0x3a: {  	s29 =	sadd.s32 s30, s29;
	[tilespmem:v1+s23+$0x0] =	vst.idx.msk vm0, v2  }
0x3b: {  	v1 =	vld [tilespmem:s29+$0x0];
	_ =	sdelay $0x4  }
0x3c: {  	vm15 =	vgt.s32 v1, $0x0  }
0x3d: {  	p0 =	sne.s32 s28, $0x7E0;
	v1 =	vadd.s32 $0xFFFFFFFF, v1  }
.Ltmp4:
0x3e: {  	_ = 	snop;
	(pc) =	sbr.rel @p0 .LBB2_3-.Ltmp4, $4  }
0x3f: {  	_ = 	snop  }
0x40: {  	s31 =	sadd.s32 $0x10, s31  }
0x41: {  	v2 =	vor.u32 s31, v0  }
0x42: {  	s26 =	sadd.s32 $0x40, s26;
	s28 =	sadd.s32 $0x20, s28;
	[tilespmem:v1+s23+$0x0] =	vst.idx.msk vm15, v2  }
0x43: {  	s26 =	simm.s32 $0x0  }
.LBB2_5:
0x44: {  	s28 =	sand.u32 $0xF00, s25  }
0x45: {  	s29 =	sand.u32 $0x60, s26;
	s28 =	sadd.s32 s28, s24  }
0x46: {  	s29 =	sadd.s32 s29, s28  }
0x47: {  	v1 =	vld [tilespmem:s29+$0x80];
	_ =	sdelay $0x4  }
0x48: {  	vm0 =	vgt.s32 v1, $0x0  }
0x49: {  	v1 =	vadd.s32 $0x27, v1;
	_ =	sdelay $0x2  }
0x4a: {  	s31 =	sadd.s32 $0x10, s26;
	s30 =	sadd.s32 s26, s9  }
0x4b: {  	v2 =	vor.u32 s30, v0;
	s29 =	sand.u32 $0x70, s31  }
0x4c: {  	s28 =	sadd.s32 s29, s28;
	[tilespmem:v1+s23+$0x0] =	vst.idx.msk vm0, v2  }
0x4d: {  	v1 =	vld [tilespmem:s28+$0x80];
	_ =	sdelay $0x4  }
0x4e: {  	vm15 =	vgt.s32 v1, $0x0  }
0x4f: {  	p0 =	sne.s32 s26, $0x7E0;
	v1 =	vadd.s32 $0x27, v1  }
.Ltmp5:
0x50: {  	_ = 	snop;
	(pc) =	sbr.rel @p0 .LBB2_5-.Ltmp5, $4  }
0x51: {  	_ = 	snop  }
0x52: {  	s31 =	sadd.s32 $0x10, s30  }
0x53: {  	v2 =	vor.u32 s31, v0  }
0x54: {  	s25 =	sadd.s32 $0x40, s25;
	s26 =	sadd.s32 $0x20, s26;
	[tilespmem:v1+s23+$0x0] =	vst.idx.msk vm15, v2  }
0x55: {  	p0 =	slt.u32 s21, $0x2  }
.Ltmp6:
0x56: {  	_ = 	snop;
	(pc) =	sbr.rel @!p0 .LBB2_7-.Ltmp6, $3  }
0x57: {  	_ = 	snop  }
0x58: {  	s22 =	smul.u32 $0xA000, s22;
	_ =	sdelay $0x1  }
0x59: {  	s22 =	sshrl.u32 s22, $0x2  }
0x5a: {  	p0 =	seq.s32 s21, $0x0  }
.Ltmp7:
0x5b: {  	_ = 	snop;
	(pc) =	sbr.rel @!p0 .LBB2_9-.Ltmp7, $4  }
.Ltmp8:
0x5c: {  	s23 =	sshll.u32 s21, $0x7;
	(pc) =	sbr.rel @p0 .LBB2_10-.Ltmp8, $4  }
0x5d: {  	s23 =	sand.u32 $0x3FFFFF80, s23  }
0x5e: {  	s22 =	sadd.s32 $0x2100, s22;
	s23 =	sadd.s32 $0x2000, s23  }
0x5f: {  	[tilespmem:s22], [sflag:$0x2] =	stream.indirect.gather [hbm4b:s5+s16], $0x80, s23, s16, $0xb8;
	[tilespmem:$0x7100] =	vst v63  }
0x60: {  	_ = 	snop  }
.LBB2_12:
0x61: {  	_ =	sfence.sel $0x180000  }
0x62: {  	[bflag:$0x0] =	sbarrier.arrive $0xFFFF  }
0x63: {  	p0 =	sne.s32 s1, $0x0;
	_ =	strace $0x9000004A  }
0x64: {  	s0 =	sadd.s32 @!p0 $0x100000, s0;
	[bflag:$0x2] =	sbarrier.arrive $0xFFFF  }
0x65: {  	[sflag:s0] =	ssyncadd.tile.s32 @!p0 $0x1;
	_ =	shalt  }
.Lfunc_end2:
_tile_overlayer_lowered:
.L_overlay_start_2:
0x66: {  	(tag) =	ssettag $0x2  }
0x67: {  	s0 =	rddreg [dreg:$0x0];
	s2 =	stileid.u32  }
0x68: {  	s1 =	rddreg [dreg:$0x1];
	p0 =	sne.s32 s2, $0x0  }
0x69: {  	s3 =	rddreg [dreg:$0x2];
	[bflag:$0x3] =	sbarrier.arrive $0xFFFF;
	s2 =	simm.s32 @!p0 $0x1C04  }
0x6a: {  	[timem:s3], [sflag:s2] =	dma.local @!p0 [hbm:s0], s1  }
0x6b: {  	s0 =	simm.s32 @!p0 $0x4  }
0x6c: {  	_ =	swait.ge @!p0 [sflag:s0], s1  }
0x6d: {  	s1 =	ssub.s32 @!p0 $0x0, s1;
	[sflag:s0] =	ssyncset.done @!p0 $0x0  }
0x6e: {  	[sflag:s0] =	ssyncadd.s32 @!p0 s1  }
0x6f: {  	[bflag:$0x3] =	sbarrier.arrive $0xFFFF  }
0x70: {  	_ =	shalt  }

// kernel: kernel.20.cloned.1.call-start
scs
__scs_entry_jumppad:
0x0: {  	(pc) =	sbr.rel $0x88, $3  }
0x1: {  	(tag) =	ssettag $0x0;
	lr =	simm.s32 $0x1  }
0x2: {  	[smem:$0x3F95] =	sst lr;
	_ =	strace $0xD0000000  }
0x3: {  	_ = 	snop  }
0x4: {  	_ = 	snop  }
0x5: {  	_ = 	snop  }
0x6: {  	_ = 	snop  }
0x7: {  	_ = 	snop  }
__scs_overlays_trampoline_lowered:
0x8: {  	[smem:$0x3FA4] =	sst s0  }
0x9: {  	[smem:$0x3FA5] =	sst s1  }
0xa: {  	[smem:$0x3FA6] =	sst s2  }
0xb: {  	[smem:$0x3FA7] =	sst s3  }
0xc: {  	[smem:$0x3FA8] =	sst s4  }
0xd: {  	[smem:$0x3FA9] =	sst s5  }
0xe: {  	[smem:$0x3FAA] =	sst s6  }
0xf: {  	[smem:$0x3FAB] =	sst s7  }
0x10: {  	[smem:$0x3FAC] =	sst s8  }
0x11: {  	[smem:$0x3FAD] =	sst s9;
	s0 =	simm.s32 @!p0 $0x0  }
0x12: {  	s1 =	sld [smem:$0x3F93];
	s0 =	simm.s32 @p0 $0x1  }
0x13: {  	[smem:$0x3FAE] =	sst s0;
	s0 =	simm.s32 @!p1 $0x0  }
0x14: {  	s2 =	sld [smem:$0x3F92];
	s0 =	simm.s32 @p1 $0x1  }
0x15: {  	[smem:$0x3FAF] =	sst s0;
	s0 =	simm.s32 @!p2 $0x0  }
0x16: {  	s3 =	sld [smem:$0x3FDB];
	s0 =	simm.s32 @p2 $0x1  }
0x17: {  	s4 =	simm.s32 $0x1BF5;
	[smem:$0x3FB1] =	sst s0  }
0x18: {  	s0 =	sld [smem:$0x3F94];
	_ =	swait.ge [sflag:s4], $0x0  }
0x19: {  	s7 =	sld [smem:$0x3F95]  }
0x1a: {  	s8 =	sadd.s32 $0xFFFFE003, lr  }
0x1b: {  	s9 =	sadd.s32 $0xFFFFFEF7, lr;
	s5 =	simm.s32 $0xFFFFFFFF;
	p2 =	slt.u32 s8, $0xFFFFF086  }
0x1c: {  	p1 =	slt.u32 s9, $0xF7A;
	s5 =	simm.s32 @!p2 $0x0  }
0x1d: {  	s5 =	simm.s32 @p1 $0x1;
	p0 =	seq.s32 s7, s2  }
0x1e: {  	s7 =	smul.u32 @!p0 $0xF7A, s2;
	p2 =	seq.s32 @!p0 s5, $0x0  }
0x1f: {  	s9 =	smul.u32 $0xF7A, s1;
	s8 =	simm.s32 @!p0 $0x1BF5;
	p2 =	por !p2, p0  }
0x20: {  	[sflag:s8] =	ssyncset.s32 @!p0 $0xFFFFF086;
	s6 =	sadd.s32 @!p0 s3, s7;
	s7 =	simm.s32 @!p0 $0x108  }
0x21: {  	s3 =	sadd.s32 s3, s9;
	s6 =	sadd.s32 @!p0 $0x88, s6;
	s7 =	simm.s32 @p2 $0x1082  }
0x22: {  	[simem:s7], [sflag:s8] =	dma.local @!p0 [hbm:s6], $0xF7A  }
0x23: {  	s9 =	sor.u32 $0xD0000000, s2;
	s6 =	simm.s32 $0x108;
	_ =	swait.ge @!p0 [sflag:s8], $0x0  }
0x24: {  	s3 =	sadd.s32 $0x88, s3;
	s6 =	simm.s32 @!p1 $0x1082;
	[sflag:s4] =	ssyncset.s32 $0xFFFFF086  }
0x25: {  	[simem:s6], [sflag:s4] =	dma.local [hbm:s3], $0xF7A  }
0x26: {  	[smem:$0x3F95] =	sst s1;
	(tag) =	ssettag s2;
	_ =	strace s9  }
0x27: {  	s1 =	sld [smem:$0x3FA5]  }
0x28: {  	s2 =	sld [smem:$0x3FA6]  }
0x29: {  	s4 =	sld [smem:$0x3FA8]  }
0x2a: {  	p0 =	seq.s32 s5, $0x0;
	s5 =	sld [smem:$0x3FA9]  }
0x2b: {  	s6 =	sld [smem:$0x3FAA]  }
0x2c: {  	s7 =	sld [smem:$0x3FAB]  }
0x2d: {  	s3 =	simm.s32 $0x108;
	s8 =	sld [smem:$0x3FAC]  }
0x2e: {  	s3 =	simm.s32 @!p0 $0x1082;
	s9 =	sld [smem:$0x3FAD]  }
0x2f: {  	lr =	sadd.s32 s0, s3;
	s0 =	sld [smem:$0x3FA4]  }
0x30: {  	s3 =	sld [smem:$0x3FA7]  }
0x31: {  	[smem:$0x3FB0] =	sst s10  }
0x32: {  	s10 =	sld [smem:$0x3FAE];
	_ =	sdelay $0x3  }
0x33: {  	p0 =	seq.s32 s10, $0x1;
	s10 =	sld [smem:$0x3FB0];
	_ =	sdelay $0x3  }
0x34: {  	[smem:$0x3FB0] =	sst s10  }
0x35: {  	s10 =	sld [smem:$0x3FAF];
	_ =	sdelay $0x3  }
0x36: {  	p1 =	seq.s32 s10, $0x1;
	s10 =	sld [smem:$0x3FB0];
	_ =	sdelay $0x3  }
0x37: {  	[smem:$0x3FB0] =	sst s10  }
0x38: {  	s10 =	sld [smem:$0x3FB1]  }
0x39: {  	_ = 	snop;
	(pc) =	sbr.ind lr, $3  }
0x3a: {  	_ = 	snop  }
0x3b: {  	_ = 	snop  }
0x3c: {  	p2 =	seq.s32 s10, $0x1;
	s10 =	sld [smem:$0x3FB0]  }
0x3d: {  	_ =	shalt  }
0x3e: {  	_ =	shalt  }
0x3f: {  	_ =	shalt  }
0x40: {  	_ =	shalt  }
0x41: {  	_ =	shalt  }
0x42: {  	_ =	shalt  }
0x43: {  	_ =	shalt  }
0x44: {  	_ =	shalt  }
0x45: {  	_ =	shalt  }
0x46: {  	_ =	shalt  }
0x47: {  	_ =	shalt  }
0x48: {  	_ =	shalt  }
0x49: {  	_ =	shalt  }
0x4a: {  	_ =	shalt  }
0x4b: {  	_ =	shalt  }
0x4c: {  	_ =	shalt  }
0x4d: {  	_ =	shalt  }
0x4e: {  	_ =	shalt  }
0x4f: {  	_ =	shalt  }
0x50: {  	_ =	shalt  }
0x51: {  	_ =	shalt  }
0x52: {  	_ =	shalt  }
0x53: {  	_ =	shalt  }
0x54: {  	_ =	shalt  }
0x55: {  	_ =	shalt  }
0x56: {  	_ =	shalt  }
0x57: {  	_ =	shalt  }
0x58: {  	_ =	shalt  }
0x59: {  	_ =	shalt  }
0x5a: {  	_ =	shalt  }
0x5b: {  	_ =	shalt  }
0x5c: {  	_ =	shalt  }
0x5d: {  	_ =	shalt  }
0x5e: {  	_ =	shalt  }
0x5f: {  	_ =	shalt  }
0x60: {  	_ =	shalt  }
0x61: {  	_ =	shalt  }
0x62: {  	_ =	shalt  }
0x63: {  	_ =	shalt  }
0x64: {  	_ =	shalt  }
0x65: {  	_ =	shalt  }
0x66: {  	_ =	shalt  }
0x67: {  	_ =	shalt  }
0x68: {  	_ =	shalt  }
0x69: {  	_ =	shalt  }
0x6a: {  	_ =	shalt  }
0x6b: {  	_ =	shalt  }
0x6c: {  	_ =	shalt  }
0x6d: {  	_ =	shalt  }
0x6e: {  	_ =	shalt  }
0x6f: {  	_ =	shalt  }
0x70: {  	_ =	shalt  }
0x71: {  	_ =	shalt  }
0x72: {  	_ =	shalt  }
0x73: {  	_ =	shalt  }
0x74: {  	_ =	shalt  }
0x75: {  	_ =	shalt  }
0x76: {  	_ =	shalt  }
0x77: {  	_ =	shalt  }
0x78: {  	_ =	shalt  }
0x79: {  	_ =	shalt  }
0x7a: {  	_ =	shalt  }
0x7b: {  	_ =	shalt  }
0x7c: {  	_ =	shalt  }
0x7d: {  	_ =	shalt  }
0x7e: {  	_ =	shalt  }
0x7f: {  	_ =	shalt  }
0x80: {  	_ =	shalt  }
0x81: {  	_ =	shalt  }
0x82: {  	_ =	shalt  }
0x83: {  	_ =	shalt  }
0x84: {  	_ =	shalt  }
0x85: {  	_ =	shalt  }
0x86: {  	_ =	shalt  }
0x87: {  	_ =	shalt  }
.Lfunc_end0:
.L_simem_size_0:
called_computation.2_lowered:
.L_overlay_start_0:
0x88: {  	s2 =	sld [smem:$0x3FD9]  }
0x89: {  	s3 =	sld [smem:$0x3FFE];
	_ =	sdelay $0x1  }
0x8a: {  	s1 =	srdreg.scid  }
0x8b: {  	s0 =	sand.u32 $0x1, s1  }
0x8c: {  	s16 =	sshll.u32 s0, $0xA;
	s2 =	sadd.s32 s3, s2  }
0x8d: {  	s2 =	sadd.s32 s2, s16  }
0x8e: {  	[smem:$0x3FBC] =	sst s2  }
0x8f: {  	_ = 	snop  }
0x90: {  	(tm) =	ssettm $0x1  }
0x91: {  	s17 =	sld [smem:$0x3FFB];
	_ =	sdelay $0x3  }
0x92: {  	_ =	strace s17  }
0x93: {  	s2 =	sld [smem:$0x3FFC];
	_ =	sdelay $0x3  }
0x94: {  	_ =	strace s2  }
0x95: {  	s2 =	sld [smem:$0x3FFD];
	_ =	sdelay $0x3  }
0x96: {  	_ =	strace s2  }
0x97: {  	_ =	strace $0x8FFFFFFF  }
0x98: {  	s18 =	sld [smem:$0x3FDB];
	_ =	sdelay $0x1  }
0x99: {  	s19 =	simm.s32 $_scs_section_size  }
0x9a: {  	s4 =	simm.s32 $_size__tile_overlayer_lowered;
	s5 =	simm.s32 $_tile_overlayer_lowered  }
0x9b: {  	s22 =	simm.s32 $0x1BFF;
	s21 =	sshll.u32 s5, $0x1;
	s2 =	sadd.s32 s19, s18  }
0x9c: {  	s6 =	simm.s32 $0x0;
	s20 =	sshll.u32 s4, $0x1;
	s4 =	sadd.s32 s21, s2  }
0x9d: {  	[timem:s6], [sflag:s22] =	dma.local [hbm:s4], s20  }
0x9e: {  	_ =	swait.ge [sflag:s22], s20  }
0x9f: {  	s3 =	ssub.s32 $0x0, s20;
	[sflag:s22] =	ssyncset.done $0x0  }
0xa0: {  	[sflag:s22] =	ssyncadd.s32 s3;
	_ =	sdelay $0x1  }
0xa1: {  	s23 =	simm.s32 $0x1B8B  }
0xa2: {  	_ =	swait.ge [sflag:s23], $0x1  }
0xa3: {  	[sflag:s23] =	ssyncset.done $0x0  }
0xa4: {  	s25 =	simm.s32 $0x1B8E;
	s24 =	sld [smem:$0x3FFE];
	[sflag:s23] =	ssyncadd.s32 $0xFFFFFFFF  }
0xa5: {  	s26 =	simm.s32 $execute0_lowered;
	[smem:$0x3FD2] =	sst s25  }
0xa6: {  	s4 =	sshll.u32 s26, $0x1;
	_ =	strace $0x8000004C;
	[dreg:$0x1] =	wrdreg $0xFFFFFFFF  }
0xa7: {  	s28 =	simm.s32 $_size_execute0_lowered;
	s2 =	sadd.s32 s2, s4;
	[dreg:$0x0] =	wrdreg $0x0  }
0xa8: {  	s4 =	sshll.u32 s28, $0x1;
	[dreg:$0x2] =	wrdreg s2  }
0xa9: {  	[dreg:$0x3] =	wrdreg s4  }
0xaa: {  	[dreg:$0x4] =	wrdreg $0xC0  }
0xab: {  	_ =	task [dreg:s6], $0x5FFFF  }
0xac: {  	[dreg:$0x1] =	wrdreg $0xFFFFFFFF  }
0xad: {  	[dreg:$0x0] =	wrdreg $0x60  }
0xae: {  	[dreg:$0x2] =	wrdreg s24  }
0xaf: {  	[dreg:$0x3] =	wrdreg $0x9  }
0xb0: {  	_ =	task.clear_ibuf [dreg:s6], $0x4FFFF;
	_ =	strace $0x9000004C  }
0xb1: {  	s29 =	simm.s32 $0x9;
	_ =	strace $0x8000004E  }
0xb2: {  	_ =	swait.ge [sflag:s29], $0x1  }
0xb3: {  	[sflag:s29] =	ssyncadd.s32 $0xFFFFFFFF  }
0xb4: {  	_ =	strace $0x9000004E  }
0xb5: {  	_ =	sfence  }
0xb6: {  	s30 =	sld [smem:$0x0];
	_ =	sdelay $0x2  }
0xb7: {  	s31 =	sshll.u32 s1, $0xD;
	s1 =	sshrl.u32 s1, $0x2  }
0xb8: {  	s3 =	sand.u32 $0x4000, s31;
	s1 =	sadd.s32 s1, s30  }
0xb9: {  	s0 =	sor.u32 s3, s0;
	s1 =	sshll.u32 s1, $0x11  }
0xba: {  	s0 =	sor.u32 s1, s0  }
0xbb: {  	s0 =	sadd.s32 $0x8F2B, s0  }
0xbc: {  	[sflag:s0] =	ssyncadd.remote.s32 $0x1  }
0xbd: {  	_ =	sfence.sel $0xFFFF  }
0xbe: {  	[dreg:$0x0] =	wrdreg $0xFFFFFFFF;
	(pc) =	sbr.abs _section_cstart, $3  }
0xbf: {  	[dreg:$0x1] =	wrdreg $0xFFFFFFFF  }
0xc0: {  	_ =	task.clear_ibuf [dreg:s6], $0x2FFFF;
	_ =	strace $0x9FFFFFFF  }
0xc1: {  	(tm) =	ssettm $0x7FFFFFFF  }
tec
execute0_lowered:
.L_overlay_start_1:
0x0: {  	(tag) =	ssettag $0x1  }
0x1: {  	s6 =	rddreg [dreg:$0x0];
	s2 =	srdreg.scid  }
0x2: {  	s0 =	rddreg [dreg:$0x1];
	s1 =	stileid.u32  }
0x3: {  	s12 =	simm.s32 $0x100;
	s13 =	simm.s32 $0x400;
	s14 =	simm.s32 $0x1  }
0x4: {  	s15 =	simm.s32 $0x3;
	s16 =	simm.s32 $0x50;
	s7 =	sand.u32 $0x1, s2  }
0x5: {  	s17 =	simm.s32 $0x2;
	s9 =	sshll.u32 s1, $0xA;
	s3 =	sshll.u32 s7, $0x9  }
0x6: {  	s18 =	simm.s32 $0x4900;
	s19 =	simm.s32 $0x0;
	s3 =	sor.u32 s3, s9  }
0x7: {  	s2 =	simm.s32 $0x0;
	s4 =	sadd.s32 $0xC3800, s6;
	s8 =	smul.u32 $0x1400, s3  }
.Ltmp0:
0x8: {  	s5 =	sadd.s32 $0x83800, s6;
	[smem:$0x7FF] =	sst s2;
	(pc) =	sbr.rel .LBB2_1-.Ltmp0, $4  }
0x9: {  	s6 =	sadd.s32 $0x4C3800, s6;
	s7 =	ssub.s32 $0x2, s7;
	_ =	strace $0x8000004D  }
0xa: {  	s10 =	sshrl.u32 s7, $0x1;
	s9 =	sand.u32 $0x3800, s9;
	s8 =	sshrl.u32 s8, $0x3  }
0xb: {  	s11 =	ssub.s32 s7, s10;
	s7 =	sshll.u32 s3, $0x8;
	s31 =	sadd.s32 s6, s8  }
0xc: {  	v0 =	vlaneseq.u32;
	s11 =	smax.u32 s11, $0x1;
	s8 =	sadd.s32 s4, s7;
	s10 =	sadd.s32 $0x4FB00, s31  }
.LBB2_11:
0xd: {  	_ =	swait.ge [sflag:s17], $0x2800  }
0xe: {  	[sflag:s17] =	ssyncset.done $0x0  }
0xf: {  	s19 =	sadd.s32 $0x1, s19;
	[sflag:s17] =	ssyncadd.s32 $0xFFFFD800  }
0x10: {  	[hbm4b:s10+s2] =	stream.linear.scatter [tilespmem:s18], [sflag:$0x3], $0x2800, $0x38;
	[tilespmem:$0x7100] =	vst v63  }
0x11: {  	p0 =	sne.s32 s19, s11;
	_ =	swait.ge [sflag:s15], $0x2800  }
.Ltmp1:
0x12: {  	[sflag:s15] =	ssyncset.done $0x0;
	(pc) =	sbr.rel @!p0 .LBB2_12-.Ltmp1, $4  }
0x13: {  	[sflag:s15] =	ssyncadd.s32 $0xFFFFD800  }
0x14: {  	_ =	swait.ge [sflag:s15], $0x2800  }
0x15: {  	[sflag:s15] =	ssyncset.done $0x0  }
0x16: {  	[sflag:s15] =	ssyncadd.s32 $0xFFFFD800  }
.LBB2_1:
.Ltmp2:
0x17: {  	(pc) =	sbr.rel .LBB2_2-.Ltmp2, $3  }
0x18: {  	_ =	sdelay $0x1  }
0x19: {  	[tilespmem:s2], [sflag:$0x1] =	stream.strided.gather [hbm4b:s8+s12], $0x1000, s13, s12, $0x38;
	[tilespmem:$0x7100] =	vst v63  }
0x1a: {  	s20 =	simm.s32 $0x0  }
.LBB2_7:
0x1b: {  	_ =	swait.ge [sflag:s15], $0x2800  }
0x1c: {  	[sflag:s15] =	ssyncset.done $0x0  }
0x1d: {  	s22 =	sadd.s32 $0x2100, s22;
	[sflag:s15] =	ssyncadd.s32 $0xFFFFD800  }
0x1e: {  	[tilespmem:s22], [sflag:$0x2] =	stream.indirect.gather [hbm4b:s5+s16], $0x80, s23, s16, $0xb8;
	[tilespmem:$0x7100] =	vst v63  }
.LBB2_9:
0x1f: {  	s21 =	sadd.s32 $0xFFFFFFFF, s21  }
0x20: {  	s22 =	sshll.u32 s21, $0x1  }
0x21: {  	s22 =	sadd.s32 s3, s22  }
0x22: {  	_ =	swait.ge [sflag:s17], $0x2800;
	s21 =	sand.u32 $0x1, s21;
	s22 =	smul.u32 $0x280, s22  }
0x23: {  	[sflag:s17] =	ssyncset.done $0x0;
	p0 =	seq.s32 s21, $0x1;
	s21 =	simm.s32 $0x4900  }
0x24: {  	[sflag:s17] =	ssyncadd.s32 $0xFFFFD800;
	s21 =	simm.s32 @!p0 $0x2100;
	s22 =	sadd.s32 s6, s22  }
0x25: {  	[hbm4b:s22+s2] =	stream.linear.scatter [tilespmem:s21], [sflag:$0x3], $0x2800, $0x38;
	[tilespmem:$0x7100] =	vst v63  }
.LBB2_10:
0x26: {  	p0 =	sne.s32 s20, $0x100  }
.Ltmp3:
0x27: {  	_ = 	snop;
	(pc) =	sbr.rel @!p0 .LBB2_11-.Ltmp3, $1  }
0x28: {  	_ =	sdelay $0x3  }
.LBB2_2:
0x29: {  	s21 =	smov.u32 s20;
	s22 =	sand.u32 $0x1, s20;
	_ =	swait.ge [sflag:s14], $0x1000  }
0x2a: {  	s20 =	sadd.s32 $0x1, s20;
	[sflag:s14] =	ssyncset.done $0x0;
	p0 =	seq.s32 s21, $0xFF  }
0x2b: {  	[sflag:s14] =	ssyncadd.s32 $0xFFFFF000;
	s23 =	sshll.u32 @!p0 s20, $0x9;
	s24 =	sshll.u32 @!p0 s20, $0x5  }
0x2c: {  	s25 =	sshll.u32 @!p0 s20, $0xC;
	s23 =	sadd.s32 @!p0 s7, s23;
	s24 =	sand.u32 @!p0 $0x60, s24  }
0x2d: {  	s26 =	simm.s32 @!p0 $0x400;
	s23 =	sand.u32 @!p0 $0x7FF800, s23;
	s24 =	sadd.s32 @!p0 s4, s24  }
0x2e: {  	s25 =	sand.u32 @!p0 $0x1000, s25;
	s23 =	sadd.s32 @!p0 s23, s24;
	s24 =	simm.s32 @!p0 $0x100  }
0x2f: {  	[tilespmem:s25], [sflag:$0x1] =	stream.strided.gather @!p0 [hbm4b:s23+s24], $0x1000, s26, s24, $0x38;
	[tilespmem:$0x7100] =	vst v63  }
0x30: {  	s28 =	simm.s32 $0x0;
	s31 =	sshll.u32 s22, $0x7;
	s24 =	sshll.u32 s22, $0xC  }
0x31: {  	s23 =	sor.u32 $0x2000, s31;
	s25 =	simm.s32 $0x0;
	s26 =	simm.s32 $0x0  }
.LBB2_3:
0x32: {  	s29 =	sand.u32 $0xF00, s26  }
0x33: {  	s30 =	sand.u32 $0x60, s28;
	s29 =	sadd.s32 s29, s24  }
0x34: {  	s30 =	sadd.s32 s30, s29  }
0x35: {  	v1 =	vld [tilespmem:s30+$0x0];
	_ =	sdelay $0x4  }
0x36: {  	vm0 =	vgt.s32 v1, $0x0  }
0x37: {  	v1 =	vadd.s32 $0xFFFFFFFF, v1;
	_ =	sdelay $0x2  }
0x38: {  	s31 =	sadd.s32 s28, s9;
	s30 =	sadd.s32 $0x10, s28  }
0x39: {  	v2 =	vor.u32 s31, v0;
	s30 =	sand.u32 $0x70, s30  }
0x3a: {  	s29 =	sadd.s32 s30, s29;
	[tilespmem:v1+s23+$0x0] =	vst.idx.msk vm0, v2  }
0x3b: {  	v1 =	vld [tilespmem:s29+$0x0];
	_ =	sdelay $0x4  }
0x3c: {  	vm15 =	vgt.s32 v1, $0x0  }
0x3d: {  	p0 =	sne.s32 s28, $0x7E0;
	v1 =	vadd.s32 $0xFFFFFFFF, v1  }
.Ltmp4:
0x3e: {  	_ = 	snop;
	(pc) =	sbr.rel @p0 .LBB2_3-.Ltmp4, $4  }
0x3f: {  	_ = 	snop  }
0x40: {  	s31 =	sadd.s32 $0x10, s31  }
0x41: {  	v2 =	vor.u32 s31, v0  }
0x42: {  	s26 =	sadd.s32 $0x40, s26;
	s28 =	sadd.s32 $0x20, s28;
	[tilespmem:v1+s23+$0x0] =	vst.idx.msk vm15, v2  }
0x43: {  	s26 =	simm.s32 $0x0  }
.LBB2_5:
0x44: {  	s28 =	sand.u32 $0xF00, s25  }
0x45: {  	s29 =	sand.u32 $0x60, s26;
	s28 =	sadd.s32 s28, s24  }
0x46: {  	s29 =	sadd.s32 s29, s28  }
0x47: {  	v1 =	vld [tilespmem:s29+$0x80];
	_ =	sdelay $0x4  }
0x48: {  	vm0 =	vgt.s32 v1, $0x0  }
0x49: {  	v1 =	vadd.s32 $0x27, v1;
	_ =	sdelay $0x2  }
0x4a: {  	s31 =	sadd.s32 $0x10, s26;
	s30 =	sadd.s32 s26, s9  }
0x4b: {  	v2 =	vor.u32 s30, v0;
	s29 =	sand.u32 $0x70, s31  }
0x4c: {  	s28 =	sadd.s32 s29, s28;
	[tilespmem:v1+s23+$0x0] =	vst.idx.msk vm0, v2  }
0x4d: {  	v1 =	vld [tilespmem:s28+$0x80];
	_ =	sdelay $0x4  }
0x4e: {  	vm15 =	vgt.s32 v1, $0x0  }
0x4f: {  	p0 =	sne.s32 s26, $0x7E0;
	v1 =	vadd.s32 $0x27, v1  }
.Ltmp5:
0x50: {  	_ = 	snop;
	(pc) =	sbr.rel @p0 .LBB2_5-.Ltmp5, $4  }
0x51: {  	_ = 	snop  }
0x52: {  	s31 =	sadd.s32 $0x10, s30  }
0x53: {  	v2 =	vor.u32 s31, v0  }
0x54: {  	s25 =	sadd.s32 $0x40, s25;
	s26 =	sadd.s32 $0x20, s26;
	[tilespmem:v1+s23+$0x0] =	vst.idx.msk vm15, v2  }
0x55: {  	p0 =	slt.u32 s21, $0x2  }
.Ltmp6:
0x56: {  	_ = 	snop;
	(pc) =	sbr.rel @!p0 .LBB2_7-.Ltmp6, $3  }
0x57: {  	_ = 	snop  }
0x58: {  	s22 =	smul.u32 $0xA000, s22;
	_ =	sdelay $0x1  }
0x59: {  	s22 =	sshrl.u32 s22, $0x2  }
0x5a: {  	p0 =	seq.s32 s21, $0x0  }
.Ltmp7:
0x5b: {  	_ = 	snop;
	(pc) =	sbr.rel @!p0 .LBB2_9-.Ltmp7, $4  }
.Ltmp8:
0x5c: {  	s23 =	sshll.u32 s21, $0x7;
	(pc) =	sbr.rel @p0 .LBB2_10-.Ltmp8, $4  }
0x5d: {  	s23 =	sand.u32 $0x3FFFFF80, s23  }
0x5e: {  	s22 =	sadd.s32 $0x2100, s22;
	s23 =	sadd.s32 $0x2000, s23  }
0x5f: {  	[tilespmem:s22], [sflag:$0x2] =	stream.indirect.gather [hbm4b:s5+s16], $0x80, s23, s16, $0xb8;
	[tilespmem:$0x7100] =	vst v63  }
0x60: {  	_ = 	snop  }
.LBB2_12:
0x61: {  	_ =	sfence.sel $0x180000  }
0x62: {  	[bflag:$0x0] =	sbarrier.arrive $0xFFFF  }
0x63: {  	p0 =	sne.s32 s1, $0x0;
	_ =	strace $0x9000004D  }
0x64: {  	s0 =	sadd.s32 @!p0 $0x100000, s0;
	[bflag:$0x2] =	sbarrier.arrive $0xFFFF  }
0x65: {  	[sflag:s0] =	ssyncadd.tile.s32 @!p0 $0x1;
	_ =	shalt  }
.Lfunc_end2:
_tile_overlayer_lowered:
.L_overlay_start_2:
0x66: {  	(tag) =	ssettag $0x2  }
0x67: {  	s0 =	rddreg [dreg:$0x0];
	s2 =	stileid.u32  }
0x68: {  	s1 =	rddreg [dreg:$0x1];
	p0 =	sne.s32 s2, $0x0  }
0x69: {  	s3 =	rddreg [dreg:$0x2];
	[bflag:$0x3] =	sbarrier.arrive $0xFFFF;
	s2 =	simm.s32 @!p0 $0x1C04  }
0x6a: {  	[timem:s3], [sflag:s2] =	dma.local @!p0 [hbm:s0], s1  }
0x6b: {  	s0 =	simm.s32 @!p0 $0x4  }
0x6c: {  	_ =	swait.ge @!p0 [sflag:s0], s1  }
0x6d: {  	s1 =	ssub.s32 @!p0 $0x0, s1;
	[sflag:s0] =	ssyncset.done @!p0 $0x0  }
0x6e: {  	[sflag:s0] =	ssyncadd.s32 @!p0 s1  }
0x6f: {  	[bflag:$0x3] =	sbarrier.arrive $0xFFFF  }
0x70: {  	_ =	shalt  }

// kernel: kernel.23.cloned.1.call-start
scs
__scs_entry_jumppad:
0x0: {  	(pc) =	sbr.rel $0x88, $3  }
0x1: {  	(tag) =	ssettag $0x0;
	lr =	simm.s32 $0x1  }
0x2: {  	[smem:$0x3F95] =	sst lr;
	_ =	strace $0xD0000000  }
0x3: {  	_ = 	snop  }
0x4: {  	_ = 	snop  }
0x5: {  	_ = 	snop  }
0x6: {  	_ = 	snop  }
0x7: {  	_ = 	snop  }
__scs_overlays_trampoline_lowered:
0x8: {  	[smem:$0x3FA4] =	sst s0  }
0x9: {  	[smem:$0x3FA5] =	sst s1  }
0xa: {  	[smem:$0x3FA6] =	sst s2  }
0xb: {  	[smem:$0x3FA7] =	sst s3  }
0xc: {  	[smem:$0x3FA8] =	sst s4  }
0xd: {  	[smem:$0x3FA9] =	sst s5  }
0xe: {  	[smem:$0x3FAA] =	sst s6  }
0xf: {  	[smem:$0x3FAB] =	sst s7  }
0x10: {  	[smem:$0x3FAC] =	sst s8  }
0x11: {  	[smem:$0x3FAD] =	sst s9;
	s0 =	simm.s32 @!p0 $0x0  }
0x12: {  	s1 =	sld [smem:$0x3F93];
	s0 =	simm.s32 @p0 $0x1  }
0x13: {  	[smem:$0x3FAE] =	sst s0;
	s0 =	simm.s32 @!p1 $0x0  }
0x14: {  	s2 =	sld [smem:$0x3F92];
	s0 =	simm.s32 @p1 $0x1  }
0x15: {  	[smem:$0x3FAF] =	sst s0;
	s0 =	simm.s32 @!p2 $0x0  }
0x16: {  	s3 =	sld [smem:$0x3FDB];
	s0 =	simm.s32 @p2 $0x1  }
0x17: {  	s4 =	simm.s32 $0x1BF5;
	[smem:$0x3FB1] =	sst s0  }
0x18: {  	s0 =	sld [smem:$0x3F94];
	_ =	swait.ge [sflag:s4], $0x0  }
0x19: {  	s7 =	sld [smem:$0x3F95]  }
0x1a: {  	s8 =	sadd.s32 $0xFFFFE003, lr  }
0x1b: {  	s9 =	sadd.s32 $0xFFFFFEF7, lr;
	s5 =	simm.s32 $0xFFFFFFFF;
	p2 =	slt.u32 s8, $0xFFFFF086  }
0x1c: {  	p1 =	slt.u32 s9, $0xF7A;
	s5 =	simm.s32 @!p2 $0x0  }
0x1d: {  	s5 =	simm.s32 @p1 $0x1;
	p0 =	seq.s32 s7, s2  }
0x1e: {  	s7 =	smul.u32 @!p0 $0xF7A, s2;
	p2 =	seq.s32 @!p0 s5, $0x0  }
0x1f: {  	s9 =	smul.u32 $0xF7A, s1;
	s8 =	simm.s32 @!p0 $0x1BF5;
	p2 =	por !p2, p0  }
0x20: {  	[sflag:s8] =	ssyncset.s32 @!p0 $0xFFFFF086;
	s6 =	sadd.s32 @!p0 s3, s7;
	s7 =	simm.s32 @!p0 $0x108  }
0x21: {  	s3 =	sadd.s32 s3, s9;
	s6 =	sadd.s32 @!p0 $0x88, s6;
	s7 =	simm.s32 @p2 $0x1082  }
0x22: {  	[simem:s7], [sflag:s8] =	dma.local @!p0 [hbm:s6], $0xF7A  }
0x23: {  	s9 =	sor.u32 $0xD0000000, s2;
	s6 =	simm.s32 $0x108;
	_ =	swait.ge @!p0 [sflag:s8], $0x0  }
0x24: {  	s3 =	sadd.s32 $0x88, s3;
	s6 =	simm.s32 @!p1 $0x1082;
	[sflag:s4] =	ssyncset.s32 $0xFFFFF086  }
0x25: {  	[simem:s6], [sflag:s4] =	dma.local [hbm:s3], $0xF7A  }
0x26: {  	[smem:$0x3F95] =	sst s1;
	(tag) =	ssettag s2;
	_ =	strace s9  }
0x27: {  	s1 =	sld [smem:$0x3FA5]  }
0x28: {  	s2 =	sld [smem:$0x3FA6]  }
0x29: {  	s4 =	sld [smem:$0x3FA8]  }
0x2a: {  	p0 =	seq.s32 s5, $0x0;
	s5 =	sld [smem:$0x3FA9]  }
0x2b: {  	s6 =	sld [smem:$0x3FAA]  }
0x2c: {  	s7 =	sld [smem:$0x3FAB]  }
0x2d: {  	s3 =	simm.s32 $0x108;
	s8 =	sld [smem:$0x3FAC]  }
0x2e: {  	s3 =	simm.s32 @!p0 $0x1082;
	s9 =	sld [smem:$0x3FAD]  }
0x2f: {  	lr =	sadd.s32 s0, s3;
	s0 =	sld [smem:$0x3FA4]  }
0x30: {  	s3 =	sld [smem:$0x3FA7]  }
0x31: {  	[smem:$0x3FB0] =	sst s10  }
0x32: {  	s10 =	sld [smem:$0x3FAE];
	_ =	sdelay $0x3  }
0x33: {  	p0 =	seq.s32 s10, $0x1;
	s10 =	sld [smem:$0x3FB0];
	_ =	sdelay $0x3  }
0x34: {  	[smem:$0x3FB0] =	sst s10  }
0x35: {  	s10 =	sld [smem:$0x3FAF];
	_ =	sdelay $0x3  }
0x36: {  	p1 =	seq.s32 s10, $0x1;
	s10 =	sld [smem:$0x3FB0];
	_ =	sdelay $0x3  }
0x37: {  	[smem:$0x3FB0] =	sst s10  }
0x38: {  	s10 =	sld [smem:$0x3FB1]  }
0x39: {  	_ = 	snop;
	(pc) =	sbr.ind lr, $3  }
0x3a: {  	_ = 	snop  }
0x3b: {  	_ = 	snop  }
0x3c: {  	p2 =	seq.s32 s10, $0x1;
	s10 =	sld [smem:$0x3FB0]  }
0x3d: {  	_ =	shalt  }
0x3e: {  	_ =	shalt  }
0x3f: {  	_ =	shalt  }
0x40: {  	_ =	shalt  }
0x41: {  	_ =	shalt  }
0x42: {  	_ =	shalt  }
0x43: {  	_ =	shalt  }
0x44: {  	_ =	shalt  }
0x45: {  	_ =	shalt  }
0x46: {  	_ =	shalt  }
0x47: {  	_ =	shalt  }
0x48: {  	_ =	shalt  }
0x49: {  	_ =	shalt  }
0x4a: {  	_ =	shalt  }
0x4b: {  	_ =	shalt  }
0x4c: {  	_ =	shalt  }
0x4d: {  	_ =	shalt  }
0x4e: {  	_ =	shalt  }
0x4f: {  	_ =	shalt  }
0x50: {  	_ =	shalt  }
0x51: {  	_ =	shalt  }
0x52: {  	_ =	shalt  }
0x53: {  	_ =	shalt  }
0x54: {  	_ =	shalt  }
0x55: {  	_ =	shalt  }
0x56: {  	_ =	shalt  }
0x57: {  	_ =	shalt  }
0x58: {  	_ =	shalt  }
0x59: {  	_ =	shalt  }
0x5a: {  	_ =	shalt  }
0x5b: {  	_ =	shalt  }
0x5c: {  	_ =	shalt  }
0x5d: {  	_ =	shalt  }
0x5e: {  	_ =	shalt  }
0x5f: {  	_ =	shalt  }
0x60: {  	_ =	shalt  }
0x61: {  	_ =	shalt  }
0x62: {  	_ =	shalt  }
0x63: {  	_ =	shalt  }
0x64: {  	_ =	shalt  }
0x65: {  	_ =	shalt  }
0x66: {  	_ =	shalt  }
0x67: {  	_ =	shalt  }
0x68: {  	_ =	shalt  }
0x69: {  	_ =	shalt  }
0x6a: {  	_ =	shalt  }
0x6b: {  	_ =	shalt  }
0x6c: {  	_ =	shalt  }
0x6d: {  	_ =	shalt  }
0x6e: {  	_ =	shalt  }
0x6f: {  	_ =	shalt  }
0x70: {  	_ =	shalt  }
0x71: {  	_ =	shalt  }
0x72: {  	_ =	shalt  }
0x73: {  	_ =	shalt  }
0x74: {  	_ =	shalt  }
0x75: {  	_ =	shalt  }
0x76: {  	_ =	shalt  }
0x77: {  	_ =	shalt  }
0x78: {  	_ =	shalt  }
0x79: {  	_ =	shalt  }
0x7a: {  	_ =	shalt  }
0x7b: {  	_ =	shalt  }
0x7c: {  	_ =	shalt  }
0x7d: {  	_ =	shalt  }
0x7e: {  	_ =	shalt  }
0x7f: {  	_ =	shalt  }
0x80: {  	_ =	shalt  }
0x81: {  	_ =	shalt  }
0x82: {  	_ =	shalt  }
0x83: {  	_ =	shalt  }
0x84: {  	_ =	shalt  }
0x85: {  	_ =	shalt  }
0x86: {  	_ =	shalt  }
0x87: {  	_ =	shalt  }
.Lfunc_end0:
.L_simem_size_0:
called_computation.3_lowered:
.L_overlay_start_0:
0x88: {  	s2 =	sld [smem:$0x3FD9]  }
0x89: {  	s3 =	sld [smem:$0x3FFE];
	_ =	sdelay $0x1  }
0x8a: {  	s1 =	srdreg.scid  }
0x8b: {  	s0 =	sand.u32 $0x1, s1  }
0x8c: {  	s16 =	sshll.u32 s0, $0xA;
	s2 =	sadd.s32 s3, s2  }
0x8d: {  	s2 =	sadd.s32 s2, s16  }
0x8e: {  	[smem:$0x3FBC] =	sst s2  }
0x8f: {  	_ = 	snop  }
0x90: {  	(tm) =	ssettm $0x1  }
0x91: {  	s17 =	sld [smem:$0x3FFB];
	_ =	sdelay $0x3  }
0x92: {  	_ =	strace s17  }
0x93: {  	s2 =	sld [smem:$0x3FFC];
	_ =	sdelay $0x3  }
0x94: {  	_ =	strace s2  }
0x95: {  	s2 =	sld [smem:$0x3FFD];
	_ =	sdelay $0x3  }
0x96: {  	_ =	strace s2  }
0x97: {  	_ =	strace $0x8FFFFFFF  }
0x98: {  	s18 =	sld [smem:$0x3FDB];
	_ =	sdelay $0x1  }
0x99: {  	s19 =	simm.s32 $_scs_section_size  }
0x9a: {  	s4 =	simm.s32 $_size__tile_overlayer_lowered;
	s5 =	simm.s32 $_tile_overlayer_lowered  }
0x9b: {  	s22 =	simm.s32 $0x1BFF;
	s21 =	sshll.u32 s5, $0x1;
	s2 =	sadd.s32 s19, s18  }
0x9c: {  	s6 =	simm.s32 $0x0;
	s20 =	sshll.u32 s4, $0x1;
	s4 =	sadd.s32 s21, s2  }
0x9d: {  	[timem:s6], [sflag:s22] =	dma.local [hbm:s4], s20  }
0x9e: {  	_ =	swait.ge [sflag:s22], s20  }
0x9f: {  	s3 =	ssub.s32 $0x0, s20;
	[sflag:s22] =	ssyncset.done $0x0  }
0xa0: {  	[sflag:s22] =	ssyncadd.s32 s3;
	_ =	sdelay $0x1  }
0xa1: {  	s23 =	simm.s32 $0x1B8B  }
0xa2: {  	_ =	swait.ge [sflag:s23], $0x1  }
0xa3: {  	[sflag:s23] =	ssyncset.done $0x0  }
0xa4: {  	s25 =	simm.s32 $0x1B8E;
	s24 =	sld [smem:$0x3FFE];
	[sflag:s23] =	ssyncadd.s32 $0xFFFFFFFF  }
0xa5: {  	s26 =	simm.s32 $execute0_lowered;
	[smem:$0x3FD2] =	sst s25  }
0xa6: {  	s4 =	sshll.u32 s26, $0x1;
	_ =	strace $0x8000004F;
	[dreg:$0x1] =	wrdreg $0xFFFFFFFF  }
0xa7: {  	s28 =	simm.s32 $_size_execute0_lowered;
	s2 =	sadd.s32 s2, s4;
	[dreg:$0x0] =	wrdreg $0x0  }
0xa8: {  	s4 =	sshll.u32 s28, $0x1;
	[dreg:$0x2] =	wrdreg s2  }
0xa9: {  	[dreg:$0x3] =	wrdreg s4  }
0xaa: {  	[dreg:$0x4] =	wrdreg $0xC0  }
0xab: {  	_ =	task [dreg:s6], $0x5FFFF  }
0xac: {  	[dreg:$0x1] =	wrdreg $0xFFFFFFFF  }
0xad: {  	[dreg:$0x0] =	wrdreg $0x60  }
0xae: {  	[dreg:$0x2] =	wrdreg s24  }
0xaf: {  	[dreg:$0x3] =	wrdreg $0x9  }
0xb0: {  	_ =	task.clear_ibuf [dreg:s6], $0x4FFFF;
	_ =	strace $0x9000004F  }
0xb1: {  	s29 =	simm.s32 $0x9;
	_ =	strace $0x80000051  }
0xb2: {  	_ =	swait.ge [sflag:s29], $0x1  }
0xb3: {  	[sflag:s29] =	ssyncadd.s32 $0xFFFFFFFF  }
0xb4: {  	_ =	strace $0x90000051  }
0xb5: {  	_ =	sfence  }
0xb6: {  	s30 =	sld [smem:$0x0];
	_ =	sdelay $0x2  }
0xb7: {  	s31 =	sshll.u32 s1, $0xD;
	s1 =	sshrl.u32 s1, $0x2  }
0xb8: {  	s3 =	sand.u32 $0x4000, s31;
	s1 =	sadd.s32 s1, s30  }
0xb9: {  	s0 =	sor.u32 s3, s0;
	s1 =	sshll.u32 s1, $0x11  }
0xba: {  	s0 =	sor.u32 s1, s0  }
0xbb: {  	s0 =	sadd.s32 $0x8F2B, s0  }
0xbc: {  	[sflag:s0] =	ssyncadd.remote.s32 $0x1  }
0xbd: {  	_ =	sfence.sel $0xFFFF  }
0xbe: {  	[dreg:$0x0] =	wrdreg $0xFFFFFFFF;
	(pc) =	sbr.abs _section_cstart, $3  }
0xbf: {  	[dreg:$0x1] =	wrdreg $0xFFFFFFFF  }
0xc0: {  	_ =	task.clear_ibuf [dreg:s6], $0x2FFFF;
	_ =	strace $0x9FFFFFFF  }
0xc1: {  	(tm) =	ssettm $0x7FFFFFFF  }
tec
execute0_lowered:
.L_overlay_start_1:
0x0: {  	(tag) =	ssettag $0x1  }
0x1: {  	s6 =	rddreg [dreg:$0x0];
	s2 =	srdreg.scid  }
0x2: {  	s0 =	rddreg [dreg:$0x1];
	s1 =	stileid.u32  }
0x3: {  	s12 =	simm.s32 $0x100;
	s13 =	simm.s32 $0x400;
	s14 =	simm.s32 $0x1  }
0x4: {  	s15 =	simm.s32 $0x3;
	s16 =	simm.s32 $0x50;
	s7 =	sand.u32 $0x1, s2  }
0x5: {  	s17 =	simm.s32 $0x2;
	s9 =	sshll.u32 s1, $0xA;
	s3 =	sshll.u32 s7, $0x9  }
0x6: {  	s18 =	simm.s32 $0x4900;
	s19 =	simm.s32 $0x0;
	s3 =	sor.u32 s3, s9  }
0x7: {  	s2 =	simm.s32 $0x0;
	s4 =	sadd.s32 $0xC3800, s6;
	s8 =	smul.u32 $0x1400, s3  }
.Ltmp0:
0x8: {  	s5 =	sadd.s32 $0x83800, s6;
	[smem:$0x7FF] =	sst s2;
	(pc) =	sbr.rel .LBB2_1-.Ltmp0, $4  }
0x9: {  	s6 =	sadd.s32 $0x4C3800, s6;
	s7 =	ssub.s32 $0x2, s7;
	_ =	strace $0x80000050  }
0xa: {  	s10 =	sshrl.u32 s7, $0x1;
	s9 =	sand.u32 $0x3800, s9;
	s8 =	sshrl.u32 s8, $0x3  }
0xb: {  	s11 =	ssub.s32 s7, s10;
	s7 =	sshll.u32 s3, $0x8;
	s31 =	sadd.s32 s6, s8  }
0xc: {  	v0 =	vlaneseq.u32;
	s11 =	smax.u32 s11, $0x1;
	s8 =	sadd.s32 s4, s7;
	s10 =	sadd.s32 $0x4FB00, s31  }
.LBB2_11:
0xd: {  	_ =	swait.ge [sflag:s17], $0x2800  }
0xe: {  	[sflag:s17] =	ssyncset.done $0x0  }
0xf: {  	s19 =	sadd.s32 $0x1, s19;
	[sflag:s17] =	ssyncadd.s32 $0xFFFFD800  }
0x10: {  	[hbm4b:s10+s2] =	stream.linear.scatter [tilespmem:s18], [sflag:$0x3], $0x2800, $0x38;
	[tilespmem:$0x7100] =	vst v63  }
0x11: {  	p0 =	sne.s32 s19, s11;
	_ =	swait.ge [sflag:s15], $0x2800  }
.Ltmp1:
0x12: {  	[sflag:s15] =	ssyncset.done $0x0;
	(pc) =	sbr.rel @!p0 .LBB2_12-.Ltmp1, $4  }
0x13: {  	[sflag:s15] =	ssyncadd.s32 $0xFFFFD800  }
0x14: {  	_ =	swait.ge [sflag:s15], $0x2800  }
0x15: {  	[sflag:s15] =	ssyncset.done $0x0  }
0x16: {  	[sflag:s15] =	ssyncadd.s32 $0xFFFFD800  }
.LBB2_1:
.Ltmp2:
0x17: {  	(pc) =	sbr.rel .LBB2_2-.Ltmp2, $3  }
0x18: {  	_ =	sdelay $0x1  }
0x19: {  	[tilespmem:s2], [sflag:$0x1] =	stream.strided.gather [hbm4b:s8+s12], $0x1000, s13, s12, $0x38;
	[tilespmem:$0x7100] =	vst v63  }
0x1a: {  	s20 =	simm.s32 $0x0  }
.LBB2_7:
0x1b: {  	_ =	swait.ge [sflag:s15], $0x2800  }
0x1c: {  	[sflag:s15] =	ssyncset.done $0x0  }
0x1d: {  	s22 =	sadd.s32 $0x2100, s22;
	[sflag:s15] =	ssyncadd.s32 $0xFFFFD800  }
0x1e: {  	[tilespmem:s22], [sflag:$0x2] =	stream.indirect.gather [hbm4b:s5+s16], $0x80, s23, s16, $0xb8;
	[tilespmem:$0x7100] =	vst v63  }
.LBB2_9:
0x1f: {  	s21 =	sadd.s32 $0xFFFFFFFF, s21  }
0x20: {  	s22 =	sshll.u32 s21, $0x1  }
0x21: {  	s22 =	sadd.s32 s3, s22  }
0x22: {  	_ =	swait.ge [sflag:s17], $0x2800;
	s21 =	sand.u32 $0x1, s21;
	s22 =	smul.u32 $0x280, s22  }
0x23: {  	[sflag:s17] =	ssyncset.done $0x0;
	p0 =	seq.s32 s21, $0x1;
	s21 =	simm.s32 $0x4900  }
0x24: {  	[sflag:s17] =	ssyncadd.s32 $0xFFFFD800;
	s21 =	simm.s32 @!p0 $0x2100;
	s22 =	sadd.s32 s6, s22  }
0x25: {  	[hbm4b:s22+s2] =	stream.linear.scatter [tilespmem:s21], [sflag:$0x3], $0x2800, $0x38;
	[tilespmem:$0x7100] =	vst v63  }
.LBB2_10:
0x26: {  	p0 =	sne.s32 s20, $0x100  }
.Ltmp3:
0x27: {  	_ = 	snop;
	(pc) =	sbr.rel @!p0 .LBB2_11-.Ltmp3, $1  }
0x28: {  	_ =	sdelay $0x3  }
.LBB2_2:
0x29: {  	s21 =	smov.u32 s20;
	s22 =	sand.u32 $0x1, s20;
	_ =	swait.ge [sflag:s14], $0x1000  }
0x2a: {  	s20 =	sadd.s32 $0x1, s20;
	[sflag:s14] =	ssyncset.done $0x0;
	p0 =	seq.s32 s21, $0xFF  }
0x2b: {  	[sflag:s14] =	ssyncadd.s32 $0xFFFFF000;
	s23 =	sshll.u32 @!p0 s20, $0x9;
	s24 =	sshll.u32 @!p0 s20, $0x5  }
0x2c: {  	s25 =	sshll.u32 @!p0 s20, $0xC;
	s23 =	sadd.s32 @!p0 s7, s23;
	s24 =	sand.u32 @!p0 $0x60, s24  }
0x2d: {  	s26 =	simm.s32 @!p0 $0x400;
	s23 =	sand.u32 @!p0 $0x7FF800, s23;
	s24 =	sadd.s32 @!p0 s4, s24  }
0x2e: {  	s25 =	sand.u32 @!p0 $0x1000, s25;
	s23 =	sadd.s32 @!p0 s23, s24;
	s24 =	simm.s32 @!p0 $0x100  }
0x2f: {  	[tilespmem:s25], [sflag:$0x1] =	stream.strided.gather @!p0 [hbm4b:s23+s24], $0x1000, s26, s24, $0x38;
	[tilespmem:$0x7100] =	vst v63  }
0x30: {  	s28 =	simm.s32 $0x0;
	s31 =	sshll.u32 s22, $0x7;
	s24 =	sshll.u32 s22, $0xC  }
0x31: {  	s23 =	sor.u32 $0x2000, s31;
	s25 =	simm.s32 $0x0;
	s26 =	simm.s32 $0x0  }
.LBB2_3:
0x32: {  	s29 =	sand.u32 $0xF00, s26  }
0x33: {  	s30 =	sand.u32 $0x60, s28;
	s29 =	sadd.s32 s29, s24  }
0x34: {  	s30 =	sadd.s32 s30, s29  }
0x35: {  	v1 =	vld [tilespmem:s30+$0x0];
	_ =	sdelay $0x4  }
0x36: {  	vm0 =	vgt.s32 v1, $0x0  }
0x37: {  	v1 =	vadd.s32 $0xFFFFFFFF, v1;
	_ =	sdelay $0x2  }
0x38: {  	s31 =	sadd.s32 s28, s9;
	s30 =	sadd.s32 $0x10, s28  }
0x39: {  	v2 =	vor.u32 s31, v0;
	s30 =	sand.u32 $0x70, s30  }
0x3a: {  	s29 =	sadd.s32 s30, s29;
	[tilespmem:v1+s23+$0x0] =	vst.idx.msk vm0, v2  }
0x3b: {  	v1 =	vld [tilespmem:s29+$0x0];
	_ =	sdelay $0x4  }
0x3c: {  	vm15 =	vgt.s32 v1, $0x0  }
0x3d: {  	p0 =	sne.s32 s28, $0x7E0;
	v1 =	vadd.s32 $0xFFFFFFFF, v1  }
.Ltmp4:
0x3e: {  	_ = 	snop;
	(pc) =	sbr.rel @p0 .LBB2_3-.Ltmp4, $4  }
0x3f: {  	_ = 	snop  }
0x40: {  	s31 =	sadd.s32 $0x10, s31  }
0x41: {  	v2 =	vor.u32 s31, v0  }
0x42: {  	s26 =	sadd.s32 $0x40, s26;
	s28 =	sadd.s32 $0x20, s28;
	[tilespmem:v1+s23+$0x0] =	vst.idx.msk vm15, v2  }
0x43: {  	s26 =	simm.s32 $0x0  }
.LBB2_5:
0x44: {  	s28 =	sand.u32 $0xF00, s25  }
0x45: {  	s29 =	sand.u32 $0x60, s26;
	s28 =	sadd.s32 s28, s24  }
0x46: {  	s29 =	sadd.s32 s29, s28  }
0x47: {  	v1 =	vld [tilespmem:s29+$0x80];
	_ =	sdelay $0x4  }
0x48: {  	vm0 =	vgt.s32 v1, $0x0  }
0x49: {  	v1 =	vadd.s32 $0x27, v1;
	_ =	sdelay $0x2  }
0x4a: {  	s31 =	sadd.s32 $0x10, s26;
	s30 =	sadd.s32 s26, s9  }
0x4b: {  	v2 =	vor.u32 s30, v0;
	s29 =	sand.u32 $0x70, s31  }
0x4c: {  	s28 =	sadd.s32 s29, s28;
	[tilespmem:v1+s23+$0x0] =	vst.idx.msk vm0, v2  }
0x4d: {  	v1 =	vld [tilespmem:s28+$0x80];
	_ =	sdelay $0x4  }
0x4e: {  	vm15 =	vgt.s32 v1, $0x0  }
0x4f: {  	p0 =	sne.s32 s26, $0x7E0;
	v1 =	vadd.s32 $0x27, v1  }
.Ltmp5:
0x50: {  	_ = 	snop;
	(pc) =	sbr.rel @p0 .LBB2_5-.Ltmp5, $4  }
0x51: {  	_ = 	snop  }
0x52: {  	s31 =	sadd.s32 $0x10, s30  }
0x53: {  	v2 =	vor.u32 s31, v0  }
0x54: {  	s25 =	sadd.s32 $0x40, s25;
	s26 =	sadd.s32 $0x20, s26;
	[tilespmem:v1+s23+$0x0] =	vst.idx.msk vm15, v2  }
0x55: {  	p0 =	slt.u32 s21, $0x2  }
.Ltmp6:
0x56: {  	_ = 	snop;
	(pc) =	sbr.rel @!p0 .LBB2_7-.Ltmp6, $3  }
0x57: {  	_ = 	snop  }
0x58: {  	s22 =	smul.u32 $0xA000, s22;
	_ =	sdelay $0x1  }
0x59: {  	s22 =	sshrl.u32 s22, $0x2  }
0x5a: {  	p0 =	seq.s32 s21, $0x0  }
.Ltmp7:
0x5b: {  	_ = 	snop;
	(pc) =	sbr.rel @!p0 .LBB2_9-.Ltmp7, $4  }
.Ltmp8:
0x5c: {  	s23 =	sshll.u32 s21, $0x7;
	(pc) =	sbr.rel @p0 .LBB2_10-.Ltmp8, $4  }
0x5d: {  	s23 =	sand.u32 $0x3FFFFF80, s23  }
0x5e: {  	s22 =	sadd.s32 $0x2100, s22;
	s23 =	sadd.s32 $0x2000, s23  }
0x5f: {  	[tilespmem:s22], [sflag:$0x2] =	stream.indirect.gather [hbm4b:s5+s16], $0x80, s23, s16, $0xb8;
	[tilespmem:$0x7100] =	vst v63  }
0x60: {  	_ = 	snop  }
.LBB2_12:
0x61: {  	_ =	sfence.sel $0x180000  }
0x62: {  	[bflag:$0x0] =	sbarrier.arrive $0xFFFF  }
0x63: {  	p0 =	sne.s32 s1, $0x0;
	_ =	strace $0x90000050  }
0x64: {  	s0 =	sadd.s32 @!p0 $0x100000, s0;
	[bflag:$0x2] =	sbarrier.arrive $0xFFFF  }
0x65: {  	[sflag:s0] =	ssyncadd.tile.s32 @!p0 $0x1;
	_ =	shalt  }
.Lfunc_end2:
_tile_overlayer_lowered:
.L_overlay_start_2:
0x66: {  	(tag) =	ssettag $0x2  }
0x67: {  	s0 =	rddreg [dreg:$0x0];
	s2 =	stileid.u32  }
0x68: {  	s1 =	rddreg [dreg:$0x1];
	p0 =	sne.s32 s2, $0x0  }
0x69: {  	s3 =	rddreg [dreg:$0x2];
	[bflag:$0x3] =	sbarrier.arrive $0xFFFF;
	s2 =	simm.s32 @!p0 $0x1C04  }
0x6a: {  	[timem:s3], [sflag:s2] =	dma.local @!p0 [hbm:s0], s1  }
0x6b: {  	s0 =	simm.s32 @!p0 $0x4  }
0x6c: {  	_ =	swait.ge @!p0 [sflag:s0], s1  }
0x6d: {  	s1 =	ssub.s32 @!p0 $0x0, s1;
	[sflag:s0] =	ssyncset.done @!p0 $0x0  }
0x6e: {  	[sflag:s0] =	ssyncadd.s32 @!p0 s1  }
0x6f: {  	[bflag:$0x3] =	sbarrier.arrive $0xFFFF  }
0x70: {  	_ =	shalt  }

</sc_bundles>
